<compile_context>
chip_gen: v7x
topology: tpu7x:2x2x1
jax: 0.10.2.dev20260603
libtpu: 0.0.44.dev20260713+nightly
codegen_flags: <defaults>
</compile_context>

<pallas_src>
import functools

import jax
import jax.numpy as jnp
from jax import lax
from jax.experimental import pallas as pl
from jax.experimental.pallas import tpu as pltpu
from jax.experimental.pallas import tpu_sc as plsc

D = 128
B = 16384
NC = 2
NS = 16
NW = NC * NS
BPW = B // NW
CH = 64
NCHUNK = BPW // CH
NSL = D // 16
NR = 1000

_GATHER_DNUMS = lax.GatherDimensionNumbers(
    offset_dims=(), collapsed_slice_dims=(0,), start_index_map=(0,))


def _lane_permute(v, idx):
    return lax.gather(v, idx[:, None], _GATHER_DNUMS, slice_sizes=(1,),
                      mode=lax.GatherScatterMode.PROMISE_IN_BOUNDS)


@functools.partial(
    pl.kernel,
    out_type=jax.ShapeDtypeStruct((B,), jnp.float32),
    mesh=plsc.VectorSubcoreMesh(core_axis_name="c", subcore_axis_name="s"),
    scratch_types=[
        pltpu.VMEM((BPW,), jnp.int32),
        pltpu.VMEM((NCHUNK, CH), jnp.int32),
        pltpu.VMEM((BPW,), jnp.int32),
        pltpu.VMEM((2, CH, D), jnp.float32),
        pltpu.VMEM((2, CH, D), jnp.float32),
        pltpu.VMEM((2, CH, D), jnp.float32),
        pltpu.VMEM((2, CH, D), jnp.float32),
        pltpu.VMEM((2, CH, D), jnp.float32),
        pltpu.VMEM((2, CH, D), jnp.float32),
        pltpu.VMEM((BPW,), jnp.float32),
        pltpu.VMEM_SHARED((NR, D), jnp.float32),
        pltpu.VMEM_SHARED((NR, D), jnp.float32),
        pltpu.SemaphoreType.DMA,
        pltpu.SemaphoreType.DMA,
        pltpu.SemaphoreType.DMA,
        pltpu.SemaphoreType.DMA,
        pltpu.SemaphoreType.DMA,
        pltpu.SemaphoreType.DMA,
    ],
)
def _sc_complex_score(e1_hbm, e2_hbm, r1_hbm, r2_hbm,
                      heads_hbm, rels_hbm, tails_hbm, out_hbm,
                      h_v, r_v, t_v, e11, e12, e21, e22, rr1, rr2,
                      sc_v, r1_sh, r2_sh, sem0, sem1, sem2, sem3,
                      isem, ssem):
    wid = lax.axis_index("s") * NC + lax.axis_index("c")
    sid = lax.axis_index("s")
    base = wid * BPW

    @pl.when(sid == 0)
    def _():
        pltpu.async_copy(r1_hbm, r1_sh, ssem)

    @pl.when(sid == 1)
    def _():
        pltpu.async_copy(r2_hbm, r2_sh, ssem)

    icps = [
        pltpu.async_copy(heads_hbm.at[pl.ds(base, BPW)], h_v, isem),
        pltpu.async_copy(tails_hbm.at[pl.ds(base, BPW)], t_v, isem),
    ]
    icps += [
        pltpu.async_copy(rels_hbm.at[pl.ds(base + cc * CH, CH)], r_v.at[cc],
                         isem)
        for cc in range(NCHUNK)
    ]
    for cp in icps:
        cp.wait()

    sems = (sem0, sem1)
    rsems = (sem2, sem3)

    def fire_ent(c, slot):
        off = c * CH
        hs = h_v.at[pl.ds(off, CH)]
        ts = t_v.at[pl.ds(off, CH)]
        sem = sems[slot]
        pltpu.async_copy(e1_hbm.at[hs], e11.at[slot], sem)
        pltpu.async_copy(e2_hbm.at[hs], e12.at[slot], sem)
        pltpu.async_copy(e1_hbm.at[ts], e21.at[slot], sem)
        pltpu.async_copy(e2_hbm.at[ts], e22.at[slot], sem)

    def fire_rel(c, slot):
        rs = r_v.at[c]
        sem = rsems[slot]
        pltpu.async_copy(r1_sh.at[rs], rr1.at[slot], sem)
        pltpu.async_copy(r2_sh.at[rs], rr2.at[slot], sem)

    def fire(c, slot):
        fire_ent(c, slot)
        fire_rel(c, slot)

    def drain(slot, c):
        off = c * CH
        sem = sems[slot]
        for dst in (e11, e12, e21, e22):
            pltpu.make_async_copy(
                e1_hbm.at[pl.ds(0, CH)], dst.at[slot], sem).wait()
        rs = r_v.at[c]
        rsem = rsems[slot]
        pltpu.make_async_copy(r1_sh.at[rs], rr1.at[slot], rsem).wait()
        pltpu.make_async_copy(r2_sh.at[rs], rr2.at[slot], rsem).wait()

    def compute(c, slot):
        off = c * CH
        b11, b12 = e11.at[slot], e12.at[slot]
        b21, b22 = e21.at[slot], e22.at[slot]
        c1, c2 = rr1.at[slot], rr2.at[slot]

        def group_body(g, rc):
            lane = lax.iota(jnp.int32, 16)
            perms = [lane ^ k for k in (1, 2, 4, 8)]

            @plsc.parallel_loop(0, 16, 1, unroll=4,
                                carry=jnp.zeros((16,), jnp.float32))
            def w_loop(j, w):
                i = g * 16 + j
                accp = jnp.zeros((16,), jnp.float32)
                accq = jnp.zeros((16,), jnp.float32)
                for s in range(NSL):
                    sl = pl.ds(s * 16, 16)
                    a = b11[i, sl]
                    b = b12[i, sl]
                    u = b21[i, sl]
                    v = b22[i, sl]
                    p1 = c1[i, sl]
                    p2 = c2[i, sl]
                    accp = accp + p1 * (a * u + b * v)
                    accq = accq + p2 * (a * v - b * u)
                t = accp + accq
                for p in perms:
                    t = t + _lane_permute(t, p)
                return jnp.where(lane == j, t, w)

            sc_v[pl.ds(off + g * 16, 16)] = 1.0 / (1.0 + jnp.exp(-w_loop))
            return rc

        lax.fori_loop(0, CH // 16, group_body, 0)

    fire_ent(0, 0)

    @pl.when(sid < 2)
    def _():
        pltpu.make_async_copy(r1_hbm, r1_sh, ssem).wait()

    plsc.subcore_barrier()
    fire_rel(0, 0)

    def pair_body(p, carry):
        c0 = p * 2
        fire(c0 + 1, 1)
        drain(0, c0)
        compute(c0, 0)

        @pl.when(p < NCHUNK // 2 - 1)
        def _():
            fire(c0 + 2, 0)

        drain(1, c0 + 1)
        compute(c0 + 1, 1)
        return carry

    lax.fori_loop(0, NCHUNK // 2, pair_body, 0)
    pltpu.sync_copy(sc_v, out_hbm.at[pl.ds(base, BPW)])


def kernel(entity_embedding1, entity_embedding2, relation_embedding1,
           relation_embedding2, heads, relations, tails):
    return _sc_complex_score(
        entity_embedding1, entity_embedding2,
        relation_embedding1, relation_embedding2,
        heads.astype(jnp.int32), relations.astype(jnp.int32),
        tails.astype(jnp.int32))

# --- scband reference (transcript-rebuilt; emitter-appended) ---
"""Pipeline reference for scband-so-le-complex-80607946211564 (READ-ONLY COPY).

The authoritative reference and input builder live on the scoring server;
editing this copy changes nothing except your own understanding.
"""

import jax, jax.numpy as jnp
import numpy as np

N_ENTITIES = 100000
N_RELATIONS = 1000
EMBED_DIM = 128
BATCH = 16384


def setup_inputs(seed: int = 0) -> dict:
    key = jax.random.key(seed)
    k1, k2, k3, k4, k5, k6, k7 = jax.random.split(key, 7)
    # Parameters are initialized uniform [0, 1) as in the original model
    entity_embedding1 = jax.random.uniform(k1, (N_ENTITIES, EMBED_DIM), dtype=jnp.float32, minval=0.0, maxval=1.0)
    entity_embedding2 = jax.random.uniform(k2, (N_ENTITIES, EMBED_DIM), dtype=jnp.float32, minval=0.0, maxval=1.0)
    relation_embedding1 = jax.random.uniform(k3, (N_RELATIONS, EMBED_DIM), dtype=jnp.float32, minval=0.0, maxval=1.0)
    relation_embedding2 = jax.random.uniform(k4, (N_RELATIONS, EMBED_DIM), dtype=jnp.float32, minval=0.0, maxval=1.0)
    heads = jax.random.randint(k5, (BATCH,), 0, N_ENTITIES, dtype=jnp.int64 if jax.config.jax_enable_x64 else jnp.int32)
    relations = jax.random.randint(k6, (BATCH,), 0, N_RELATIONS, dtype=jnp.int64 if jax.config.jax_enable_x64 else jnp.int32)
    tails = jax.random.randint(k7, (BATCH,), 0, N_ENTITIES, dtype=jnp.int64 if jax.config.jax_enable_x64 else jnp.int32)
    return {
        'entity_embedding1': entity_embedding1,
        'entity_embedding2': entity_embedding2,
        'relation_embedding1': relation_embedding1,
        'relation_embedding2': relation_embedding2,
        'heads': heads,
        'relations': relations,
        'tails': tails,
    }


def reference(entity_embedding1, entity_embedding2, relation_embedding1, relation_embedding2, heads, relations, tails):
    # Faithful translation of add_prediction_op: ComplEx trilinear score + sigmoid
    e1_1 = jnp.take(entity_embedding1, heads, axis=0)
    e1_2 = jnp.take(entity_embedding2, heads, axis=0)
    e2_1 = jnp.take(entity_embedding1, tails, axis=0)
    e2_2 = jnp.take(entity_embedding2, tails, axis=0)
    r_1 = jnp.take(relation_embedding1, relations, axis=0)
    r_2 = jnp.take(relation_embedding2, relations, axis=0)
    score = (
        jnp.sum(e1_1 * r_1 * e2_1, axis=-1)
        + jnp.sum(e1_2 * r_1 * e2_2, axis=-1)
        + jnp.sum(e1_1 * r_2 * e2_2, axis=-1)
        - jnp.sum(e1_2 * r_2 * e2_1, axis=-1)
    )
    pred = jax.nn.sigmoid(score)
    return pred

if __name__ == "__main__":
    import jax
    _d = setup_inputs()
    print(jax.jit(kernel)(*tuple(_d.values())))

</pallas_src>

<mosaic_0001>
#map = affine_map<(d0, d1) -> (0, 0)>
#map1 = affine_map<(d0, d1) -> (0)>
module attributes {stable_mosaic.version = 14 : i64} {
  func.func @_sc_complex_score(%arg0: i32, %arg1: i32, %arg2: memref<100000x128xf32, #tpu.memory_space<hbm>>, %arg3: memref<100000x128xf32, #tpu.memory_space<hbm>>, %arg4: memref<1000x128xf32, #tpu.memory_space<hbm>>, %arg5: memref<1000x128xf32, #tpu.memory_space<hbm>>, %arg6: memref<16384xi32, #tpu.memory_space<hbm>>, %arg7: memref<16384xi32, #tpu.memory_space<hbm>>, %arg8: memref<16384xi32, #tpu.memory_space<hbm>>, %arg9: memref<16384xf32, #tpu.memory_space<hbm>>, %arg10: memref<512xi32, #tpu.memory_space<vmem>>, %arg11: memref<8x64xi32, #tpu.memory_space<vmem>>, %arg12: memref<512xi32, #tpu.memory_space<vmem>>, %arg13: memref<2x64x128xf32, #tpu.memory_space<vmem>>, %arg14: memref<2x64x128xf32, #tpu.memory_space<vmem>>, %arg15: memref<2x64x128xf32, #tpu.memory_space<vmem>>, %arg16: memref<2x64x128xf32, #tpu.memory_space<vmem>>, %arg17: memref<2x64x128xf32, #tpu.memory_space<vmem>>, %arg18: memref<2x64x128xf32, #tpu.memory_space<vmem>>, %arg19: memref<512xf32, #tpu.memory_space<vmem>>, %arg20: memref<1000x128xf32, #tpu.memory_space<vmem_shared>>, %arg21: memref<1000x128xf32, #tpu.memory_space<vmem_shared>>, %arg22: memref<!tpu.dma_semaphore, #tpu.memory_space<semaphore_mem>>, %arg23: memref<!tpu.dma_semaphore, #tpu.memory_space<semaphore_mem>>, %arg24: memref<!tpu.dma_semaphore, #tpu.memory_space<semaphore_mem>>, %arg25: memref<!tpu.dma_semaphore, #tpu.memory_space<semaphore_mem>>, %arg26: memref<!tpu.dma_semaphore, #tpu.memory_space<semaphore_mem>>, %arg27: memref<!tpu.dma_semaphore, #tpu.memory_space<semaphore_mem>>) attributes {dimension_semantics = [#tpu.dimension_semantics<core_parallel>, #tpu.dimension_semantics<subcore_parallel>], iteration_bounds = array<i64: 2, 16>, scalar_prefetch = 0 : i64, scratch_operands = 18 : i64, tpu.core_type = #tpu.core_type<sc_vector_subcore>, window_params = [{transform_indices = #map}, {transform_indices = #map}, {transform_indices = #map}, {transform_indices = #map}, {transform_indices = #map1}, {transform_indices = #map1}, {transform_indices = #map1}, {transform_indices = #map1}]} {
    %mul3A = arith.constant 2 : i32
    %mul3A_0 = arith.muli %arg1, %mul3A : i32
    %add3A = arith.addi %mul3A_0, %arg0 : i32
    %mul3A_1 = arith.constant 512 : i32
    %mul3A_2 = arith.muli %add3A, %mul3A_1 : i32
    %eq3A = arith.constant 0 : i32
    %eq3A_3 = arith.cmpi eq, %arg1, %eq3A : i32
    %convert_element_type3A = arith.extui %eq3A_3 : i1 to i32
    %cond3A = arith.constant 0 : i32
    %cond3A_4 = arith.cmpi ne, %convert_element_type3A, %cond3A : i32
    scf.if %cond3A_4 {
      tpu.enqueue_dma source(%arg4 : memref<1000x128xf32, #tpu.memory_space<hbm>>) target(%arg20 : memref<1000x128xf32, #tpu.memory_space<vmem_shared>>) target_semaphore(%arg27 : memref<!tpu.dma_semaphore, #tpu.memory_space<semaphore_mem>>)
    } else {
    }
    %eq3A_5 = arith.constant 1 : i32
    %eq3A_6 = arith.cmpi eq, %arg1, %eq3A_5 : i32
    %convert_element_type3A_7 = arith.extui %eq3A_6 : i1 to i32
    %cond3A_8 = arith.constant 0 : i32
    %cond3A_9 = arith.cmpi ne, %convert_element_type3A_7, %cond3A_8 : i32
    scf.if %cond3A_9 {
      tpu.enqueue_dma source(%arg5 : memref<1000x128xf32, #tpu.memory_space<hbm>>) target(%arg21 : memref<1000x128xf32, #tpu.memory_space<vmem_shared>>) target_semaphore(%arg27 : memref<!tpu.dma_semaphore, #tpu.memory_space<semaphore_mem>>)
    } else {
    }
    %dma_start3A = tpu.memref_slice %arg6[%mul3A_2] : memref<16384xi32, #tpu.memory_space<hbm>> -> memref<512xi32, #tpu.memory_space<hbm>>
    %dma_start3A_10 = tpu.memref_slice %arg6[%mul3A_2] : memref<16384xi32, #tpu.memory_space<hbm>> -> memref<512xi32, #tpu.memory_space<hbm>>
    tpu.enqueue_dma source(%dma_start3A_10 : memref<512xi32, #tpu.memory_space<hbm>>) target(%arg10 : memref<512xi32, #tpu.memory_space<vmem>>) target_semaphore(%arg26 : memref<!tpu.dma_semaphore, #tpu.memory_space<semaphore_mem>>)
    %dma_start3A_11 = tpu.memref_slice %arg8[%mul3A_2] : memref<16384xi32, #tpu.memory_space<hbm>> -> memref<512xi32, #tpu.memory_space<hbm>>
    %dma_start3A_12 = tpu.memref_slice %arg8[%mul3A_2] : memref<16384xi32, #tpu.memory_space<hbm>> -> memref<512xi32, #tpu.memory_space<hbm>>
    tpu.enqueue_dma source(%dma_start3A_12 : memref<512xi32, #tpu.memory_space<hbm>>) target(%arg12 : memref<512xi32, #tpu.memory_space<vmem>>) target_semaphore(%arg26 : memref<!tpu.dma_semaphore, #tpu.memory_space<semaphore_mem>>)
    %add3A_13 = arith.constant 0 : i32
    %add3A_14 = arith.addi %mul3A_2, %add3A_13 : i32
    %dma_start3A_15 = arith.constant 0 : i32
    %dma_start3A_16 = arith.constant 0 : i32
    %dma_start3A_17 = tpu.memref_slice %arg11[%dma_start3A_15, %dma_start3A_16] : memref<8x64xi32, #tpu.memory_space<vmem>> -> memref<1x64xi32, #tpu.memory_space<vmem>>
    %dma_start3A_18 = tpu.memref_squeeze %dma_start3A_17 : memref<1x64xi32, #tpu.memory_space<vmem>> -> memref<64xi32, #tpu.memory_space<vmem>>
    %dma_start3A_19 = tpu.memref_slice %arg7[%add3A_14] : memref<16384xi32, #tpu.memory_space<hbm>> -> memref<64xi32, #tpu.memory_space<hbm>>
    %dma_start3A_20 = arith.constant 0 : i32
    %dma_start3A_21 = tpu.memref_slice %arg11[%dma_start3A_15, %dma_start3A_20] : memref<8x64xi32, #tpu.memory_space<vmem>> -> memref<1x64xi32, #tpu.memory_space<vmem>>
    %dma_start3A_22 = tpu.memref_squeeze %dma_start3A_21 : memref<1x64xi32, #tpu.memory_space<vmem>> -> memref<64xi32, #tpu.memory_space<vmem>>
    %dma_start3A_23 = tpu.memref_slice %arg7[%add3A_14] : memref<16384xi32, #tpu.memory_space<hbm>> -> memref<64xi32, #tpu.memory_space<hbm>>
    tpu.enqueue_dma source(%dma_start3A_23 : memref<64xi32, #tpu.memory_space<hbm>>) target(%dma_start3A_22 : memref<64xi32, #tpu.memory_space<vmem>>) target_semaphore(%arg26 : memref<!tpu.dma_semaphore, #tpu.memory_space<semaphore_mem>>)
    %add3A_24 = arith.constant 64 : i32
    %add3A_25 = arith.addi %mul3A_2, %add3A_24 : i32
    %dma_start3A_26 = arith.constant 1 : i32
    %dma_start3A_27 = arith.constant 0 : i32
    %dma_start3A_28 = tpu.memref_slice %arg11[%dma_start3A_26, %dma_start3A_27] : memref<8x64xi32, #tpu.memory_space<vmem>> -> memref<1x64xi32, #tpu.memory_space<vmem>>
    %dma_start3A_29 = tpu.memref_squeeze %dma_start3A_28 : memref<1x64xi32, #tpu.memory_space<vmem>> -> memref<64xi32, #tpu.memory_space<vmem>>
    %dma_start3A_30 = tpu.memref_slice %arg7[%add3A_25] : memref<16384xi32, #tpu.memory_space<hbm>> -> memref<64xi32, #tpu.memory_space<hbm>>
    %dma_start3A_31 = arith.constant 0 : i32
    %dma_start3A_32 = tpu.memref_slice %arg11[%dma_start3A_26, %dma_start3A_31] : memref<8x64xi32, #tpu.memory_space<vmem>> -> memref<1x64xi32, #tpu.memory_space<vmem>>
    %dma_start3A_33 = tpu.memref_squeeze %dma_start3A_32 : memref<1x64xi32, #tpu.memory_space<vmem>> -> memref<64xi32, #tpu.memory_space<vmem>>
    %dma_start3A_34 = tpu.memref_slice %arg7[%add3A_25] : memref<16384xi32, #tpu.memory_space<hbm>> -> memref<64xi32, #tpu.memory_space<hbm>>
    tpu.enqueue_dma source(%dma_start3A_34 : memref<64xi32, #tpu.memory_space<hbm>>) target(%dma_start3A_33 : memref<64xi32, #tpu.memory_space<vmem>>) target_semaphore(%arg26 : memref<!tpu.dma_semaphore, #tpu.memory_space<semaphore_mem>>)
    %add3A_35 = arith.constant 128 : i32
    %add3A_36 = arith.addi %mul3A_2, %add3A_35 : i32
    %dma_start3A_37 = arith.constant 2 : i32
    %dma_start3A_38 = arith.constant 0 : i32
    %dma_start3A_39 = tpu.memref_slice %arg11[%dma_start3A_37, %dma_start3A_38] : memref<8x64xi32, #tpu.memory_space<vmem>> -> memref<1x64xi32, #tpu.memory_space<vmem>>
    %dma_start3A_40 = tpu.memref_squeeze %dma_start3A_39 : memref<1x64xi32, #tpu.memory_space<vmem>> -> memref<64xi32, #tpu.memory_space<vmem>>
    %dma_start3A_41 = tpu.memref_slice %arg7[%add3A_36] : memref<16384xi32, #tpu.memory_space<hbm>> -> memref<64xi32, #tpu.memory_space<hbm>>
    %dma_start3A_42 = arith.constant 0 : i32
    %dma_start3A_43 = tpu.memref_slice %arg11[%dma_start3A_37, %dma_start3A_42] : memref<8x64xi32, #tpu.memory_space<vmem>> -> memref<1x64xi32, #tpu.memory_space<vmem>>
    %dma_start3A_44 = tpu.memref_squeeze %dma_start3A_43 : memref<1x64xi32, #tpu.memory_space<vmem>> -> memref<64xi32, #tpu.memory_space<vmem>>
    %dma_start3A_45 = tpu.memref_slice %arg7[%add3A_36] : memref<16384xi32, #tpu.memory_space<hbm>> -> memref<64xi32, #tpu.memory_space<hbm>>
    tpu.enqueue_dma source(%dma_start3A_45 : memref<64xi32, #tpu.memory_space<hbm>>) target(%dma_start3A_44 : memref<64xi32, #tpu.memory_space<vmem>>) target_semaphore(%arg26 : memref<!tpu.dma_semaphore, #tpu.memory_space<semaphore_mem>>)
    %add3A_46 = arith.constant 192 : i32
    %add3A_47 = arith.addi %mul3A_2, %add3A_46 : i32
    %dma_start3A_48 = arith.constant 3 : i32
    %dma_start3A_49 = arith.constant 0 : i32
    %dma_start3A_50 = tpu.memref_slice %arg11[%dma_start3A_48, %dma_start3A_49] : memref<8x64xi32, #tpu.memory_space<vmem>> -> memref<1x64xi32, #tpu.memory_space<vmem>>
    %dma_start3A_51 = tpu.memref_squeeze %dma_start3A_50 : memref<1x64xi32, #tpu.memory_space<vmem>> -> memref<64xi32, #tpu.memory_space<vmem>>
    %dma_start3A_52 = tpu.memref_slice %arg7[%add3A_47] : memref<16384xi32, #tpu.memory_space<hbm>> -> memref<64xi32, #tpu.memory_space<hbm>>
    %dma_start3A_53 = arith.constant 0 : i32
    %dma_start3A_54 = tpu.memref_slice %arg11[%dma_start3A_48, %dma_start3A_53] : memref<8x64xi32, #tpu.memory_space<vmem>> -> memref<1x64xi32, #tpu.memory_space<vmem>>
    %dma_start3A_55 = tpu.memref_squeeze %dma_start3A_54 : memref<1x64xi32, #tpu.memory_space<vmem>> -> memref<64xi32, #tpu.memory_space<vmem>>
    %dma_start3A_56 = tpu.memref_slice %arg7[%add3A_47] : memref<16384xi32, #tpu.memory_space<hbm>> -> memref<64xi32, #tpu.memory_space<hbm>>
    tpu.enqueue_dma source(%dma_start3A_56 : memref<64xi32, #tpu.memory_space<hbm>>) target(%dma_start3A_55 : memref<64xi32, #tpu.memory_space<vmem>>) target_semaphore(%arg26 : memref<!tpu.dma_semaphore, #tpu.memory_space<semaphore_mem>>)
    %add3A_57 = arith.constant 256 : i32
    %add3A_58 = arith.addi %mul3A_2, %add3A_57 : i32
    %dma_start3A_59 = arith.constant 4 : i32
    %dma_start3A_60 = arith.constant 0 : i32
    %dma_start3A_61 = tpu.memref_slice %arg11[%dma_start3A_59, %dma_start3A_60] : memref<8x64xi32, #tpu.memory_space<vmem>> -> memref<1x64xi32, #tpu.memory_space<vmem>>
    %dma_start3A_62 = tpu.memref_squeeze %dma_start3A_61 : memref<1x64xi32, #tpu.memory_space<vmem>> -> memref<64xi32, #tpu.memory_space<vmem>>
    %dma_start3A_63 = tpu.memref_slice %arg7[%add3A_58] : memref<16384xi32, #tpu.memory_space<hbm>> -> memref<64xi32, #tpu.memory_space<hbm>>
    %dma_start3A_64 = arith.constant 0 : i32
    %dma_start3A_65 = tpu.memref_slice %arg11[%dma_start3A_59, %dma_start3A_64] : memref<8x64xi32, #tpu.memory_space<vmem>> -> memref<1x64xi32, #tpu.memory_space<vmem>>
    %dma_start3A_66 = tpu.memref_squeeze %dma_start3A_65 : memref<1x64xi32, #tpu.memory_space<vmem>> -> memref<64xi32, #tpu.memory_space<vmem>>
    %dma_start3A_67 = tpu.memref_slice %arg7[%add3A_58] : memref<16384xi32, #tpu.memory_space<hbm>> -> memref<64xi32, #tpu.memory_space<hbm>>
    tpu.enqueue_dma source(%dma_start3A_67 : memref<64xi32, #tpu.memory_space<hbm>>) target(%dma_start3A_66 : memref<64xi32, #tpu.memory_space<vmem>>) target_semaphore(%arg26 : memref<!tpu.dma_semaphore, #tpu.memory_space<semaphore_mem>>)
    %add3A_68 = arith.constant 320 : i32
    %add3A_69 = arith.addi %mul3A_2, %add3A_68 : i32
    %dma_start3A_70 = arith.constant 5 : i32
    %dma_start3A_71 = arith.constant 0 : i32
    %dma_start3A_72 = tpu.memref_slice %arg11[%dma_start3A_70, %dma_start3A_71] : memref<8x64xi32, #tpu.memory_space<vmem>> -> memref<1x64xi32, #tpu.memory_space<vmem>>
    %dma_start3A_73 = tpu.memref_squeeze %dma_start3A_72 : memref<1x64xi32, #tpu.memory_space<vmem>> -> memref<64xi32, #tpu.memory_space<vmem>>
    %dma_start3A_74 = tpu.memref_slice %arg7[%add3A_69] : memref<16384xi32, #tpu.memory_space<hbm>> -> memref<64xi32, #tpu.memory_space<hbm>>
    %dma_start3A_75 = arith.constant 0 : i32
    %dma_start3A_76 = tpu.memref_slice %arg11[%dma_start3A_70, %dma_start3A_75] : memref<8x64xi32, #tpu.memory_space<vmem>> -> memref<1x64xi32, #tpu.memory_space<vmem>>
    %dma_start3A_77 = tpu.memref_squeeze %dma_start3A_76 : memref<1x64xi32, #tpu.memory_space<vmem>> -> memref<64xi32, #tpu.memory_space<vmem>>
    %dma_start3A_78 = tpu.memref_slice %arg7[%add3A_69] : memref<16384xi32, #tpu.memory_space<hbm>> -> memref<64xi32, #tpu.memory_space<hbm>>
    tpu.enqueue_dma source(%dma_start3A_78 : memref<64xi32, #tpu.memory_space<hbm>>) target(%dma_start3A_77 : memref<64xi32, #tpu.memory_space<vmem>>) target_semaphore(%arg26 : memref<!tpu.dma_semaphore, #tpu.memory_space<semaphore_mem>>)
    %add3A_79 = arith.constant 384 : i32
    %add3A_80 = arith.addi %mul3A_2, %add3A_79 : i32
    %dma_start3A_81 = arith.constant 6 : i32
    %dma_start3A_82 = arith.constant 0 : i32
    %dma_start3A_83 = tpu.memref_slice %arg11[%dma_start3A_81, %dma_start3A_82] : memref<8x64xi32, #tpu.memory_space<vmem>> -> memref<1x64xi32, #tpu.memory_space<vmem>>
    %dma_start3A_84 = tpu.memref_squeeze %dma_start3A_83 : memref<1x64xi32, #tpu.memory_space<vmem>> -> memref<64xi32, #tpu.memory_space<vmem>>
    %dma_start3A_85 = tpu.memref_slice %arg7[%add3A_80] : memref<16384xi32, #tpu.memory_space<hbm>> -> memref<64xi32, #tpu.memory_space<hbm>>
    %dma_start3A_86 = arith.constant 0 : i32
    %dma_start3A_87 = tpu.memref_slice %arg11[%dma_start3A_81, %dma_start3A_86] : memref<8x64xi32, #tpu.memory_space<vmem>> -> memref<1x64xi32, #tpu.memory_space<vmem>>
    %dma_start3A_88 = tpu.memref_squeeze %dma_start3A_87 : memref<1x64xi32, #tpu.memory_space<vmem>> -> memref<64xi32, #tpu.memory_space<vmem>>
    %dma_start3A_89 = tpu.memref_slice %arg7[%add3A_80] : memref<16384xi32, #tpu.memory_space<hbm>> -> memref<64xi32, #tpu.memory_space<hbm>>
    tpu.enqueue_dma source(%dma_start3A_89 : memref<64xi32, #tpu.memory_space<hbm>>) target(%dma_start3A_88 : memref<64xi32, #tpu.memory_space<vmem>>) target_semaphore(%arg26 : memref<!tpu.dma_semaphore, #tpu.memory_space<semaphore_mem>>)
    %add3A_90 = arith.constant 448 : i32
    %add3A_91 = arith.addi %mul3A_2, %add3A_90 : i32
    %dma_start3A_92 = arith.constant 7 : i32
    %dma_start3A_93 = arith.constant 0 : i32
    %dma_start3A_94 = tpu.memref_slice %arg11[%dma_start3A_92, %dma_start3A_93] : memref<8x64xi32, #tpu.memory_space<vmem>> -> memref<1x64xi32, #tpu.memory_space<vmem>>
    %dma_start3A_95 = tpu.memref_squeeze %dma_start3A_94 : memref<1x64xi32, #tpu.memory_space<vmem>> -> memref<64xi32, #tpu.memory_space<vmem>>
    %dma_start3A_96 = tpu.memref_slice %arg7[%add3A_91] : memref<16384xi32, #tpu.memory_space<hbm>> -> memref<64xi32, #tpu.memory_space<hbm>>
    %dma_start3A_97 = arith.constant 0 : i32
    %dma_start3A_98 = tpu.memref_slice %arg11[%dma_start3A_92, %dma_start3A_97] : memref<8x64xi32, #tpu.memory_space<vmem>> -> memref<1x64xi32, #tpu.memory_space<vmem>>
    %dma_start3A_99 = tpu.memref_squeeze %dma_start3A_98 : memref<1x64xi32, #tpu.memory_space<vmem>> -> memref<64xi32, #tpu.memory_space<vmem>>
    %dma_start3A_100 = tpu.memref_slice %arg7[%add3A_91] : memref<16384xi32, #tpu.memory_space<hbm>> -> memref<64xi32, #tpu.memory_space<hbm>>
    tpu.enqueue_dma source(%dma_start3A_100 : memref<64xi32, #tpu.memory_space<hbm>>) target(%dma_start3A_99 : memref<64xi32, #tpu.memory_space<vmem>>) target_semaphore(%arg26 : memref<!tpu.dma_semaphore, #tpu.memory_space<semaphore_mem>>)
    %dma_wait3A = tpu.memref_slice %arg6[%mul3A_2] : memref<16384xi32, #tpu.memory_space<hbm>> -> memref<512xi32, #tpu.memory_space<hbm>>
    %dma_wait3A_101 = tpu.memref_slice %arg6[%mul3A_2] : memref<16384xi32, #tpu.memory_space<hbm>> -> memref<512xi32, #tpu.memory_space<hbm>>
    tpu.wait_dma2 semaphore(%arg26 : memref<!tpu.dma_semaphore, #tpu.memory_space<semaphore_mem>>) src(%dma_wait3A_101 : memref<512xi32, #tpu.memory_space<hbm>>) dst(%arg10 : memref<512xi32, #tpu.memory_space<vmem>>)
    %dma_wait3A_102 = tpu.memref_slice %arg8[%mul3A_2] : memref<16384xi32, #tpu.memory_space<hbm>> -> memref<512xi32, #tpu.memory_space<hbm>>
    %dma_wait3A_103 = tpu.memref_slice %arg8[%mul3A_2] : memref<16384xi32, #tpu.memory_space<hbm>> -> memref<512xi32, #tpu.memory_space<hbm>>
    tpu.wait_dma2 semaphore(%arg26 : memref<!tpu.dma_semaphore, #tpu.memory_space<semaphore_mem>>) src(%dma_wait3A_103 : memref<512xi32, #tpu.memory_space<hbm>>) dst(%arg12 : memref<512xi32, #tpu.memory_space<vmem>>)
    %dma_wait3A_104 = arith.constant 0 : i32
    %dma_wait3A_105 = arith.constant 0 : i32
    %dma_wait3A_106 = tpu.memref_slice %arg11[%dma_wait3A_104, %dma_wait3A_105] : memref<8x64xi32, #tpu.memory_space<vmem>> -> memref<1x64xi32, #tpu.memory_space<vmem>>
    %dma_wait3A_107 = tpu.memref_squeeze %dma_wait3A_106 : memref<1x64xi32, #tpu.memory_space<vmem>> -> memref<64xi32, #tpu.memory_space<vmem>>
    %dma_wait3A_108 = tpu.memref_slice %arg7[%add3A_14] : memref<16384xi32, #tpu.memory_space<hbm>> -> memref<64xi32, #tpu.memory_space<hbm>>
    %dma_wait3A_109 = arith.constant 0 : i32
    %dma_wait3A_110 = tpu.memref_slice %arg11[%dma_wait3A_104, %dma_wait3A_109] : memref<8x64xi32, #tpu.memory_space<vmem>> -> memref<1x64xi32, #tpu.memory_space<vmem>>
    %dma_wait3A_111 = tpu.memref_squeeze %dma_wait3A_110 : memref<1x64xi32, #tpu.memory_space<vmem>> -> memref<64xi32, #tpu.memory_space<vmem>>
    %dma_wait3A_112 = tpu.memref_slice %arg7[%add3A_14] : memref<16384xi32, #tpu.memory_space<hbm>> -> memref<64xi32, #tpu.memory_space<hbm>>
    tpu.wait_dma2 semaphore(%arg26 : memref<!tpu.dma_semaphore, #tpu.memory_space<semaphore_mem>>) src(%dma_wait3A_112 : memref<64xi32, #tpu.memory_space<hbm>>) dst(%dma_wait3A_111 : memref<64xi32, #tpu.memory_space<vmem>>)
    %dma_wait3A_113 = arith.constant 1 : i32
    %dma_wait3A_114 = arith.constant 0 : i32
    %dma_wait3A_115 = tpu.memref_slice %arg11[%dma_wait3A_113, %dma_wait3A_114] : memref<8x64xi32, #tpu.memory_space<vmem>> -> memref<1x64xi32, #tpu.memory_space<vmem>>
    %dma_wait3A_116 = tpu.memref_squeeze %dma_wait3A_115 : memref<1x64xi32, #tpu.memory_space<vmem>> -> memref<64xi32, #tpu.memory_space<vmem>>
    %dma_wait3A_117 = tpu.memref_slice %arg7[%add3A_25] : memref<16384xi32, #tpu.memory_space<hbm>> -> memref<64xi32, #tpu.memory_space<hbm>>
    %dma_wait3A_118 = arith.constant 0 : i32
    %dma_wait3A_119 = tpu.memref_slice %arg11[%dma_wait3A_113, %dma_wait3A_118] : memref<8x64xi32, #tpu.memory_space<vmem>> -> memref<1x64xi32, #tpu.memory_space<vmem>>
    %dma_wait3A_120 = tpu.memref_squeeze %dma_wait3A_119 : memref<1x64xi32, #tpu.memory_space<vmem>> -> memref<64xi32, #tpu.memory_space<vmem>>
    %dma_wait3A_121 = tpu.memref_slice %arg7[%add3A_25] : memref<16384xi32, #tpu.memory_space<hbm>> -> memref<64xi32, #tpu.memory_space<hbm>>
    tpu.wait_dma2 semaphore(%arg26 : memref<!tpu.dma_semaphore, #tpu.memory_space<semaphore_mem>>) src(%dma_wait3A_121 : memref<64xi32, #tpu.memory_space<hbm>>) dst(%dma_wait3A_120 : memref<64xi32, #tpu.memory_space<vmem>>)
    %dma_wait3A_122 = arith.constant 2 : i32
    %dma_wait3A_123 = arith.constant 0 : i32
    %dma_wait3A_124 = tpu.memref_slice %arg11[%dma_wait3A_122, %dma_wait3A_123] : memref<8x64xi32, #tpu.memory_space<vmem>> -> memref<1x64xi32, #tpu.memory_space<vmem>>
    %dma_wait3A_125 = tpu.memref_squeeze %dma_wait3A_124 : memref<1x64xi32, #tpu.memory_space<vmem>> -> memref<64xi32, #tpu.memory_space<vmem>>
    %dma_wait3A_126 = tpu.memref_slice %arg7[%add3A_36] : memref<16384xi32, #tpu.memory_space<hbm>> -> memref<64xi32, #tpu.memory_space<hbm>>
    %dma_wait3A_127 = arith.constant 0 : i32
    %dma_wait3A_128 = tpu.memref_slice %arg11[%dma_wait3A_122, %dma_wait3A_127] : memref<8x64xi32, #tpu.memory_space<vmem>> -> memref<1x64xi32, #tpu.memory_space<vmem>>
    %dma_wait3A_129 = tpu.memref_squeeze %dma_wait3A_128 : memref<1x64xi32, #tpu.memory_space<vmem>> -> memref<64xi32, #tpu.memory_space<vmem>>
    %dma_wait3A_130 = tpu.memref_slice %arg7[%add3A_36] : memref<16384xi32, #tpu.memory_space<hbm>> -> memref<64xi32, #tpu.memory_space<hbm>>
    tpu.wait_dma2 semaphore(%arg26 : memref<!tpu.dma_semaphore, #tpu.memory_space<semaphore_mem>>) src(%dma_wait3A_130 : memref<64xi32, #tpu.memory_space<hbm>>) dst(%dma_wait3A_129 : memref<64xi32, #tpu.memory_space<vmem>>)
    %dma_wait3A_131 = arith.constant 3 : i32
    %dma_wait3A_132 = arith.constant 0 : i32
    %dma_wait3A_133 = tpu.memref_slice %arg11[%dma_wait3A_131, %dma_wait3A_132] : memref<8x64xi32, #tpu.memory_space<vmem>> -> memref<1x64xi32, #tpu.memory_space<vmem>>
    %dma_wait3A_134 = tpu.memref_squeeze %dma_wait3A_133 : memref<1x64xi32, #tpu.memory_space<vmem>> -> memref<64xi32, #tpu.memory_space<vmem>>
    %dma_wait3A_135 = tpu.memref_slice %arg7[%add3A_47] : memref<16384xi32, #tpu.memory_space<hbm>> -> memref<64xi32, #tpu.memory_space<hbm>>
    %dma_wait3A_136 = arith.constant 0 : i32
    %dma_wait3A_137 = tpu.memref_slice %arg11[%dma_wait3A_131, %dma_wait3A_136] : memref<8x64xi32, #tpu.memory_space<vmem>> -> memref<1x64xi32, #tpu.memory_space<vmem>>
    %dma_wait3A_138 = tpu.memref_squeeze %dma_wait3A_137 : memref<1x64xi32, #tpu.memory_space<vmem>> -> memref<64xi32, #tpu.memory_space<vmem>>
    %dma_wait3A_139 = tpu.memref_slice %arg7[%add3A_47] : memref<16384xi32, #tpu.memory_space<hbm>> -> memref<64xi32, #tpu.memory_space<hbm>>
    tpu.wait_dma2 semaphore(%arg26 : memref<!tpu.dma_semaphore, #tpu.memory_space<semaphore_mem>>) src(%dma_wait3A_139 : memref<64xi32, #tpu.memory_space<hbm>>) dst(%dma_wait3A_138 : memref<64xi32, #tpu.memory_space<vmem>>)
    %dma_wait3A_140 = arith.constant 4 : i32
    %dma_wait3A_141 = arith.constant 0 : i32
    %dma_wait3A_142 = tpu.memref_slice %arg11[%dma_wait3A_140, %dma_wait3A_141] : memref<8x64xi32, #tpu.memory_space<vmem>> -> memref<1x64xi32, #tpu.memory_space<vmem>>
    %dma_wait3A_143 = tpu.memref_squeeze %dma_wait3A_142 : memref<1x64xi32, #tpu.memory_space<vmem>> -> memref<64xi32, #tpu.memory_space<vmem>>
    %dma_wait3A_144 = tpu.memref_slice %arg7[%add3A_58] : memref<16384xi32, #tpu.memory_space<hbm>> -> memref<64xi32, #tpu.memory_space<hbm>>
    %dma_wait3A_145 = arith.constant 0 : i32
    %dma_wait3A_146 = tpu.memref_slice %arg11[%dma_wait3A_140, %dma_wait3A_145] : memref<8x64xi32, #tpu.memory_space<vmem>> -> memref<1x64xi32, #tpu.memory_space<vmem>>
    %dma_wait3A_147 = tpu.memref_squeeze %dma_wait3A_146 : memref<1x64xi32, #tpu.memory_space<vmem>> -> memref<64xi32, #tpu.memory_space<vmem>>
    %dma_wait3A_148 = tpu.memref_slice %arg7[%add3A_58] : memref<16384xi32, #tpu.memory_space<hbm>> -> memref<64xi32, #tpu.memory_space<hbm>>
    tpu.wait_dma2 semaphore(%arg26 : memref<!tpu.dma_semaphore, #tpu.memory_space<semaphore_mem>>) src(%dma_wait3A_148 : memref<64xi32, #tpu.memory_space<hbm>>) dst(%dma_wait3A_147 : memref<64xi32, #tpu.memory_space<vmem>>)
    %dma_wait3A_149 = arith.constant 5 : i32
    %dma_wait3A_150 = arith.constant 0 : i32
    %dma_wait3A_151 = tpu.memref_slice %arg11[%dma_wait3A_149, %dma_wait3A_150] : memref<8x64xi32, #tpu.memory_space<vmem>> -> memref<1x64xi32, #tpu.memory_space<vmem>>
    %dma_wait3A_152 = tpu.memref_squeeze %dma_wait3A_151 : memref<1x64xi32, #tpu.memory_space<vmem>> -> memref<64xi32, #tpu.memory_space<vmem>>
    %dma_wait3A_153 = tpu.memref_slice %arg7[%add3A_69] : memref<16384xi32, #tpu.memory_space<hbm>> -> memref<64xi32, #tpu.memory_space<hbm>>
    %dma_wait3A_154 = arith.constant 0 : i32
    %dma_wait3A_155 = tpu.memref_slice %arg11[%dma_wait3A_149, %dma_wait3A_154] : memref<8x64xi32, #tpu.memory_space<vmem>> -> memref<1x64xi32, #tpu.memory_space<vmem>>
    %dma_wait3A_156 = tpu.memref_squeeze %dma_wait3A_155 : memref<1x64xi32, #tpu.memory_space<vmem>> -> memref<64xi32, #tpu.memory_space<vmem>>
    %dma_wait3A_157 = tpu.memref_slice %arg7[%add3A_69] : memref<16384xi32, #tpu.memory_space<hbm>> -> memref<64xi32, #tpu.memory_space<hbm>>
    tpu.wait_dma2 semaphore(%arg26 : memref<!tpu.dma_semaphore, #tpu.memory_space<semaphore_mem>>) src(%dma_wait3A_157 : memref<64xi32, #tpu.memory_space<hbm>>) dst(%dma_wait3A_156 : memref<64xi32, #tpu.memory_space<vmem>>)
    %dma_wait3A_158 = arith.constant 6 : i32
    %dma_wait3A_159 = arith.constant 0 : i32
    %dma_wait3A_160 = tpu.memref_slice %arg11[%dma_wait3A_158, %dma_wait3A_159] : memref<8x64xi32, #tpu.memory_space<vmem>> -> memref<1x64xi32, #tpu.memory_space<vmem>>
    %dma_wait3A_161 = tpu.memref_squeeze %dma_wait3A_160 : memref<1x64xi32, #tpu.memory_space<vmem>> -> memref<64xi32, #tpu.memory_space<vmem>>
    %dma_wait3A_162 = tpu.memref_slice %arg7[%add3A_80] : memref<16384xi32, #tpu.memory_space<hbm>> -> memref<64xi32, #tpu.memory_space<hbm>>
    %dma_wait3A_163 = arith.constant 0 : i32
    %dma_wait3A_164 = tpu.memref_slice %arg11[%dma_wait3A_158, %dma_wait3A_163] : memref<8x64xi32, #tpu.memory_space<vmem>> -> memref<1x64xi32, #tpu.memory_space<vmem>>
    %dma_wait3A_165 = tpu.memref_squeeze %dma_wait3A_164 : memref<1x64xi32, #tpu.memory_space<vmem>> -> memref<64xi32, #tpu.memory_space<vmem>>
    %dma_wait3A_166 = tpu.memref_slice %arg7[%add3A_80] : memref<16384xi32, #tpu.memory_space<hbm>> -> memref<64xi32, #tpu.memory_space<hbm>>
    tpu.wait_dma2 semaphore(%arg26 : memref<!tpu.dma_semaphore, #tpu.memory_space<semaphore_mem>>) src(%dma_wait3A_166 : memref<64xi32, #tpu.memory_space<hbm>>) dst(%dma_wait3A_165 : memref<64xi32, #tpu.memory_space<vmem>>)
    %dma_wait3A_167 = arith.constant 7 : i32
    %dma_wait3A_168 = arith.constant 0 : i32
    %dma_wait3A_169 = tpu.memref_slice %arg11[%dma_wait3A_167, %dma_wait3A_168] : memref<8x64xi32, #tpu.memory_space<vmem>> -> memref<1x64xi32, #tpu.memory_space<vmem>>
    %dma_wait3A_170 = tpu.memref_squeeze %dma_wait3A_169 : memref<1x64xi32, #tpu.memory_space<vmem>> -> memref<64xi32, #tpu.memory_space<vmem>>
    %dma_wait3A_171 = tpu.memref_slice %arg7[%add3A_91] : memref<16384xi32, #tpu.memory_space<hbm>> -> memref<64xi32, #tpu.memory_space<hbm>>
    %dma_wait3A_172 = arith.constant 0 : i32
    %dma_wait3A_173 = tpu.memref_slice %arg11[%dma_wait3A_167, %dma_wait3A_172] : memref<8x64xi32, #tpu.memory_space<vmem>> -> memref<1x64xi32, #tpu.memory_space<vmem>>
    %dma_wait3A_174 = tpu.memref_squeeze %dma_wait3A_173 : memref<1x64xi32, #tpu.memory_space<vmem>> -> memref<64xi32, #tpu.memory_space<vmem>>
    %dma_wait3A_175 = tpu.memref_slice %arg7[%add3A_91] : memref<16384xi32, #tpu.memory_space<hbm>> -> memref<64xi32, #tpu.memory_space<hbm>>
    tpu.wait_dma2 semaphore(%arg26 : memref<!tpu.dma_semaphore, #tpu.memory_space<semaphore_mem>>) src(%dma_wait3A_175 : memref<64xi32, #tpu.memory_space<hbm>>) dst(%dma_wait3A_174 : memref<64xi32, #tpu.memory_space<vmem>>)
    %dma_start3A_176 = arith.constant 0 : i32
    %dma_start3A_177 = arith.constant 0 : i32
    %dma_start3A_178 = arith.constant 0 : i32
    %dma_start3A_179 = tpu.memref_slice %arg13[%dma_start3A_176, %dma_start3A_177, %dma_start3A_178] : memref<2x64x128xf32, #tpu.memory_space<vmem>> -> memref<1x64x128xf32, #tpu.memory_space<vmem>>
    %dma_start3A_180 = tpu.memref_squeeze %dma_start3A_179 : memref<1x64x128xf32, #tpu.memory_space<vmem>> -> memref<64x128xf32, #tpu.memory_space<vmem>>
    %dma_start3A_181 = arith.constant 0 : i32
    %dma_start3A_182 = tpu.memref_slice %arg10[%dma_start3A_181] : memref<512xi32, #tpu.memory_space<vmem>> -> memref<64xi32, #tpu.memory_space<vmem>>
    %dma_start3A_183 = arith.constant 0 : i32
    %dma_start3A_184 = arith.constant 0 : i32
    %dma_start3A_185 = tpu.memref_slice %arg2[%dma_start3A_183, %dma_start3A_184] : memref<100000x128xf32, #tpu.memory_space<hbm>> -> memref<100000x128xf32, #tpu.memory_space<hbm>>
    tpu.enqueue_indirect_dma source(%dma_start3A_185 : memref<100000x128xf32, #tpu.memory_space<hbm>>) target(%dma_start3A_180 : memref<64x128xf32, #tpu.memory_space<vmem>>) offsets(%dma_start3A_182 : memref<64xi32, #tpu.memory_space<vmem>>) semaphore(%arg22 : memref<!tpu.dma_semaphore, #tpu.memory_space<semaphore_mem>>)
    %dma_start3A_186 = arith.constant 0 : i32
    %dma_start3A_187 = arith.constant 0 : i32
    %dma_start3A_188 = arith.constant 0 : i32
    %dma_start3A_189 = tpu.memref_slice %arg14[%dma_start3A_186, %dma_start3A_187, %dma_start3A_188] : memref<2x64x128xf32, #tpu.memory_space<vmem>> -> memref<1x64x128xf32, #tpu.memory_space<vmem>>
    %dma_start3A_190 = tpu.memref_squeeze %dma_start3A_189 : memref<1x64x128xf32, #tpu.memory_space<vmem>> -> memref<64x128xf32, #tpu.memory_space<vmem>>
    %dma_start3A_191 = arith.constant 0 : i32
    %dma_start3A_192 = tpu.memref_slice %arg10[%dma_start3A_191] : memref<512xi32, #tpu.memory_space<vmem>> -> memref<64xi32, #tpu.memory_space<vmem>>
    %dma_start3A_193 = arith.constant 0 : i32
    %dma_start3A_194 = arith.constant 0 : i32
    %dma_start3A_195 = tpu.memref_slice %arg3[%dma_start3A_193, %dma_start3A_194] : memref<100000x128xf32, #tpu.memory_space<hbm>> -> memref<100000x128xf32, #tpu.memory_space<hbm>>
    tpu.enqueue_indirect_dma source(%dma_start3A_195 : memref<100000x128xf32, #tpu.memory_space<hbm>>) target(%dma_start3A_190 : memref<64x128xf32, #tpu.memory_space<vmem>>) offsets(%dma_start3A_192 : memref<64xi32, #tpu.memory_space<vmem>>) semaphore(%arg22 : memref<!tpu.dma_semaphore, #tpu.memory_space<semaphore_mem>>)
    %dma_start3A_196 = arith.constant 0 : i32
    %dma_start3A_197 = arith.constant 0 : i32
    %dma_start3A_198 = arith.constant 0 : i32
    %dma_start3A_199 = tpu.memref_slice %arg15[%dma_start3A_196, %dma_start3A_197, %dma_start3A_198] : memref<2x64x128xf32, #tpu.memory_space<vmem>> -> memref<1x64x128xf32, #tpu.memory_space<vmem>>
    %dma_start3A_200 = tpu.memref_squeeze %dma_start3A_199 : memref<1x64x128xf32, #tpu.memory_space<vmem>> -> memref<64x128xf32, #tpu.memory_space<vmem>>
    %dma_start3A_201 = arith.constant 0 : i32
    %dma_start3A_202 = tpu.memref_slice %arg12[%dma_start3A_201] : memref<512xi32, #tpu.memory_space<vmem>> -> memref<64xi32, #tpu.memory_space<vmem>>
    %dma_start3A_203 = arith.constant 0 : i32
    %dma_start3A_204 = arith.constant 0 : i32
    %dma_start3A_205 = tpu.memref_slice %arg2[%dma_start3A_203, %dma_start3A_204] : memref<100000x128xf32, #tpu.memory_space<hbm>> -> memref<100000x128xf32, #tpu.memory_space<hbm>>
    tpu.enqueue_indirect_dma source(%dma_start3A_205 : memref<100000x128xf32, #tpu.memory_space<hbm>>) target(%dma_start3A_200 : memref<64x128xf32, #tpu.memory_space<vmem>>) offsets(%dma_start3A_202 : memref<64xi32, #tpu.memory_space<vmem>>) semaphore(%arg22 : memref<!tpu.dma_semaphore, #tpu.memory_space<semaphore_mem>>)
    %dma_start3A_206 = arith.constant 0 : i32
    %dma_start3A_207 = arith.constant 0 : i32
    %dma_start3A_208 = arith.constant 0 : i32
    %dma_start3A_209 = tpu.memref_slice %arg16[%dma_start3A_206, %dma_start3A_207, %dma_start3A_208] : memref<2x64x128xf32, #tpu.memory_space<vmem>> -> memref<1x64x128xf32, #tpu.memory_space<vmem>>
    %dma_start3A_210 = tpu.memref_squeeze %dma_start3A_209 : memref<1x64x128xf32, #tpu.memory_space<vmem>> -> memref<64x128xf32, #tpu.memory_space<vmem>>
    %dma_start3A_211 = arith.constant 0 : i32
    %dma_start3A_212 = tpu.memref_slice %arg12[%dma_start3A_211] : memref<512xi32, #tpu.memory_space<vmem>> -> memref<64xi32, #tpu.memory_space<vmem>>
    %dma_start3A_213 = arith.constant 0 : i32
    %dma_start3A_214 = arith.constant 0 : i32
    %dma_start3A_215 = tpu.memref_slice %arg3[%dma_start3A_213, %dma_start3A_214] : memref<100000x128xf32, #tpu.memory_space<hbm>> -> memref<100000x128xf32, #tpu.memory_space<hbm>>
    tpu.enqueue_indirect_dma source(%dma_start3A_215 : memref<100000x128xf32, #tpu.memory_space<hbm>>) target(%dma_start3A_210 : memref<64x128xf32, #tpu.memory_space<vmem>>) offsets(%dma_start3A_212 : memref<64xi32, #tpu.memory_space<vmem>>) semaphore(%arg22 : memref<!tpu.dma_semaphore, #tpu.memory_space<semaphore_mem>>)
    %lt3A = arith.constant 2 : i32
    %lt3A_216 = arith.cmpi slt, %arg1, %lt3A : i32
    %convert_element_type3A_217 = arith.extui %lt3A_216 : i1 to i32
    %cond3A_218 = arith.constant 0 : i32
    %cond3A_219 = arith.cmpi ne, %convert_element_type3A_217, %cond3A_218 : i32
    scf.if %cond3A_219 {
      tpu.wait_dma2 semaphore(%arg27 : memref<!tpu.dma_semaphore, #tpu.memory_space<semaphore_mem>>) src(%arg4 : memref<1000x128xf32, #tpu.memory_space<hbm>>) dst(%arg20 : memref<1000x128xf32, #tpu.memory_space<vmem_shared>>)
    } else {
    }
    %barrier3A = arith.constant 0 : index
    tpu.barrier barrier_id(%barrier3A)
    %dma_start3A_220 = arith.constant 0 : i32
    %dma_start3A_221 = arith.constant 0 : i32
    %dma_start3A_222 = arith.constant 0 : i32
    %dma_start3A_223 = arith.constant 0 : i32
    %dma_start3A_224 = tpu.memref_slice %arg17[%dma_start3A_221, %dma_start3A_222, %dma_start3A_223] : memref<2x64x128xf32, #tpu.memory_space<vmem>> -> memref<1x64x128xf32, #tpu.memory_space<vmem>>
    %dma_start3A_225 = tpu.memref_squeeze %dma_start3A_224 : memref<1x64x128xf32, #tpu.memory_space<vmem>> -> memref<64x128xf32, #tpu.memory_space<vmem>>
    %dma_start3A_226 = arith.constant 0 : i32
    %dma_start3A_227 = tpu.memref_slice %arg11[%dma_start3A_220, %dma_start3A_226] : memref<8x64xi32, #tpu.memory_space<vmem>> -> memref<1x64xi32, #tpu.memory_space<vmem>>
    %dma_start3A_228 = tpu.memref_squeeze %dma_start3A_227 : memref<1x64xi32, #tpu.memory_space<vmem>> -> memref<64xi32, #tpu.memory_space<vmem>>
    %dma_start3A_229 = arith.constant 0 : i32
    %dma_start3A_230 = arith.constant 0 : i32
    %dma_start3A_231 = tpu.memref_slice %arg20[%dma_start3A_229, %dma_start3A_230] : memref<1000x128xf32, #tpu.memory_space<vmem_shared>> -> memref<1000x128xf32, #tpu.memory_space<vmem_shared>>
    tpu.enqueue_indirect_dma source(%dma_start3A_231 : memref<1000x128xf32, #tpu.memory_space<vmem_shared>>) target(%dma_start3A_225 : memref<64x128xf32, #tpu.memory_space<vmem>>) offsets(%dma_start3A_228 : memref<64xi32, #tpu.memory_space<vmem>>) semaphore(%arg24 : memref<!tpu.dma_semaphore, #tpu.memory_space<semaphore_mem>>)
    %dma_start3A_232 = arith.constant 0 : i32
    %dma_start3A_233 = arith.constant 0 : i32
    %dma_start3A_234 = arith.constant 0 : i32
    %dma_start3A_235 = arith.constant 0 : i32
    %dma_start3A_236 = tpu.memref_slice %arg18[%dma_start3A_233, %dma_start3A_234, %dma_start3A_235] : memref<2x64x128xf32, #tpu.memory_space<vmem>> -> memref<1x64x128xf32, #tpu.memory_space<vmem>>
    %dma_start3A_237 = tpu.memref_squeeze %dma_start3A_236 : memref<1x64x128xf32, #tpu.memory_space<vmem>> -> memref<64x128xf32, #tpu.memory_space<vmem>>
    %dma_start3A_238 = arith.constant 0 : i32
    %dma_start3A_239 = tpu.memref_slice %arg11[%dma_start3A_232, %dma_start3A_238] : memref<8x64xi32, #tpu.memory_space<vmem>> -> memref<1x64xi32, #tpu.memory_space<vmem>>
    %dma_start3A_240 = tpu.memref_squeeze %dma_start3A_239 : memref<1x64xi32, #tpu.memory_space<vmem>> -> memref<64xi32, #tpu.memory_space<vmem>>
    %dma_start3A_241 = arith.constant 0 : i32
    %dma_start3A_242 = arith.constant 0 : i32
    %dma_start3A_243 = tpu.memref_slice %arg21[%dma_start3A_241, %dma_start3A_242] : memref<1000x128xf32, #tpu.memory_space<vmem_shared>> -> memref<1000x128xf32, #tpu.memory_space<vmem_shared>>
    tpu.enqueue_indirect_dma source(%dma_start3A_243 : memref<1000x128xf32, #tpu.memory_space<vmem_shared>>) target(%dma_start3A_237 : memref<64x128xf32, #tpu.memory_space<vmem>>) offsets(%dma_start3A_240 : memref<64xi32, #tpu.memory_space<vmem>>) semaphore(%arg24 : memref<!tpu.dma_semaphore, #tpu.memory_space<semaphore_mem>>)
    %scan3A = arith.constant 0 : i32
    %scan3A_244 = arith.constant 0 : i32
    %scan3A_245 = arith.constant 4 : i32
    %scan3A_246 = arith.addi %scan3A_244, %scan3A_245 : i32
    %scan3A_247 = arith.constant 1 : i32
    scf.for %scan3A_249 = %scan3A_244 to %scan3A_246 step %scan3A_247  : i32 {
      %mul3A_250 = arith.constant 2 : i32
      %mul3A_251 = arith.muli %scan3A_249, %mul3A_250 : i32
      %add3A_252 = arith.constant 1 : i32
      %add3A_253 = arith.addi %mul3A_251, %add3A_252 : i32
      %mul3A_254 = arith.constant 64 : i32
      %mul3A_255 = arith.muli %add3A_253, %mul3A_254 : i32
      %dma_start3A_256 = arith.constant 1 : i32
      %dma_start3A_257 = arith.constant 0 : i32
      %dma_start3A_258 = arith.constant 0 : i32
      %dma_start3A_259 = tpu.memref_slice %arg13[%dma_start3A_256, %dma_start3A_257, %dma_start3A_258] : memref<2x64x128xf32, #tpu.memory_space<vmem>> -> memref<1x64x128xf32, #tpu.memory_space<vmem>>
      %dma_start3A_260 = tpu.memref_squeeze %dma_start3A_259 : memref<1x64x128xf32, #tpu.memory_space<vmem>> -> memref<64x128xf32, #tpu.memory_space<vmem>>
      %dma_start3A_261 = tpu.memref_slice %arg10[%mul3A_255] : memref<512xi32, #tpu.memory_space<vmem>> -> memref<64xi32, #tpu.memory_space<vmem>>
      %dma_start3A_262 = arith.constant 0 : i32
      %dma_start3A_263 = arith.constant 0 : i32
      %dma_start3A_264 = tpu.memref_slice %arg2[%dma_start3A_262, %dma_start3A_263] : memref<100000x128xf32, #tpu.memory_space<hbm>> -> memref<100000x128xf32, #tpu.memory_space<hbm>>
      tpu.enqueue_indirect_dma source(%dma_start3A_264 : memref<100000x128xf32, #tpu.memory_space<hbm>>) target(%dma_start3A_260 : memref<64x128xf32, #tpu.memory_space<vmem>>) offsets(%dma_start3A_261 : memref<64xi32, #tpu.memory_space<vmem>>) semaphore(%arg23 : memref<!tpu.dma_semaphore, #tpu.memory_space<semaphore_mem>>)
      %dma_start3A_265 = arith.constant 1 : i32
      %dma_start3A_266 = arith.constant 0 : i32
      %dma_start3A_267 = arith.constant 0 : i32
      %dma_start3A_268 = tpu.memref_slice %arg14[%dma_start3A_265, %dma_start3A_266, %dma_start3A_267] : memref<2x64x128xf32, #tpu.memory_space<vmem>> -> memref<1x64x128xf32, #tpu.memory_space<vmem>>
      %dma_start3A_269 = tpu.memref_squeeze %dma_start3A_268 : memref<1x64x128xf32, #tpu.memory_space<vmem>> -> memref<64x128xf32, #tpu.memory_space<vmem>>
      %dma_start3A_270 = tpu.memref_slice %arg10[%mul3A_255] : memref<512xi32, #tpu.memory_space<vmem>> -> memref<64xi32, #tpu.memory_space<vmem>>
      %dma_start3A_271 = arith.constant 0 : i32
      %dma_start3A_272 = arith.constant 0 : i32
      %dma_start3A_273 = tpu.memref_slice %arg3[%dma_start3A_271, %dma_start3A_272] : memref<100000x128xf32, #tpu.memory_space<hbm>> -> memref<100000x128xf32, #tpu.memory_space<hbm>>
      tpu.enqueue_indirect_dma source(%dma_start3A_273 : memref<100000x128xf32, #tpu.memory_space<hbm>>) target(%dma_start3A_269 : memref<64x128xf32, #tpu.memory_space<vmem>>) offsets(%dma_start3A_270 : memref<64xi32, #tpu.memory_space<vmem>>) semaphore(%arg23 : memref<!tpu.dma_semaphore, #tpu.memory_space<semaphore_mem>>)
      %dma_start3A_274 = arith.constant 1 : i32
      %dma_start3A_275 = arith.constant 0 : i32
      %dma_start3A_276 = arith.constant 0 : i32
      %dma_start3A_277 = tpu.memref_slice %arg15[%dma_start3A_274, %dma_start3A_275, %dma_start3A_276] : memref<2x64x128xf32, #tpu.memory_space<vmem>> -> memref<1x64x128xf32, #tpu.memory_space<vmem>>
      %dma_start3A_278 = tpu.memref_squeeze %dma_start3A_277 : memref<1x64x128xf32, #tpu.memory_space<vmem>> -> memref<64x128xf32, #tpu.memory_space<vmem>>
      %dma_start3A_279 = tpu.memref_slice %arg12[%mul3A_255] : memref<512xi32, #tpu.memory_space<vmem>> -> memref<64xi32, #tpu.memory_space<vmem>>
      %dma_start3A_280 = arith.constant 0 : i32
      %dma_start3A_281 = arith.constant 0 : i32
      %dma_start3A_282 = tpu.memref_slice %arg2[%dma_start3A_280, %dma_start3A_281] : memref<100000x128xf32, #tpu.memory_space<hbm>> -> memref<100000x128xf32, #tpu.memory_space<hbm>>
      tpu.enqueue_indirect_dma source(%dma_start3A_282 : memref<100000x128xf32, #tpu.memory_space<hbm>>) target(%dma_start3A_278 : memref<64x128xf32, #tpu.memory_space<vmem>>) offsets(%dma_start3A_279 : memref<64xi32, #tpu.memory_space<vmem>>) semaphore(%arg23 : memref<!tpu.dma_semaphore, #tpu.memory_space<semaphore_mem>>)
      %dma_start3A_283 = arith.constant 1 : i32
      %dma_start3A_284 = arith.constant 0 : i32
      %dma_start3A_285 = arith.constant 0 : i32
      %dma_start3A_286 = tpu.memref_slice %arg16[%dma_start3A_283, %dma_start3A_284, %dma_start3A_285] : memref<2x64x128xf32, #tpu.memory_space<vmem>> -> memref<1x64x128xf32, #tpu.memory_space<vmem>>
      %dma_start3A_287 = tpu.memref_squeeze %dma_start3A_286 : memref<1x64x128xf32, #tpu.memory_space<vmem>> -> memref<64x128xf32, #tpu.memory_space<vmem>>
      %dma_start3A_288 = tpu.memref_slice %arg12[%mul3A_255] : memref<512xi32, #tpu.memory_space<vmem>> -> memref<64xi32, #tpu.memory_space<vmem>>
      %dma_start3A_289 = arith.constant 0 : i32
      %dma_start3A_290 = arith.constant 0 : i32
      %dma_start3A_291 = tpu.memref_slice %arg3[%dma_start3A_289, %dma_start3A_290] : memref<100000x128xf32, #tpu.memory_space<hbm>> -> memref<100000x128xf32, #tpu.memory_space<hbm>>
      tpu.enqueue_indirect_dma source(%dma_start3A_291 : memref<100000x128xf32, #tpu.memory_space<hbm>>) target(%dma_start3A_287 : memref<64x128xf32, #tpu.memory_space<vmem>>) offsets(%dma_start3A_288 : memref<64xi32, #tpu.memory_space<vmem>>) semaphore(%arg23 : memref<!tpu.dma_semaphore, #tpu.memory_space<semaphore_mem>>)
      %dma_start3A_292 = arith.constant 1 : i32
      %dma_start3A_293 = arith.constant 0 : i32
      %dma_start3A_294 = arith.constant 0 : i32
      %dma_start3A_295 = tpu.memref_slice %arg17[%dma_start3A_292, %dma_start3A_293, %dma_start3A_294] : memref<2x64x128xf32, #tpu.memory_space<vmem>> -> memref<1x64x128xf32, #tpu.memory_space<vmem>>
      %dma_start3A_296 = tpu.memref_squeeze %dma_start3A_295 : memref<1x64x128xf32, #tpu.memory_space<vmem>> -> memref<64x128xf32, #tpu.memory_space<vmem>>
      %dma_start3A_297 = arith.constant 0 : i32
      %dma_start3A_298 = tpu.memref_slice %arg11[%add3A_253, %dma_start3A_297] : memref<8x64xi32, #tpu.memory_space<vmem>> -> memref<1x64xi32, #tpu.memory_space<vmem>>
      %dma_start3A_299 = tpu.memref_squeeze %dma_start3A_298 : memref<1x64xi32, #tpu.memory_space<vmem>> -> memref<64xi32, #tpu.memory_space<vmem>>
      %dma_start3A_300 = arith.constant 0 : i32
      %dma_start3A_301 = arith.constant 0 : i32
      %dma_start3A_302 = tpu.memref_slice %arg20[%dma_start3A_300, %dma_start3A_301] : memref<1000x128xf32, #tpu.memory_space<vmem_shared>> -> memref<1000x128xf32, #tpu.memory_space<vmem_shared>>
      tpu.enqueue_indirect_dma source(%dma_start3A_302 : memref<1000x128xf32, #tpu.memory_space<vmem_shared>>) target(%dma_start3A_296 : memref<64x128xf32, #tpu.memory_space<vmem>>) offsets(%dma_start3A_299 : memref<64xi32, #tpu.memory_space<vmem>>) semaphore(%arg25 : memref<!tpu.dma_semaphore, #tpu.memory_space<semaphore_mem>>)
      %dma_start3A_303 = arith.constant 1 : i32
      %dma_start3A_304 = arith.constant 0 : i32
      %dma_start3A_305 = arith.constant 0 : i32
      %dma_start3A_306 = tpu.memref_slice %arg18[%dma_start3A_303, %dma_start3A_304, %dma_start3A_305] : memref<2x64x128xf32, #tpu.memory_space<vmem>> -> memref<1x64x128xf32, #tpu.memory_space<vmem>>
      %dma_start3A_307 = tpu.memref_squeeze %dma_start3A_306 : memref<1x64x128xf32, #tpu.memory_space<vmem>> -> memref<64x128xf32, #tpu.memory_space<vmem>>
      %dma_start3A_308 = arith.constant 0 : i32
      %dma_start3A_309 = tpu.memref_slice %arg11[%add3A_253, %dma_start3A_308] : memref<8x64xi32, #tpu.memory_space<vmem>> -> memref<1x64xi32, #tpu.memory_space<vmem>>
      %dma_start3A_310 = tpu.memref_squeeze %dma_start3A_309 : memref<1x64xi32, #tpu.memory_space<vmem>> -> memref<64xi32, #tpu.memory_space<vmem>>
      %dma_start3A_311 = arith.constant 0 : i32
      %dma_start3A_312 = arith.constant 0 : i32
      %dma_start3A_313 = tpu.memref_slice %arg21[%dma_start3A_311, %dma_start3A_312] : memref<1000x128xf32, #tpu.memory_space<vmem_shared>> -> memref<1000x128xf32, #tpu.memory_space<vmem_shared>>
      tpu.enqueue_indirect_dma source(%dma_start3A_313 : memref<1000x128xf32, #tpu.memory_space<vmem_shared>>) target(%dma_start3A_307 : memref<64x128xf32, #tpu.memory_space<vmem>>) offsets(%dma_start3A_310 : memref<64xi32, #tpu.memory_space<vmem>>) semaphore(%arg25 : memref<!tpu.dma_semaphore, #tpu.memory_space<semaphore_mem>>)
      %mul3A_314 = arith.constant 64 : i32
      %mul3A_315 = arith.muli %mul3A_251, %mul3A_314 : i32
      %dma_wait3A_316 = arith.constant 0 : i32
      %dma_wait3A_317 = arith.constant 0 : i32
      %dma_wait3A_318 = arith.constant 0 : i32
      %dma_wait3A_319 = tpu.memref_slice %arg13[%dma_wait3A_316, %dma_wait3A_317, %dma_wait3A_318] : memref<2x64x128xf32, #tpu.memory_space<vmem>> -> memref<1x64x128xf32, #tpu.memory_space<vmem>>
      %dma_wait3A_320 = tpu.memref_squeeze %dma_wait3A_319 : memref<1x64x128xf32, #tpu.memory_space<vmem>> -> memref<64x128xf32, #tpu.memory_space<vmem>>
      %dma_wait3A_321 = arith.constant 0 : i32
      %dma_wait3A_322 = arith.constant 0 : i32
      %dma_wait3A_323 = tpu.memref_slice %arg2[%dma_wait3A_321, %dma_wait3A_322] : memref<100000x128xf32, #tpu.memory_space<hbm>> -> memref<64x128xf32, #tpu.memory_space<hbm>>
      %dma_wait3A_324 = arith.constant 0 : i32
      %dma_wait3A_325 = arith.constant 0 : i32
      %dma_wait3A_326 = tpu.memref_slice %arg13[%dma_wait3A_316, %dma_wait3A_324, %dma_wait3A_325] : memref<2x64x128xf32, #tpu.memory_space<vmem>> -> memref<1x64x128xf32, #tpu.memory_space<vmem>>
      %dma_wait3A_327 = tpu.memref_squeeze %dma_wait3A_326 : memref<1x64x128xf32, #tpu.memory_space<vmem>> -> memref<64x128xf32, #tpu.memory_space<vmem>>
      %dma_wait3A_328 = arith.constant 0 : i32
      %dma_wait3A_329 = arith.constant 0 : i32
      %dma_wait3A_330 = tpu.memref_slice %arg2[%dma_wait3A_328, %dma_wait3A_329] : memref<100000x128xf32, #tpu.memory_space<hbm>> -> memref<64x128xf32, #tpu.memory_space<hbm>>
      tpu.wait_dma2 semaphore(%arg22 : memref<!tpu.dma_semaphore, #tpu.memory_space<semaphore_mem>>) src(%dma_wait3A_330 : memref<64x128xf32, #tpu.memory_space<hbm>>) dst(%dma_wait3A_327 : memref<64x128xf32, #tpu.memory_space<vmem>>)
      %dma_wait3A_331 = arith.constant 0 : i32
      %dma_wait3A_332 = arith.constant 0 : i32
      %dma_wait3A_333 = arith.constant 0 : i32
      %dma_wait3A_334 = tpu.memref_slice %arg14[%dma_wait3A_331, %dma_wait3A_332, %dma_wait3A_333] : memref<2x64x128xf32, #tpu.memory_space<vmem>> -> memref<1x64x128xf32, #tpu.memory_space<vmem>>
      %dma_wait3A_335 = tpu.memref_squeeze %dma_wait3A_334 : memref<1x64x128xf32, #tpu.memory_space<vmem>> -> memref<64x128xf32, #tpu.memory_space<vmem>>
      %dma_wait3A_336 = arith.constant 0 : i32
      %dma_wait3A_337 = arith.constant 0 : i32
      %dma_wait3A_338 = tpu.memref_slice %arg2[%dma_wait3A_336, %dma_wait3A_337] : memref<100000x128xf32, #tpu.memory_space<hbm>> -> memref<64x128xf32, #tpu.memory_space<hbm>>
      %dma_wait3A_339 = arith.constant 0 : i32
      %dma_wait3A_340 = arith.constant 0 : i32
      %dma_wait3A_341 = tpu.memref_slice %arg14[%dma_wait3A_331, %dma_wait3A_339, %dma_wait3A_340] : memref<2x64x128xf32, #tpu.memory_space<vmem>> -> memref<1x64x128xf32, #tpu.memory_space<vmem>>
      %dma_wait3A_342 = tpu.memref_squeeze %dma_wait3A_341 : memref<1x64x128xf32, #tpu.memory_space<vmem>> -> memref<64x128xf32, #tpu.memory_space<vmem>>
      %dma_wait3A_343 = arith.constant 0 : i32
      %dma_wait3A_344 = arith.constant 0 : i32
      %dma_wait3A_345 = tpu.memref_slice %arg2[%dma_wait3A_343, %dma_wait3A_344] : memref<100000x128xf32, #tpu.memory_space<hbm>> -> memref<64x128xf32, #tpu.memory_space<hbm>>
      tpu.wait_dma2 semaphore(%arg22 : memref<!tpu.dma_semaphore, #tpu.memory_space<semaphore_mem>>) src(%dma_wait3A_345 : memref<64x128xf32, #tpu.memory_space<hbm>>) dst(%dma_wait3A_342 : memref<64x128xf32, #tpu.memory_space<vmem>>)
      %dma_wait3A_346 = arith.constant 0 : i32
      %dma_wait3A_347 = arith.constant 0 : i32
      %dma_wait3A_348 = arith.constant 0 : i32
      %dma_wait3A_349 = tpu.memref_slice %arg15[%dma_wait3A_346, %dma_wait3A_347, %dma_wait3A_348] : memref<2x64x128xf32, #tpu.memory_space<vmem>> -> memref<1x64x128xf32, #tpu.memory_space<vmem>>
      %dma_wait3A_350 = tpu.memref_squeeze %dma_wait3A_349 : memref<1x64x128xf32, #tpu.memory_space<vmem>> -> memref<64x128xf32, #tpu.memory_space<vmem>>
      %dma_wait3A_351 = arith.constant 0 : i32
      %dma_wait3A_352 = arith.constant 0 : i32
      %dma_wait3A_353 = tpu.memref_slice %arg2[%dma_wait3A_351, %dma_wait3A_352] : memref<100000x128xf32, #tpu.memory_space<hbm>> -> memref<64x128xf32, #tpu.memory_space<hbm>>
      %dma_wait3A_354 = arith.constant 0 : i32
      %dma_wait3A_355 = arith.constant 0 : i32
      %dma_wait3A_356 = tpu.memref_slice %arg15[%dma_wait3A_346, %dma_wait3A_354, %dma_wait3A_355] : memref<2x64x128xf32, #tpu.memory_space<vmem>> -> memref<1x64x128xf32, #tpu.memory_space<vmem>>
      %dma_wait3A_357 = tpu.memref_squeeze %dma_wait3A_356 : memref<1x64x128xf32, #tpu.memory_space<vmem>> -> memref<64x128xf32, #tpu.memory_space<vmem>>
      %dma_wait3A_358 = arith.constant 0 : i32
      %dma_wait3A_359 = arith.constant 0 : i32
      %dma_wait3A_360 = tpu.memref_slice %arg2[%dma_wait3A_358, %dma_wait3A_359] : memref<100000x128xf32, #tpu.memory_space<hbm>> -> memref<64x128xf32, #tpu.memory_space<hbm>>
      tpu.wait_dma2 semaphore(%arg22 : memref<!tpu.dma_semaphore, #tpu.memory_space<semaphore_mem>>) src(%dma_wait3A_360 : memref<64x128xf32, #tpu.memory_space<hbm>>) dst(%dma_wait3A_357 : memref<64x128xf32, #tpu.memory_space<vmem>>)
      %dma_wait3A_361 = arith.constant 0 : i32
      %dma_wait3A_362 = arith.constant 0 : i32
      %dma_wait3A_363 = arith.constant 0 : i32
      %dma_wait3A_364 = tpu.memref_slice %arg16[%dma_wait3A_361, %dma_wait3A_362, %dma_wait3A_363] : memref<2x64x128xf32, #tpu.memory_space<vmem>> -> memref<1x64x128xf32, #tpu.memory_space<vmem>>
      %dma_wait3A_365 = tpu.memref_squeeze %dma_wait3A_364 : memref<1x64x128xf32, #tpu.memory_space<vmem>> -> memref<64x128xf32, #tpu.memory_space<vmem>>
      %dma_wait3A_366 = arith.constant 0 : i32
      %dma_wait3A_367 = arith.constant 0 : i32
      %dma_wait3A_368 = tpu.memref_slice %arg2[%dma_wait3A_366, %dma_wait3A_367] : memref<100000x128xf32, #tpu.memory_space<hbm>> -> memref<64x128xf32, #tpu.memory_space<hbm>>
      %dma_wait3A_369 = arith.constant 0 : i32
      %dma_wait3A_370 = arith.constant 0 : i32
      %dma_wait3A_371 = tpu.memref_slice %arg16[%dma_wait3A_361, %dma_wait3A_369, %dma_wait3A_370] : memref<2x64x128xf32, #tpu.memory_space<vmem>> -> memref<1x64x128xf32, #tpu.memory_space<vmem>>
      %dma_wait3A_372 = tpu.memref_squeeze %dma_wait3A_371 : memref<1x64x128xf32, #tpu.memory_space<vmem>> -> memref<64x128xf32, #tpu.memory_space<vmem>>
      %dma_wait3A_373 = arith.constant 0 : i32
      %dma_wait3A_374 = arith.constant 0 : i32
      %dma_wait3A_375 = tpu.memref_slice %arg2[%dma_wait3A_373, %dma_wait3A_374] : memref<100000x128xf32, #tpu.memory_space<hbm>> -> memref<64x128xf32, #tpu.memory_space<hbm>>
      tpu.wait_dma2 semaphore(%arg22 : memref<!tpu.dma_semaphore, #tpu.memory_space<semaphore_mem>>) src(%dma_wait3A_375 : memref<64x128xf32, #tpu.memory_space<hbm>>) dst(%dma_wait3A_372 : memref<64x128xf32, #tpu.memory_space<vmem>>)
      %dma_wait3A_376 = arith.constant 0 : i32
      %dma_wait3A_377 = arith.constant 0 : i32
      %dma_wait3A_378 = arith.constant 0 : i32
      %dma_wait3A_379 = tpu.memref_slice %arg17[%dma_wait3A_376, %dma_wait3A_377, %dma_wait3A_378] : memref<2x64x128xf32, #tpu.memory_space<vmem>> -> memref<1x64x128xf32, #tpu.memory_space<vmem>>
      %dma_wait3A_380 = tpu.memref_squeeze %dma_wait3A_379 : memref<1x64x128xf32, #tpu.memory_space<vmem>> -> memref<64x128xf32, #tpu.memory_space<vmem>>
      %dma_wait3A_381 = arith.constant 0 : i32
      %dma_wait3A_382 = tpu.memref_slice %arg11[%mul3A_251, %dma_wait3A_381] : memref<8x64xi32, #tpu.memory_space<vmem>> -> memref<1x64xi32, #tpu.memory_space<vmem>>
      %dma_wait3A_383 = tpu.memref_squeeze %dma_wait3A_382 : memref<1x64xi32, #tpu.memory_space<vmem>> -> memref<64xi32, #tpu.memory_space<vmem>>
      %dma_wait3A_384 = arith.constant 0 : i32
      %dma_wait3A_385 = arith.constant 0 : i32
      %dma_wait3A_386 = tpu.memref_slice %arg20[%dma_wait3A_384, %dma_wait3A_385] : memref<1000x128xf32, #tpu.memory_space<vmem_shared>> -> memref<1000x128xf32, #tpu.memory_space<vmem_shared>>
      tpu.wait_indirect_dma semaphore(%arg24 : memref<!tpu.dma_semaphore, #tpu.memory_space<semaphore_mem>>) src(%dma_wait3A_386 : memref<1000x128xf32, #tpu.memory_space<vmem_shared>>) dst(%dma_wait3A_380 : memref<64x128xf32, #tpu.memory_space<vmem>>)
      %dma_wait3A_387 = arith.constant 0 : i32
      %dma_wait3A_388 = arith.constant 0 : i32
      %dma_wait3A_389 = arith.constant 0 : i32
      %dma_wait3A_390 = tpu.memref_slice %arg18[%dma_wait3A_387, %dma_wait3A_388, %dma_wait3A_389] : memref<2x64x128xf32, #tpu.memory_space<vmem>> -> memref<1x64x128xf32, #tpu.memory_space<vmem>>
      %dma_wait3A_391 = tpu.memref_squeeze %dma_wait3A_390 : memref<1x64x128xf32, #tpu.memory_space<vmem>> -> memref<64x128xf32, #tpu.memory_space<vmem>>
      %dma_wait3A_392 = arith.constant 0 : i32
      %dma_wait3A_393 = tpu.memref_slice %arg11[%mul3A_251, %dma_wait3A_392] : memref<8x64xi32, #tpu.memory_space<vmem>> -> memref<1x64xi32, #tpu.memory_space<vmem>>
      %dma_wait3A_394 = tpu.memref_squeeze %dma_wait3A_393 : memref<1x64xi32, #tpu.memory_space<vmem>> -> memref<64xi32, #tpu.memory_space<vmem>>
      %dma_wait3A_395 = arith.constant 0 : i32
      %dma_wait3A_396 = arith.constant 0 : i32
      %dma_wait3A_397 = tpu.memref_slice %arg21[%dma_wait3A_395, %dma_wait3A_396] : memref<1000x128xf32, #tpu.memory_space<vmem_shared>> -> memref<1000x128xf32, #tpu.memory_space<vmem_shared>>
      tpu.wait_indirect_dma semaphore(%arg24 : memref<!tpu.dma_semaphore, #tpu.memory_space<semaphore_mem>>) src(%dma_wait3A_397 : memref<1000x128xf32, #tpu.memory_space<vmem_shared>>) dst(%dma_wait3A_391 : memref<64x128xf32, #tpu.memory_space<vmem>>)
      %mul3A_398 = arith.constant 64 : i32
      %mul3A_399 = arith.muli %mul3A_251, %mul3A_398 : i32
      %scan3A_400 = arith.constant 0 : i32
      %scan3A_401 = arith.constant 0 : i32
      %scan3A_402 = arith.constant 0 : i32
      %scan3A_403 = arith.constant 0 : i32
      %scan3A_404 = arith.constant 0 : i32
      %scan3A_405 = arith.constant 0 : i32
      %scan3A_406 = arith.constant 0 : i32
      %scan3A_407 = arith.constant 0 : i32
      %scan3A_408 = arith.constant 4 : i32
      %scan3A_409 = arith.addi %scan3A_407, %scan3A_408 : i32
      %scan3A_410 = arith.constant 1 : i32
      scf.for %scan3A_519 = %scan3A_407 to %scan3A_409 step %scan3A_410  : i32 {
        %iota3A = tpu.iota {dimensions = array<i32: 0>} : vector<16xi32>
        %xor3A = arith.constant 1 : i32
        %xor3A_520 = vector.broadcast %xor3A : i32 to vector<16xi32>
        %xor3A_521 = arith.xori %iota3A, %xor3A_520 : vector<16xi32>
        %xor3A_522 = arith.constant 2 : i32
        %xor3A_523 = vector.broadcast %xor3A_522 : i32 to vector<16xi32>
        %xor3A_524 = arith.xori %iota3A, %xor3A_523 : vector<16xi32>
        %xor3A_525 = arith.constant 4 : i32
        %xor3A_526 = vector.broadcast %xor3A_525 : i32 to vector<16xi32>
        %xor3A_527 = arith.xori %iota3A, %xor3A_526 : vector<16xi32>
        %xor3A_528 = arith.constant 8 : i32
        %xor3A_529 = vector.broadcast %xor3A_528 : i32 to vector<16xi32>
        %xor3A_530 = arith.xori %iota3A, %xor3A_529 : vector<16xi32>
        %broadcast_in_dim3A = arith.constant 0.000000e+00 : f32
        %broadcast_in_dim3A_531 = vector.broadcast %broadcast_in_dim3A : f32 to vector<16xf32>
        %parallel_loop3A = arith.constant 0 : i32
        %parallel_loop3A_532 = arith.constant 16 : i32
        %parallel_loop3A_533 = arith.constant 1 : i32
        %parallel_loop3A_534 = scf.for %parallel_loop3A_548 = %parallel_loop3A to %parallel_loop3A_532 step %parallel_loop3A_533 iter_args(%parallel_loop3A_549 = %broadcast_in_dim3A_531) -> (vector<16xf32>)  : i32 {
          %parallel_loop3A_550 = arith.constant 16 : i32
          %parallel_loop3A_551 = arith.muli %scan3A_519, %parallel_loop3A_550 : i32
          %parallel_loop3A_552 = arith.addi %parallel_loop3A_551, %parallel_loop3A_548 : i32
          %parallel_loop3A_553 = arith.constant 0.000000e+00 : f32
          %parallel_loop3A_554 = vector.broadcast %parallel_loop3A_553 : f32 to vector<16xf32>
          %parallel_loop3A_555 = arith.constant 0.000000e+00 : f32
          %parallel_loop3A_556 = vector.broadcast %parallel_loop3A_555 : f32 to vector<16xf32>
          %parallel_loop3A_557 = arith.constant 0 : i32
          %parallel_loop3A_558 = arith.constant 0 : i32
          %parallel_loop3A_559 = tpu.memref_slice %arg13[%scan3A_401, %parallel_loop3A_557, %parallel_loop3A_558] : memref<2x64x128xf32, #tpu.memory_space<vmem>> -> memref<1x64x128xf32, #tpu.memory_space<vmem>>
          %parallel_loop3A_560 = tpu.memref_squeeze %parallel_loop3A_559 : memref<1x64x128xf32, #tpu.memory_space<vmem>> -> memref<64x128xf32, #tpu.memory_space<vmem>>
          %parallel_loop3A_561 = arith.index_cast %parallel_loop3A_552 : i32 to index
          %parallel_loop3A_562 = arith.constant 0 : index
          %parallel_loop3A_563 = tpu.vector_load %parallel_loop3A_560[%parallel_loop3A_561, %parallel_loop3A_562] {strides = array<i32>} : memref<64x128xf32, #tpu.memory_space<vmem>>, vector<1x16xf32>,
          %parallel_loop3A_564 = vector.shape_cast %parallel_loop3A_563 : vector<1x16xf32> to vector<16xf32>
          %parallel_loop3A_565 = arith.constant 0 : i32
          %parallel_loop3A_566 = arith.constant 0 : i32
          %parallel_loop3A_567 = tpu.memref_slice %arg14[%scan3A_402, %parallel_loop3A_565, %parallel_loop3A_566] : memref<2x64x128xf32, #tpu.memory_space<vmem>> -> memref<1x64x128xf32, #tpu.memory_space<vmem>>
          %parallel_loop3A_568 = tpu.memref_squeeze %parallel_loop3A_567 : memref<1x64x128xf32, #tpu.memory_space<vmem>> -> memref<64x128xf32, #tpu.memory_space<vmem>>
          %parallel_loop3A_569 = arith.index_cast %parallel_loop3A_552 : i32 to index
          %parallel_loop3A_570 = arith.constant 0 : index
          %parallel_loop3A_571 = tpu.vector_load %parallel_loop3A_568[%parallel_loop3A_569, %parallel_loop3A_570] {strides = array<i32>} : memref<64x128xf32, #tpu.memory_space<vmem>>, vector<1x16xf32>,
          %parallel_loop3A_572 = vector.shape_cast %parallel_loop3A_571 : vector<1x16xf32> to vector<16xf32>
          %parallel_loop3A_573 = arith.constant 0 : i32
          %parallel_loop3A_574 = arith.constant 0 : i32
          %parallel_loop3A_575 = tpu.memref_slice %arg15[%scan3A_403, %parallel_loop3A_573, %parallel_loop3A_574] : memref<2x64x128xf32, #tpu.memory_space<vmem>> -> memref<1x64x128xf32, #tpu.memory_space<vmem>>
          %parallel_loop3A_576 = tpu.memref_squeeze %parallel_loop3A_575 : memref<1x64x128xf32, #tpu.memory_space<vmem>> -> memref<64x128xf32, #tpu.memory_space<vmem>>
          %parallel_loop3A_577 = arith.index_cast %parallel_loop3A_552 : i32 to index
          %parallel_loop3A_578 = arith.constant 0 : index
          %parallel_loop3A_579 = tpu.vector_load %parallel_loop3A_576[%parallel_loop3A_577, %parallel_loop3A_578] {strides = array<i32>} : memref<64x128xf32, #tpu.memory_space<vmem>>, vector<1x16xf32>,
          %parallel_loop3A_580 = vector.shape_cast %parallel_loop3A_579 : vector<1x16xf32> to vector<16xf32>
          %parallel_loop3A_581 = arith.constant 0 : i32
          %parallel_loop3A_582 = arith.constant 0 : i32
          %parallel_loop3A_583 = tpu.memref_slice %arg16[%scan3A_404, %parallel_loop3A_581, %parallel_loop3A_582] : memref<2x64x128xf32, #tpu.memory_space<vmem>> -> memref<1x64x128xf32, #tpu.memory_space<vmem>>
          %parallel_loop3A_584 = tpu.memref_squeeze %parallel_loop3A_583 : memref<1x64x128xf32, #tpu.memory_space<vmem>> -> memref<64x128xf32, #tpu.memory_space<vmem>>
          %parallel_loop3A_585 = arith.index_cast %parallel_loop3A_552 : i32 to index
          %parallel_loop3A_586 = arith.constant 0 : index
          %parallel_loop3A_587 = tpu.vector_load %parallel_loop3A_584[%parallel_loop3A_585, %parallel_loop3A_586] {strides = array<i32>} : memref<64x128xf32, #tpu.memory_space<vmem>>, vector<1x16xf32>,
          %parallel_loop3A_588 = vector.shape_cast %parallel_loop3A_587 : vector<1x16xf32> to vector<16xf32>
          %parallel_loop3A_589 = arith.constant 0 : i32
          %parallel_loop3A_590 = arith.constant 0 : i32
          %parallel_loop3A_591 = tpu.memref_slice %arg17[%scan3A_405, %parallel_loop3A_589, %parallel_loop3A_590] : memref<2x64x128xf32, #tpu.memory_space<vmem>> -> memref<1x64x128xf32, #tpu.memory_space<vmem>>
          %parallel_loop3A_592 = tpu.memref_squeeze %parallel_loop3A_591 : memref<1x64x128xf32, #tpu.memory_space<vmem>> -> memref<64x128xf32, #tpu.memory_space<vmem>>
          %parallel_loop3A_593 = arith.index_cast %parallel_loop3A_552 : i32 to index
          %parallel_loop3A_594 = arith.constant 0 : index
          %parallel_loop3A_595 = tpu.vector_load %parallel_loop3A_592[%parallel_loop3A_593, %parallel_loop3A_594] {strides = array<i32>} : memref<64x128xf32, #tpu.memory_space<vmem>>, vector<1x16xf32>,
          %parallel_loop3A_596 = vector.shape_cast %parallel_loop3A_595 : vector<1x16xf32> to vector<16xf32>
          %parallel_loop3A_597 = arith.constant 0 : i32
          %parallel_loop3A_598 = arith.constant 0 : i32
          %parallel_loop3A_599 = tpu.memref_slice %arg18[%scan3A_406, %parallel_loop3A_597, %parallel_loop3A_598] : memref<2x64x128xf32, #tpu.memory_space<vmem>> -> memref<1x64x128xf32, #tpu.memory_space<vmem>>
          %parallel_loop3A_600 = tpu.memref_squeeze %parallel_loop3A_599 : memref<1x64x128xf32, #tpu.memory_space<vmem>> -> memref<64x128xf32, #tpu.memory_space<vmem>>
          %parallel_loop3A_601 = arith.index_cast %parallel_loop3A_552 : i32 to index
          %parallel_loop3A_602 = arith.constant 0 : index
          %parallel_loop3A_603 = tpu.vector_load %parallel_loop3A_600[%parallel_loop3A_601, %parallel_loop3A_602] {strides = array<i32>} : memref<64x128xf32, #tpu.memory_space<vmem>>, vector<1x16xf32>,
          %parallel_loop3A_604 = vector.shape_cast %parallel_loop3A_603 : vector<1x16xf32> to vector<16xf32>
          %parallel_loop3A_605 = arith.mulf %parallel_loop3A_564, %parallel_loop3A_580 : vector<16xf32>
          %parallel_loop3A_606 = arith.mulf %parallel_loop3A_572, %parallel_loop3A_588 : vector<16xf32>
          %parallel_loop3A_607 = arith.addf %parallel_loop3A_605, %parallel_loop3A_606 : vector<16xf32>
          %parallel_loop3A_608 = arith.mulf %parallel_loop3A_596, %parallel_loop3A_607 : vector<16xf32>
          %parallel_loop3A_609 = arith.addf %parallel_loop3A_554, %parallel_loop3A_608 : vector<16xf32>
          %parallel_loop3A_610 = arith.mulf %parallel_loop3A_564, %parallel_loop3A_588 : vector<16xf32>
          %parallel_loop3A_611 = arith.mulf %parallel_loop3A_572, %parallel_loop3A_580 : vector<16xf32>
          %parallel_loop3A_612 = arith.subf %parallel_loop3A_610, %parallel_loop3A_611 : vector<16xf32>
          %parallel_loop3A_613 = arith.mulf %parallel_loop3A_604, %parallel_loop3A_612 : vector<16xf32>
          %parallel_loop3A_614 = arith.addf %parallel_loop3A_556, %parallel_loop3A_613 : vector<16xf32>
          %parallel_loop3A_615 = arith.constant 0 : i32
          %parallel_loop3A_616 = arith.constant 0 : i32
          %parallel_loop3A_617 = tpu.memref_slice %arg13[%scan3A_401, %parallel_loop3A_615, %parallel_loop3A_616] : memref<2x64x128xf32, #tpu.memory_space<vmem>> -> memref<1x64x128xf32, #tpu.memory_space<vmem>>
          %parallel_loop3A_618 = tpu.memref_squeeze %parallel_loop3A_617 : memref<1x64x128xf32, #tpu.memory_space<vmem>> -> memref<64x128xf32, #tpu.memory_space<vmem>>
          %parallel_loop3A_619 = arith.index_cast %parallel_loop3A_552 : i32 to index
          %parallel_loop3A_620 = arith.constant 16 : index
          %parallel_loop3A_621 = tpu.vector_load %parallel_loop3A_618[%parallel_loop3A_619, %parallel_loop3A_620] {strides = array<i32>} : memref<64x128xf32, #tpu.memory_space<vmem>>, vector<1x16xf32>,
          %parallel_loop3A_622 = vector.shape_cast %parallel_loop3A_621 : vector<1x16xf32> to vector<16xf32>
          %parallel_loop3A_623 = arith.constant 0 : i32
          %parallel_loop3A_624 = arith.constant 0 : i32
          %parallel_loop3A_625 = tpu.memref_slice %arg14[%scan3A_402, %parallel_loop3A_623, %parallel_loop3A_624] : memref<2x64x128xf32, #tpu.memory_space<vmem>> -> memref<1x64x128xf32, #tpu.memory_space<vmem>>
          %parallel_loop3A_626 = tpu.memref_squeeze %parallel_loop3A_625 : memref<1x64x128xf32, #tpu.memory_space<vmem>> -> memref<64x128xf32, #tpu.memory_space<vmem>>
          %parallel_loop3A_627 = arith.index_cast %parallel_loop3A_552 : i32 to index
          %parallel_loop3A_628 = arith.constant 16 : index
          %parallel_loop3A_629 = tpu.vector_load %parallel_loop3A_626[%parallel_loop3A_627, %parallel_loop3A_628] {strides = array<i32>} : memref<64x128xf32, #tpu.memory_space<vmem>>, vector<1x16xf32>,
          %parallel_loop3A_630 = vector.shape_cast %parallel_loop3A_629 : vector<1x16xf32> to vector<16xf32>
          %parallel_loop3A_631 = arith.constant 0 : i32
          %parallel_loop3A_632 = arith.constant 0 : i32
          %parallel_loop3A_633 = tpu.memref_slice %arg15[%scan3A_403, %parallel_loop3A_631, %parallel_loop3A_632] : memref<2x64x128xf32, #tpu.memory_space<vmem>> -> memref<1x64x128xf32, #tpu.memory_space<vmem>>
          %parallel_loop3A_634 = tpu.memref_squeeze %parallel_loop3A_633 : memref<1x64x128xf32, #tpu.memory_space<vmem>> -> memref<64x128xf32, #tpu.memory_space<vmem>>
          %parallel_loop3A_635 = arith.index_cast %parallel_loop3A_552 : i32 to index
          %parallel_loop3A_636 = arith.constant 16 : index
          %parallel_loop3A_637 = tpu.vector_load %parallel_loop3A_634[%parallel_loop3A_635, %parallel_loop3A_636] {strides = array<i32>} : memref<64x128xf32, #tpu.memory_space<vmem>>, vector<1x16xf32>,
          %parallel_loop3A_638 = vector.shape_cast %parallel_loop3A_637 : vector<1x16xf32> to vector<16xf32>
          %parallel_loop3A_639 = arith.constant 0 : i32
          %parallel_loop3A_640 = arith.constant 0 : i32
          %parallel_loop3A_641 = tpu.memref_slice %arg16[%scan3A_404, %parallel_loop3A_639, %parallel_loop3A_640] : memref<2x64x128xf32, #tpu.memory_space<vmem>> -> memref<1x64x128xf32, #tpu.memory_space<vmem>>
          %parallel_loop3A_642 = tpu.memref_squeeze %parallel_loop3A_641 : memref<1x64x128xf32, #tpu.memory_space<vmem>> -> memref<64x128xf32, #tpu.memory_space<vmem>>
          %parallel_loop3A_643 = arith.index_cast %parallel_loop3A_552 : i32 to index
          %parallel_loop3A_644 = arith.constant 16 : index
          %parallel_loop3A_645 = tpu.vector_load %parallel_loop3A_642[%parallel_loop3A_643, %parallel_loop3A_644] {strides = array<i32>} : memref<64x128xf32, #tpu.memory_space<vmem>>, vector<1x16xf32>,
          %parallel_loop3A_646 = vector.shape_cast %parallel_loop3A_645 : vector<1x16xf32> to vector<16xf32>
          %parallel_loop3A_647 = arith.constant 0 : i32
          %parallel_loop3A_648 = arith.constant 0 : i32
          %parallel_loop3A_649 = tpu.memref_slice %arg17[%scan3A_405, %parallel_loop3A_647, %parallel_loop3A_648] : memref<2x64x128xf32, #tpu.memory_space<vmem>> -> memref<1x64x128xf32, #tpu.memory_space<vmem>>
          %parallel_loop3A_650 = tpu.memref_squeeze %parallel_loop3A_649 : memref<1x64x128xf32, #tpu.memory_space<vmem>> -> memref<64x128xf32, #tpu.memory_space<vmem>>
          %parallel_loop3A_651 = arith.index_cast %parallel_loop3A_552 : i32 to index
          %parallel_loop3A_652 = arith.constant 16 : index
          %parallel_loop3A_653 = tpu.vector_load %parallel_loop3A_650[%parallel_loop3A_651, %parallel_loop3A_652] {strides = array<i32>} : memref<64x128xf32, #tpu.memory_space<vmem>>, vector<1x16xf32>,
          %parallel_loop3A_654 = vector.shape_cast %parallel_loop3A_653 : vector<1x16xf32> to vector<16xf32>
          %parallel_loop3A_655 = arith.constant 0 : i32
          %parallel_loop3A_656 = arith.constant 0 : i32
          %parallel_loop3A_657 = tpu.memref_slice %arg18[%scan3A_406, %parallel_loop3A_655, %parallel_loop3A_656] : memref<2x64x128xf32, #tpu.memory_space<vmem>> -> memref<1x64x128xf32, #tpu.memory_space<vmem>>
          %parallel_loop3A_658 = tpu.memref_squeeze %parallel_loop3A_657 : memref<1x64x128xf32, #tpu.memory_space<vmem>> -> memref<64x128xf32, #tpu.memory_space<vmem>>
          %parallel_loop3A_659 = arith.index_cast %parallel_loop3A_552 : i32 to index
          %parallel_loop3A_660 = arith.constant 16 : index
          %parallel_loop3A_661 = tpu.vector_load %parallel_loop3A_658[%parallel_loop3A_659, %parallel_loop3A_660] {strides = array<i32>} : memref<64x128xf32, #tpu.memory_space<vmem>>, vector<1x16xf32>,
          %parallel_loop3A_662 = vector.shape_cast %parallel_loop3A_661 : vector<1x16xf32> to vector<16xf32>
          %parallel_loop3A_663 = arith.mulf %parallel_loop3A_622, %parallel_loop3A_638 : vector<16xf32>
          %parallel_loop3A_664 = arith.mulf %parallel_loop3A_630, %parallel_loop3A_646 : vector<16xf32>
          %parallel_loop3A_665 = arith.addf %parallel_loop3A_663, %parallel_loop3A_664 : vector<16xf32>
          %parallel_loop3A_666 = arith.mulf %parallel_loop3A_654, %parallel_loop3A_665 : vector<16xf32>
          %parallel_loop3A_667 = arith.addf %parallel_loop3A_609, %parallel_loop3A_666 : vector<16xf32>
          %parallel_loop3A_668 = arith.mulf %parallel_loop3A_622, %parallel_loop3A_646 : vector<16xf32>
          %parallel_loop3A_669 = arith.mulf %parallel_loop3A_630, %parallel_loop3A_638 : vector<16xf32>
          %parallel_loop3A_670 = arith.subf %parallel_loop3A_668, %parallel_loop3A_669 : vector<16xf32>
          %parallel_loop3A_671 = arith.mulf %parallel_loop3A_662, %parallel_loop3A_670 : vector<16xf32>
          %parallel_loop3A_672 = arith.addf %parallel_loop3A_614, %parallel_loop3A_671 : vector<16xf32>
          %parallel_loop3A_673 = arith.constant 0 : i32
          %parallel_loop3A_674 = arith.constant 0 : i32
          %parallel_loop3A_675 = tpu.memref_slice %arg13[%scan3A_401, %parallel_loop3A_673, %parallel_loop3A_674] : memref<2x64x128xf32, #tpu.memory_space<vmem>> -> memref<1x64x128xf32, #tpu.memory_space<vmem>>
          %parallel_loop3A_676 = tpu.memref_squeeze %parallel_loop3A_675 : memref<1x64x128xf32, #tpu.memory_space<vmem>> -> memref<64x128xf32, #tpu.memory_space<vmem>>
          %parallel_loop3A_677 = arith.index_cast %parallel_loop3A_552 : i32 to index
          %parallel_loop3A_678 = arith.constant 32 : index
          %parallel_loop3A_679 = tpu.vector_load %parallel_loop3A_676[%parallel_loop3A_677, %parallel_loop3A_678] {strides = array<i32>} : memref<64x128xf32, #tpu.memory_space<vmem>>, vector<1x16xf32>,
          %parallel_loop3A_680 = vector.shape_cast %parallel_loop3A_679 : vector<1x16xf32> to vector<16xf32>
          %parallel_loop3A_681 = arith.constant 0 : i32
          %parallel_loop3A_682 = arith.constant 0 : i32
          %parallel_loop3A_683 = tpu.memref_slice %arg14[%scan3A_402, %parallel_loop3A_681, %parallel_loop3A_682] : memref<2x64x128xf32, #tpu.memory_space<vmem>> -> memref<1x64x128xf32, #tpu.memory_space<vmem>>
          %parallel_loop3A_684 = tpu.memref_squeeze %parallel_loop3A_683 : memref<1x64x128xf32, #tpu.memory_space<vmem>> -> memref<64x128xf32, #tpu.memory_space<vmem>>
          %parallel_loop3A_685 = arith.index_cast %parallel_loop3A_552 : i32 to index
          %parallel_loop3A_686 = arith.constant 32 : index
          %parallel_loop3A_687 = tpu.vector_load %parallel_loop3A_684[%parallel_loop3A_685, %parallel_loop3A_686] {strides = array<i32>} : memref<64x128xf32, #tpu.memory_space<vmem>>, vector<1x16xf32>,
          %parallel_loop3A_688 = vector.shape_cast %parallel_loop3A_687 : vector<1x16xf32> to vector<16xf32>
          %parallel_loop3A_689 = arith.constant 0 : i32
          %parallel_loop3A_690 = arith.constant 0 : i32
          %parallel_loop3A_691 = tpu.memref_slice %arg15[%scan3A_403, %parallel_loop3A_689, %parallel_loop3A_690] : memref<2x64x128xf32, #tpu.memory_space<vmem>> -> memref<1x64x128xf32, #tpu.memory_space<vmem>>
          %parallel_loop3A_692 = tpu.memref_squeeze %parallel_loop3A_691 : memref<1x64x128xf32, #tpu.memory_space<vmem>> -> memref<64x128xf32, #tpu.memory_space<vmem>>
          %parallel_loop3A_693 = arith.index_cast %parallel_loop3A_552 : i32 to index
          %parallel_loop3A_694 = arith.constant 32 : index
          %parallel_loop3A_695 = tpu.vector_load %parallel_loop3A_692[%parallel_loop3A_693, %parallel_loop3A_694] {strides = array<i32>} : memref<64x128xf32, #tpu.memory_space<vmem>>, vector<1x16xf32>,
          %parallel_loop3A_696 = vector.shape_cast %parallel_loop3A_695 : vector<1x16xf32> to vector<16xf32>
          %parallel_loop3A_697 = arith.constant 0 : i32
          %parallel_loop3A_698 = arith.constant 0 : i32
          %parallel_loop3A_699 = tpu.memref_slice %arg16[%scan3A_404, %parallel_loop3A_697, %parallel_loop3A_698] : memref<2x64x128xf32, #tpu.memory_space<vmem>> -> memref<1x64x128xf32, #tpu.memory_space<vmem>>
          %parallel_loop3A_700 = tpu.memref_squeeze %parallel_loop3A_699 : memref<1x64x128xf32, #tpu.memory_space<vmem>> -> memref<64x128xf32, #tpu.memory_space<vmem>>
          %parallel_loop3A_701 = arith.index_cast %parallel_loop3A_552 : i32 to index
          %parallel_loop3A_702 = arith.constant 32 : index
          %parallel_loop3A_703 = tpu.vector_load %parallel_loop3A_700[%parallel_loop3A_701, %parallel_loop3A_702] {strides = array<i32>} : memref<64x128xf32, #tpu.memory_space<vmem>>, vector<1x16xf32>,
          %parallel_loop3A_704 = vector.shape_cast %parallel_loop3A_703 : vector<1x16xf32> to vector<16xf32>
          %parallel_loop3A_705 = arith.constant 0 : i32
          %parallel_loop3A_706 = arith.constant 0 : i32
          %parallel_loop3A_707 = tpu.memref_slice %arg17[%scan3A_405, %parallel_loop3A_705, %parallel_loop3A_706] : memref<2x64x128xf32, #tpu.memory_space<vmem>> -> memref<1x64x128xf32, #tpu.memory_space<vmem>>
          %parallel_loop3A_708 = tpu.memref_squeeze %parallel_loop3A_707 : memref<1x64x128xf32, #tpu.memory_space<vmem>> -> memref<64x128xf32, #tpu.memory_space<vmem>>
          %parallel_loop3A_709 = arith.index_cast %parallel_loop3A_552 : i32 to index
          %parallel_loop3A_710 = arith.constant 32 : index
          %parallel_loop3A_711 = tpu.vector_load %parallel_loop3A_708[%parallel_loop3A_709, %parallel_loop3A_710] {strides = array<i32>} : memref<64x128xf32, #tpu.memory_space<vmem>>, vector<1x16xf32>,
          %parallel_loop3A_712 = vector.shape_cast %parallel_loop3A_711 : vector<1x16xf32> to vector<16xf32>
          %parallel_loop3A_713 = arith.constant 0 : i32
          %parallel_loop3A_714 = arith.constant 0 : i32
          %parallel_loop3A_715 = tpu.memref_slice %arg18[%scan3A_406, %parallel_loop3A_713, %parallel_loop3A_714] : memref<2x64x128xf32, #tpu.memory_space<vmem>> -> memref<1x64x128xf32, #tpu.memory_space<vmem>>
          %parallel_loop3A_716 = tpu.memref_squeeze %parallel_loop3A_715 : memref<1x64x128xf32, #tpu.memory_space<vmem>> -> memref<64x128xf32, #tpu.memory_space<vmem>>
          %parallel_loop3A_717 = arith.index_cast %parallel_loop3A_552 : i32 to index
          %parallel_loop3A_718 = arith.constant 32 : index
          %parallel_loop3A_719 = tpu.vector_load %parallel_loop3A_716[%parallel_loop3A_717, %parallel_loop3A_718] {strides = array<i32>} : memref<64x128xf32, #tpu.memory_space<vmem>>, vector<1x16xf32>,
          %parallel_loop3A_720 = vector.shape_cast %parallel_loop3A_719 : vector<1x16xf32> to vector<16xf32>
          %parallel_loop3A_721 = arith.mulf %parallel_loop3A_680, %parallel_loop3A_696 : vector<16xf32>
          %parallel_loop3A_722 = arith.mulf %parallel_loop3A_688, %parallel_loop3A_704 : vector<16xf32>
          %parallel_loop3A_723 = arith.addf %parallel_loop3A_721, %parallel_loop3A_722 : vector<16xf32>
          %parallel_loop3A_724 = arith.mulf %parallel_loop3A_712, %parallel_loop3A_723 : vector<16xf32>
          %parallel_loop3A_725 = arith.addf %parallel_loop3A_667, %parallel_loop3A_724 : vector<16xf32>
          %parallel_loop3A_726 = arith.mulf %parallel_loop3A_680, %parallel_loop3A_704 : vector<16xf32>
          %parallel_loop3A_727 = arith.mulf %parallel_loop3A_688, %parallel_loop3A_696 : vector<16xf32>
          %parallel_loop3A_728 = arith.subf %parallel_loop3A_726, %parallel_loop3A_727 : vector<16xf32>
          %parallel_loop3A_729 = arith.mulf %parallel_loop3A_720, %parallel_loop3A_728 : vector<16xf32>
          %parallel_loop3A_730 = arith.addf %parallel_loop3A_672, %parallel_loop3A_729 : vector<16xf32>
          %parallel_loop3A_731 = arith.constant 0 : i32
          %parallel_loop3A_732 = arith.constant 0 : i32
          %parallel_loop3A_733 = tpu.memref_slice %arg13[%scan3A_401, %parallel_loop3A_731, %parallel_loop3A_732] : memref<2x64x128xf32, #tpu.memory_space<vmem>> -> memref<1x64x128xf32, #tpu.memory_space<vmem>>
          %parallel_loop3A_734 = tpu.memref_squeeze %parallel_loop3A_733 : memref<1x64x128xf32, #tpu.memory_space<vmem>> -> memref<64x128xf32, #tpu.memory_space<vmem>>
          %parallel_loop3A_735 = arith.index_cast %parallel_loop3A_552 : i32 to index
          %parallel_loop3A_736 = arith.constant 48 : index
          %parallel_loop3A_737 = tpu.vector_load %parallel_loop3A_734[%parallel_loop3A_735, %parallel_loop3A_736] {strides = array<i32>} : memref<64x128xf32, #tpu.memory_space<vmem>>, vector<1x16xf32>,
          %parallel_loop3A_738 = vector.shape_cast %parallel_loop3A_737 : vector<1x16xf32> to vector<16xf32>
          %parallel_loop3A_739 = arith.constant 0 : i32
          %parallel_loop3A_740 = arith.constant 0 : i32
          %parallel_loop3A_741 = tpu.memref_slice %arg14[%scan3A_402, %parallel_loop3A_739, %parallel_loop3A_740] : memref<2x64x128xf32, #tpu.memory_space<vmem>> -> memref<1x64x128xf32, #tpu.memory_space<vmem>>
          %parallel_loop3A_742 = tpu.memref_squeeze %parallel_loop3A_741 : memref<1x64x128xf32, #tpu.memory_space<vmem>> -> memref<64x128xf32, #tpu.memory_space<vmem>>
          %parallel_loop3A_743 = arith.index_cast %parallel_loop3A_552 : i32 to index
          %parallel_loop3A_744 = arith.constant 48 : index
          %parallel_loop3A_745 = tpu.vector_load %parallel_loop3A_742[%parallel_loop3A_743, %parallel_loop3A_744] {strides = array<i32>} : memref<64x128xf32, #tpu.memory_space<vmem>>, vector<1x16xf32>,
          %parallel_loop3A_746 = vector.shape_cast %parallel_loop3A_745 : vector<1x16xf32> to vector<16xf32>
          %parallel_loop3A_747 = arith.constant 0 : i32
          %parallel_loop3A_748 = arith.constant 0 : i32
          %parallel_loop3A_749 = tpu.memref_slice %arg15[%scan3A_403, %parallel_loop3A_747, %parallel_loop3A_748] : memref<2x64x128xf32, #tpu.memory_space<vmem>> -> memref<1x64x128xf32, #tpu.memory_space<vmem>>
          %parallel_loop3A_750 = tpu.memref_squeeze %parallel_loop3A_749 : memref<1x64x128xf32, #tpu.memory_space<vmem>> -> memref<64x128xf32, #tpu.memory_space<vmem>>
          %parallel_loop3A_751 = arith.index_cast %parallel_loop3A_552 : i32 to index
          %parallel_loop3A_752 = arith.constant 48 : index
          %parallel_loop3A_753 = tpu.vector_load %parallel_loop3A_750[%parallel_loop3A_751, %parallel_loop3A_752] {strides = array<i32>} : memref<64x128xf32, #tpu.memory_space<vmem>>, vector<1x16xf32>,
          %parallel_loop3A_754 = vector.shape_cast %parallel_loop3A_753 : vector<1x16xf32> to vector<16xf32>
          %parallel_loop3A_755 = arith.constant 0 : i32
          %parallel_loop3A_756 = arith.constant 0 : i32
          %parallel_loop3A_757 = tpu.memref_slice %arg16[%scan3A_404, %parallel_loop3A_755, %parallel_loop3A_756] : memref<2x64x128xf32, #tpu.memory_space<vmem>> -> memref<1x64x128xf32, #tpu.memory_space<vmem>>
          %parallel_loop3A_758 = tpu.memref_squeeze %parallel_loop3A_757 : memref<1x64x128xf32, #tpu.memory_space<vmem>> -> memref<64x128xf32, #tpu.memory_space<vmem>>
          %parallel_loop3A_759 = arith.index_cast %parallel_loop3A_552 : i32 to index
          %parallel_loop3A_760 = arith.constant 48 : index
          %parallel_loop3A_761 = tpu.vector_load %parallel_loop3A_758[%parallel_loop3A_759, %parallel_loop3A_760] {strides = array<i32>} : memref<64x128xf32, #tpu.memory_space<vmem>>, vector<1x16xf32>,
          %parallel_loop3A_762 = vector.shape_cast %parallel_loop3A_761 : vector<1x16xf32> to vector<16xf32>
          %parallel_loop3A_763 = arith.constant 0 : i32
          %parallel_loop3A_764 = arith.constant 0 : i32
          %parallel_loop3A_765 = tpu.memref_slice %arg17[%scan3A_405, %parallel_loop3A_763, %parallel_loop3A_764] : memref<2x64x128xf32, #tpu.memory_space<vmem>> -> memref<1x64x128xf32, #tpu.memory_space<vmem>>
          %parallel_loop3A_766 = tpu.memref_squeeze %parallel_loop3A_765 : memref<1x64x128xf32, #tpu.memory_space<vmem>> -> memref<64x128xf32, #tpu.memory_space<vmem>>
          %parallel_loop3A_767 = arith.index_cast %parallel_loop3A_552 : i32 to index
          %parallel_loop3A_768 = arith.constant 48 : index
          %parallel_loop3A_769 = tpu.vector_load %parallel_loop3A_766[%parallel_loop3A_767, %parallel_loop3A_768] {strides = array<i32>} : memref<64x128xf32, #tpu.memory_space<vmem>>, vector<1x16xf32>,
          %parallel_loop3A_770 = vector.shape_cast %parallel_loop3A_769 : vector<1x16xf32> to vector<16xf32>
          %parallel_loop3A_771 = arith.constant 0 : i32
          %parallel_loop3A_772 = arith.constant 0 : i32
          %parallel_loop3A_773 = tpu.memref_slice %arg18[%scan3A_406, %parallel_loop3A_771, %parallel_loop3A_772] : memref<2x64x128xf32, #tpu.memory_space<vmem>> -> memref<1x64x128xf32, #tpu.memory_space<vmem>>
          %parallel_loop3A_774 = tpu.memref_squeeze %parallel_loop3A_773 : memref<1x64x128xf32, #tpu.memory_space<vmem>> -> memref<64x128xf32, #tpu.memory_space<vmem>>
          %parallel_loop3A_775 = arith.index_cast %parallel_loop3A_552 : i32 to index
          %parallel_loop3A_776 = arith.constant 48 : index
          %parallel_loop3A_777 = tpu.vector_load %parallel_loop3A_774[%parallel_loop3A_775, %parallel_loop3A_776] {strides = array<i32>} : memref<64x128xf32, #tpu.memory_space<vmem>>, vector<1x16xf32>,
          %parallel_loop3A_778 = vector.shape_cast %parallel_loop3A_777 : vector<1x16xf32> to vector<16xf32>
          %parallel_loop3A_779 = arith.mulf %parallel_loop3A_738, %parallel_loop3A_754 : vector<16xf32>
          %parallel_loop3A_780 = arith.mulf %parallel_loop3A_746, %parallel_loop3A_762 : vector<16xf32>
          %parallel_loop3A_781 = arith.addf %parallel_loop3A_779, %parallel_loop3A_780 : vector<16xf32>
          %parallel_loop3A_782 = arith.mulf %parallel_loop3A_770, %parallel_loop3A_781 : vector<16xf32>
          %parallel_loop3A_783 = arith.addf %parallel_loop3A_725, %parallel_loop3A_782 : vector<16xf32>
          %parallel_loop3A_784 = arith.mulf %parallel_loop3A_738, %parallel_loop3A_762 : vector<16xf32>
          %parallel_loop3A_785 = arith.mulf %parallel_loop3A_746, %parallel_loop3A_754 : vector<16xf32>
          %parallel_loop3A_786 = arith.subf %parallel_loop3A_784, %parallel_loop3A_785 : vector<16xf32>
          %parallel_loop3A_787 = arith.mulf %parallel_loop3A_778, %parallel_loop3A_786 : vector<16xf32>
          %parallel_loop3A_788 = arith.addf %parallel_loop3A_730, %parallel_loop3A_787 : vector<16xf32>
          %parallel_loop3A_789 = arith.constant 0 : i32
          %parallel_loop3A_790 = arith.constant 0 : i32
          %parallel_loop3A_791 = tpu.memref_slice %arg13[%scan3A_401, %parallel_loop3A_789, %parallel_loop3A_790] : memref<2x64x128xf32, #tpu.memory_space<vmem>> -> memref<1x64x128xf32, #tpu.memory_space<vmem>>
          %parallel_loop3A_792 = tpu.memref_squeeze %parallel_loop3A_791 : memref<1x64x128xf32, #tpu.memory_space<vmem>> -> memref<64x128xf32, #tpu.memory_space<vmem>>
          %parallel_loop3A_793 = arith.index_cast %parallel_loop3A_552 : i32 to index
          %parallel_loop3A_794 = arith.constant 64 : index
          %parallel_loop3A_795 = tpu.vector_load %parallel_loop3A_792[%parallel_loop3A_793, %parallel_loop3A_794] {strides = array<i32>} : memref<64x128xf32, #tpu.memory_space<vmem>>, vector<1x16xf32>,
          %parallel_loop3A_796 = vector.shape_cast %parallel_loop3A_795 : vector<1x16xf32> to vector<16xf32>
          %parallel_loop3A_797 = arith.constant 0 : i32
          %parallel_loop3A_798 = arith.constant 0 : i32
          %parallel_loop3A_799 = tpu.memref_slice %arg14[%scan3A_402, %parallel_loop3A_797, %parallel_loop3A_798] : memref<2x64x128xf32, #tpu.memory_space<vmem>> -> memref<1x64x128xf32, #tpu.memory_space<vmem>>
          %parallel_loop3A_800 = tpu.memref_squeeze %parallel_loop3A_799 : memref<1x64x128xf32, #tpu.memory_space<vmem>> -> memref<64x128xf32, #tpu.memory_space<vmem>>
          %parallel_loop3A_801 = arith.index_cast %parallel_loop3A_552 : i32 to index
          %parallel_loop3A_802 = arith.constant 64 : index
          %parallel_loop3A_803 = tpu.vector_load %parallel_loop3A_800[%parallel_loop3A_801, %parallel_loop3A_802] {strides = array<i32>} : memref<64x128xf32, #tpu.memory_space<vmem>>, vector<1x16xf32>,
          %parallel_loop3A_804 = vector.shape_cast %parallel_loop3A_803 : vector<1x16xf32> to vector<16xf32>
          %parallel_loop3A_805 = arith.constant 0 : i32
          %parallel_loop3A_806 = arith.constant 0 : i32
          %parallel_loop3A_807 = tpu.memref_slice %arg15[%scan3A_403, %parallel_loop3A_805, %parallel_loop3A_806] : memref<2x64x128xf32, #tpu.memory_space<vmem>> -> memref<1x64x128xf32, #tpu.memory_space<vmem>>
          %parallel_loop3A_808 = tpu.memref_squeeze %parallel_loop3A_807 : memref<1x64x128xf32, #tpu.memory_space<vmem>> -> memref<64x128xf32, #tpu.memory_space<vmem>>
          %parallel_loop3A_809 = arith.index_cast %parallel_loop3A_552 : i32 to index
          %parallel_loop3A_810 = arith.constant 64 : index
          %parallel_loop3A_811 = tpu.vector_load %parallel_loop3A_808[%parallel_loop3A_809, %parallel_loop3A_810] {strides = array<i32>} : memref<64x128xf32, #tpu.memory_space<vmem>>, vector<1x16xf32>,
          %parallel_loop3A_812 = vector.shape_cast %parallel_loop3A_811 : vector<1x16xf32> to vector<16xf32>
          %parallel_loop3A_813 = arith.constant 0 : i32
          %parallel_loop3A_814 = arith.constant 0 : i32
          %parallel_loop3A_815 = tpu.memref_slice %arg16[%scan3A_404, %parallel_loop3A_813, %parallel_loop3A_814] : memref<2x64x128xf32, #tpu.memory_space<vmem>> -> memref<1x64x128xf32, #tpu.memory_space<vmem>>
          %parallel_loop3A_816 = tpu.memref_squeeze %parallel_loop3A_815 : memref<1x64x128xf32, #tpu.memory_space<vmem>> -> memref<64x128xf32, #tpu.memory_space<vmem>>
          %parallel_loop3A_817 = arith.index_cast %parallel_loop3A_552 : i32 to index
          %parallel_loop3A_818 = arith.constant 64 : index
          %parallel_loop3A_819 = tpu.vector_load %parallel_loop3A_816[%parallel_loop3A_817, %parallel_loop3A_818] {strides = array<i32>} : memref<64x128xf32, #tpu.memory_space<vmem>>, vector<1x16xf32>,
          %parallel_loop3A_820 = vector.shape_cast %parallel_loop3A_819 : vector<1x16xf32> to vector<16xf32>
          %parallel_loop3A_821 = arith.constant 0 : i32
          %parallel_loop3A_822 = arith.constant 0 : i32
          %parallel_loop3A_823 = tpu.memref_slice %arg17[%scan3A_405, %parallel_loop3A_821, %parallel_loop3A_822] : memref<2x64x128xf32, #tpu.memory_space<vmem>> -> memref<1x64x128xf32, #tpu.memory_space<vmem>>
          %parallel_loop3A_824 = tpu.memref_squeeze %parallel_loop3A_823 : memref<1x64x128xf32, #tpu.memory_space<vmem>> -> memref<64x128xf32, #tpu.memory_space<vmem>>
          %parallel_loop3A_825 = arith.index_cast %parallel_loop3A_552 : i32 to index
          %parallel_loop3A_826 = arith.constant 64 : index
          %parallel_loop3A_827 = tpu.vector_load %parallel_loop3A_824[%parallel_loop3A_825, %parallel_loop3A_826] {strides = array<i32>} : memref<64x128xf32, #tpu.memory_space<vmem>>, vector<1x16xf32>,
          %parallel_loop3A_828 = vector.shape_cast %parallel_loop3A_827 : vector<1x16xf32> to vector<16xf32>
          %parallel_loop3A_829 = arith.constant 0 : i32
          %parallel_loop3A_830 = arith.constant 0 : i32
          %parallel_loop3A_831 = tpu.memref_slice %arg18[%scan3A_406, %parallel_loop3A_829, %parallel_loop3A_830] : memref<2x64x128xf32, #tpu.memory_space<vmem>> -> memref<1x64x128xf32, #tpu.memory_space<vmem>>
          %parallel_loop3A_832 = tpu.memref_squeeze %parallel_loop3A_831 : memref<1x64x128xf32, #tpu.memory_space<vmem>> -> memref<64x128xf32, #tpu.memory_space<vmem>>
          %parallel_loop3A_833 = arith.index_cast %parallel_loop3A_552 : i32 to index
          %parallel_loop3A_834 = arith.constant 64 : index
          %parallel_loop3A_835 = tpu.vector_load %parallel_loop3A_832[%parallel_loop3A_833, %parallel_loop3A_834] {strides = array<i32>} : memref<64x128xf32, #tpu.memory_space<vmem>>, vector<1x16xf32>,
          %parallel_loop3A_836 = vector.shape_cast %parallel_loop3A_835 : vector<1x16xf32> to vector<16xf32>
          %parallel_loop3A_837 = arith.mulf %parallel_loop3A_796, %parallel_loop3A_812 : vector<16xf32>
          %parallel_loop3A_838 = arith.mulf %parallel_loop3A_804, %parallel_loop3A_820 : vector<16xf32>
          %parallel_loop3A_839 = arith.addf %parallel_loop3A_837, %parallel_loop3A_838 : vector<16xf32>
          %parallel_loop3A_840 = arith.mulf %parallel_loop3A_828, %parallel_loop3A_839 : vector<16xf32>
          %parallel_loop3A_841 = arith.addf %parallel_loop3A_783, %parallel_loop3A_840 : vector<16xf32>
          %parallel_loop3A_842 = arith.mulf %parallel_loop3A_796, %parallel_loop3A_820 : vector<16xf32>
          %parallel_loop3A_843 = arith.mulf %parallel_loop3A_804, %parallel_loop3A_812 : vector<16xf32>
          %parallel_loop3A_844 = arith.subf %parallel_loop3A_842, %parallel_loop3A_843 : vector<16xf32>
          %parallel_loop3A_845 = arith.mulf %parallel_loop3A_836, %parallel_loop3A_844 : vector<16xf32>
          %parallel_loop3A_846 = arith.addf %parallel_loop3A_788, %parallel_loop3A_845 : vector<16xf32>
          %parallel_loop3A_847 = arith.constant 0 : i32
          %parallel_loop3A_848 = arith.constant 0 : i32
          %parallel_loop3A_849 = tpu.memref_slice %arg13[%scan3A_401, %parallel_loop3A_847, %parallel_loop3A_848] : memref<2x64x128xf32, #tpu.memory_space<vmem>> -> memref<1x64x128xf32, #tpu.memory_space<vmem>>
          %parallel_loop3A_850 = tpu.memref_squeeze %parallel_loop3A_849 : memref<1x64x128xf32, #tpu.memory_space<vmem>> -> memref<64x128xf32, #tpu.memory_space<vmem>>
          %parallel_loop3A_851 = arith.index_cast %parallel_loop3A_552 : i32 to index
          %parallel_loop3A_852 = arith.constant 80 : index
          %parallel_loop3A_853 = tpu.vector_load %parallel_loop3A_850[%parallel_loop3A_851, %parallel_loop3A_852] {strides = array<i32>} : memref<64x128xf32, #tpu.memory_space<vmem>>, vector<1x16xf32>,
          %parallel_loop3A_854 = vector.shape_cast %parallel_loop3A_853 : vector<1x16xf32> to vector<16xf32>
          %parallel_loop3A_855 = arith.constant 0 : i32
          %parallel_loop3A_856 = arith.constant 0 : i32
          %parallel_loop3A_857 = tpu.memref_slice %arg14[%scan3A_402, %parallel_loop3A_855, %parallel_loop3A_856] : memref<2x64x128xf32, #tpu.memory_space<vmem>> -> memref<1x64x128xf32, #tpu.memory_space<vmem>>
          %parallel_loop3A_858 = tpu.memref_squeeze %parallel_loop3A_857 : memref<1x64x128xf32, #tpu.memory_space<vmem>> -> memref<64x128xf32, #tpu.memory_space<vmem>>
          %parallel_loop3A_859 = arith.index_cast %parallel_loop3A_552 : i32 to index
          %parallel_loop3A_860 = arith.constant 80 : index
          %parallel_loop3A_861 = tpu.vector_load %parallel_loop3A_858[%parallel_loop3A_859, %parallel_loop3A_860] {strides = array<i32>} : memref<64x128xf32, #tpu.memory_space<vmem>>, vector<1x16xf32>,
          %parallel_loop3A_862 = vector.shape_cast %parallel_loop3A_861 : vector<1x16xf32> to vector<16xf32>
          %parallel_loop3A_863 = arith.constant 0 : i32
          %parallel_loop3A_864 = arith.constant 0 : i32
          %parallel_loop3A_865 = tpu.memref_slice %arg15[%scan3A_403, %parallel_loop3A_863, %parallel_loop3A_864] : memref<2x64x128xf32, #tpu.memory_space<vmem>> -> memref<1x64x128xf32, #tpu.memory_space<vmem>>
          %parallel_loop3A_866 = tpu.memref_squeeze %parallel_loop3A_865 : memref<1x64x128xf32, #tpu.memory_space<vmem>> -> memref<64x128xf32, #tpu.memory_space<vmem>>
          %parallel_loop3A_867 = arith.index_cast %parallel_loop3A_552 : i32 to index
          %parallel_loop3A_868 = arith.constant 80 : index
          %parallel_loop3A_869 = tpu.vector_load %parallel_loop3A_866[%parallel_loop3A_867, %parallel_loop3A_868] {strides = array<i32>} : memref<64x128xf32, #tpu.memory_space<vmem>>, vector<1x16xf32>,
          %parallel_loop3A_870 = vector.shape_cast %parallel_loop3A_869 : vector<1x16xf32> to vector<16xf32>
          %parallel_loop3A_871 = arith.constant 0 : i32
          %parallel_loop3A_872 = arith.constant 0 : i32
          %parallel_loop3A_873 = tpu.memref_slice %arg16[%scan3A_404, %parallel_loop3A_871, %parallel_loop3A_872] : memref<2x64x128xf32, #tpu.memory_space<vmem>> -> memref<1x64x128xf32, #tpu.memory_space<vmem>>
          %parallel_loop3A_874 = tpu.memref_squeeze %parallel_loop3A_873 : memref<1x64x128xf32, #tpu.memory_space<vmem>> -> memref<64x128xf32, #tpu.memory_space<vmem>>
          %parallel_loop3A_875 = arith.index_cast %parallel_loop3A_552 : i32 to index
          %parallel_loop3A_876 = arith.constant 80 : index
          %parallel_loop3A_877 = tpu.vector_load %parallel_loop3A_874[%parallel_loop3A_875, %parallel_loop3A_876] {strides = array<i32>} : memref<64x128xf32, #tpu.memory_space<vmem>>, vector<1x16xf32>,
          %parallel_loop3A_878 = vector.shape_cast %parallel_loop3A_877 : vector<1x16xf32> to vector<16xf32>
          %parallel_loop3A_879 = arith.constant 0 : i32
          %parallel_loop3A_880 = arith.constant 0 : i32
          %parallel_loop3A_881 = tpu.memref_slice %arg17[%scan3A_405, %parallel_loop3A_879, %parallel_loop3A_880] : memref<2x64x128xf32, #tpu.memory_space<vmem>> -> memref<1x64x128xf32, #tpu.memory_space<vmem>>
          %parallel_loop3A_882 = tpu.memref_squeeze %parallel_loop3A_881 : memref<1x64x128xf32, #tpu.memory_space<vmem>> -> memref<64x128xf32, #tpu.memory_space<vmem>>
          %parallel_loop3A_883 = arith.index_cast %parallel_loop3A_552 : i32 to index
          %parallel_loop3A_884 = arith.constant 80 : index
          %parallel_loop3A_885 = tpu.vector_load %parallel_loop3A_882[%parallel_loop3A_883, %parallel_loop3A_884] {strides = array<i32>} : memref<64x128xf32, #tpu.memory_space<vmem>>, vector<1x16xf32>,
          %parallel_loop3A_886 = vector.shape_cast %parallel_loop3A_885 : vector<1x16xf32> to vector<16xf32>
          %parallel_loop3A_887 = arith.constant 0 : i32
          %parallel_loop3A_888 = arith.constant 0 : i32
          %parallel_loop3A_889 = tpu.memref_slice %arg18[%scan3A_406, %parallel_loop3A_887, %parallel_loop3A_888] : memref<2x64x128xf32, #tpu.memory_space<vmem>> -> memref<1x64x128xf32, #tpu.memory_space<vmem>>
          %parallel_loop3A_890 = tpu.memref_squeeze %parallel_loop3A_889 : memref<1x64x128xf32, #tpu.memory_space<vmem>> -> memref<64x128xf32, #tpu.memory_space<vmem>>
          %parallel_loop3A_891 = arith.index_cast %parallel_loop3A_552 : i32 to index
          %parallel_loop3A_892 = arith.constant 80 : index
          %parallel_loop3A_893 = tpu.vector_load %parallel_loop3A_890[%parallel_loop3A_891, %parallel_loop3A_892] {strides = array<i32>} : memref<64x128xf32, #tpu.memory_space<vmem>>, vector<1x16xf32>,
          %parallel_loop3A_894 = vector.shape_cast %parallel_loop3A_893 : vector<1x16xf32> to vector<16xf32>
          %parallel_loop3A_895 = arith.mulf %parallel_loop3A_854, %parallel_loop3A_870 : vector<16xf32>
          %parallel_loop3A_896 = arith.mulf %parallel_loop3A_862, %parallel_loop3A_878 : vector<16xf32>
          %parallel_loop3A_897 = arith.addf %parallel_loop3A_895, %parallel_loop3A_896 : vector<16xf32>
          %parallel_loop3A_898 = arith.mulf %parallel_loop3A_886, %parallel_loop3A_897 : vector<16xf32>
          %parallel_loop3A_899 = arith.addf %parallel_loop3A_841, %parallel_loop3A_898 : vector<16xf32>
          %parallel_loop3A_900 = arith.mulf %parallel_loop3A_854, %parallel_loop3A_878 : vector<16xf32>
          %parallel_loop3A_901 = arith.mulf %parallel_loop3A_862, %parallel_loop3A_870 : vector<16xf32>
          %parallel_loop3A_902 = arith.subf %parallel_loop3A_900, %parallel_loop3A_901 : vector<16xf32>
          %parallel_loop3A_903 = arith.mulf %parallel_loop3A_894, %parallel_loop3A_902 : vector<16xf32>
          %parallel_loop3A_904 = arith.addf %parallel_loop3A_846, %parallel_loop3A_903 : vector<16xf32>
          %parallel_loop3A_905 = arith.constant 0 : i32
          %parallel_loop3A_906 = arith.constant 0 : i32
          %parallel_loop3A_907 = tpu.memref_slice %arg13[%scan3A_401, %parallel_loop3A_905, %parallel_loop3A_906] : memref<2x64x128xf32, #tpu.memory_space<vmem>> -> memref<1x64x128xf32, #tpu.memory_space<vmem>>
          %parallel_loop3A_908 = tpu.memref_squeeze %parallel_loop3A_907 : memref<1x64x128xf32, #tpu.memory_space<vmem>> -> memref<64x128xf32, #tpu.memory_space<vmem>>
          %parallel_loop3A_909 = arith.index_cast %parallel_loop3A_552 : i32 to index
          %parallel_loop3A_910 = arith.constant 96 : index
          %parallel_loop3A_911 = tpu.vector_load %parallel_loop3A_908[%parallel_loop3A_909, %parallel_loop3A_910] {strides = array<i32>} : memref<64x128xf32, #tpu.memory_space<vmem>>, vector<1x16xf32>,
          %parallel_loop3A_912 = vector.shape_cast %parallel_loop3A_911 : vector<1x16xf32> to vector<16xf32>
          %parallel_loop3A_913 = arith.constant 0 : i32
          %parallel_loop3A_914 = arith.constant 0 : i32
          %parallel_loop3A_915 = tpu.memref_slice %arg14[%scan3A_402, %parallel_loop3A_913, %parallel_loop3A_914] : memref<2x64x128xf32, #tpu.memory_space<vmem>> -> memref<1x64x128xf32, #tpu.memory_space<vmem>>
          %parallel_loop3A_916 = tpu.memref_squeeze %parallel_loop3A_915 : memref<1x64x128xf32, #tpu.memory_space<vmem>> -> memref<64x128xf32, #tpu.memory_space<vmem>>
          %parallel_loop3A_917 = arith.index_cast %parallel_loop3A_552 : i32 to index
          %parallel_loop3A_918 = arith.constant 96 : index
          %parallel_loop3A_919 = tpu.vector_load %parallel_loop3A_916[%parallel_loop3A_917, %parallel_loop3A_918] {strides = array<i32>} : memref<64x128xf32, #tpu.memory_space<vmem>>, vector<1x16xf32>,
          %parallel_loop3A_920 = vector.shape_cast %parallel_loop3A_919 : vector<1x16xf32> to vector<16xf32>
          %parallel_loop3A_921 = arith.constant 0 : i32
          %parallel_loop3A_922 = arith.constant 0 : i32
          %parallel_loop3A_923 = tpu.memref_slice %arg15[%scan3A_403, %parallel_loop3A_921, %parallel_loop3A_922] : memref<2x64x128xf32, #tpu.memory_space<vmem>> -> memref<1x64x128xf32, #tpu.memory_space<vmem>>
          %parallel_loop3A_924 = tpu.memref_squeeze %parallel_loop3A_923 : memref<1x64x128xf32, #tpu.memory_space<vmem>> -> memref<64x128xf32, #tpu.memory_space<vmem>>
          %parallel_loop3A_925 = arith.index_cast %parallel_loop3A_552 : i32 to index
          %parallel_loop3A_926 = arith.constant 96 : index
          %parallel_loop3A_927 = tpu.vector_load %parallel_loop3A_924[%parallel_loop3A_925, %parallel_loop3A_926] {strides = array<i32>} : memref<64x128xf32, #tpu.memory_space<vmem>>, vector<1x16xf32>,
          %parallel_loop3A_928 = vector.shape_cast %parallel_loop3A_927 : vector<1x16xf32> to vector<16xf32>
          %parallel_loop3A_929 = arith.constant 0 : i32
          %parallel_loop3A_930 = arith.constant 0 : i32
          %parallel_loop3A_931 = tpu.memref_slice %arg16[%scan3A_404, %parallel_loop3A_929, %parallel_loop3A_930] : memref<2x64x128xf32, #tpu.memory_space<vmem>> -> memref<1x64x128xf32, #tpu.memory_space<vmem>>
          %parallel_loop3A_932 = tpu.memref_squeeze %parallel_loop3A_931 : memref<1x64x128xf32, #tpu.memory_space<vmem>> -> memref<64x128xf32, #tpu.memory_space<vmem>>
          %parallel_loop3A_933 = arith.index_cast %parallel_loop3A_552 : i32 to index
          %parallel_loop3A_934 = arith.constant 96 : index
          %parallel_loop3A_935 = tpu.vector_load %parallel_loop3A_932[%parallel_loop3A_933, %parallel_loop3A_934] {strides = array<i32>} : memref<64x128xf32, #tpu.memory_space<vmem>>, vector<1x16xf32>,
          %parallel_loop3A_936 = vector.shape_cast %parallel_loop3A_935 : vector<1x16xf32> to vector<16xf32>
          %parallel_loop3A_937 = arith.constant 0 : i32
          %parallel_loop3A_938 = arith.constant 0 : i32
          %parallel_loop3A_939 = tpu.memref_slice %arg17[%scan3A_405, %parallel_loop3A_937, %parallel_loop3A_938] : memref<2x64x128xf32, #tpu.memory_space<vmem>> -> memref<1x64x128xf32, #tpu.memory_space<vmem>>
          %parallel_loop3A_940 = tpu.memref_squeeze %parallel_loop3A_939 : memref<1x64x128xf32, #tpu.memory_space<vmem>> -> memref<64x128xf32, #tpu.memory_space<vmem>>
          %parallel_loop3A_941 = arith.index_cast %parallel_loop3A_552 : i32 to index
          %parallel_loop3A_942 = arith.constant 96 : index
          %parallel_loop3A_943 = tpu.vector_load %parallel_loop3A_940[%parallel_loop3A_941, %parallel_loop3A_942] {strides = array<i32>} : memref<64x128xf32, #tpu.memory_space<vmem>>, vector<1x16xf32>,
          %parallel_loop3A_944 = vector.shape_cast %parallel_loop3A_943 : vector<1x16xf32> to vector<16xf32>
          %parallel_loop3A_945 = arith.constant 0 : i32
          %parallel_loop3A_946 = arith.constant 0 : i32
          %parallel_loop3A_947 = tpu.memref_slice %arg18[%scan3A_406, %parallel_loop3A_945, %parallel_loop3A_946] : memref<2x64x128xf32, #tpu.memory_space<vmem>> -> memref<1x64x128xf32, #tpu.memory_space<vmem>>
          %parallel_loop3A_948 = tpu.memref_squeeze %parallel_loop3A_947 : memref<1x64x128xf32, #tpu.memory_space<vmem>> -> memref<64x128xf32, #tpu.memory_space<vmem>>
          %parallel_loop3A_949 = arith.index_cast %parallel_loop3A_552 : i32 to index
          %parallel_loop3A_950 = arith.constant 96 : index
          %parallel_loop3A_951 = tpu.vector_load %parallel_loop3A_948[%parallel_loop3A_949, %parallel_loop3A_950] {strides = array<i32>} : memref<64x128xf32, #tpu.memory_space<vmem>>, vector<1x16xf32>,
          %parallel_loop3A_952 = vector.shape_cast %parallel_loop3A_951 : vector<1x16xf32> to vector<16xf32>
          %parallel_loop3A_953 = arith.mulf %parallel_loop3A_912, %parallel_loop3A_928 : vector<16xf32>
          %parallel_loop3A_954 = arith.mulf %parallel_loop3A_920, %parallel_loop3A_936 : vector<16xf32>
          %parallel_loop3A_955 = arith.addf %parallel_loop3A_953, %parallel_loop3A_954 : vector<16xf32>
          %parallel_loop3A_956 = arith.mulf %parallel_loop3A_944, %parallel_loop3A_955 : vector<16xf32>
          %parallel_loop3A_957 = arith.addf %parallel_loop3A_899, %parallel_loop3A_956 : vector<16xf32>
          %parallel_loop3A_958 = arith.mulf %parallel_loop3A_912, %parallel_loop3A_936 : vector<16xf32>
          %parallel_loop3A_959 = arith.mulf %parallel_loop3A_920, %parallel_loop3A_928 : vector<16xf32>
          %parallel_loop3A_960 = arith.subf %parallel_loop3A_958, %parallel_loop3A_959 : vector<16xf32>
          %parallel_loop3A_961 = arith.mulf %parallel_loop3A_952, %parallel_loop3A_960 : vector<16xf32>
          %parallel_loop3A_962 = arith.addf %parallel_loop3A_904, %parallel_loop3A_961 : vector<16xf32>
          %parallel_loop3A_963 = arith.constant 0 : i32
          %parallel_loop3A_964 = arith.constant 0 : i32
          %parallel_loop3A_965 = tpu.memref_slice %arg13[%scan3A_401, %parallel_loop3A_963, %parallel_loop3A_964] : memref<2x64x128xf32, #tpu.memory_space<vmem>> -> memref<1x64x128xf32, #tpu.memory_space<vmem>>
          %parallel_loop3A_966 = tpu.memref_squeeze %parallel_loop3A_965 : memref<1x64x128xf32, #tpu.memory_space<vmem>> -> memref<64x128xf32, #tpu.memory_space<vmem>>
          %parallel_loop3A_967 = arith.index_cast %parallel_loop3A_552 : i32 to index
          %parallel_loop3A_968 = arith.constant 112 : index
          %parallel_loop3A_969 = tpu.vector_load %parallel_loop3A_966[%parallel_loop3A_967, %parallel_loop3A_968] {strides = array<i32>} : memref<64x128xf32, #tpu.memory_space<vmem>>, vector<1x16xf32>,
          %parallel_loop3A_970 = vector.shape_cast %parallel_loop3A_969 : vector<1x16xf32> to vector<16xf32>
          %parallel_loop3A_971 = arith.constant 0 : i32
          %parallel_loop3A_972 = arith.constant 0 : i32
          %parallel_loop3A_973 = tpu.memref_slice %arg14[%scan3A_402, %parallel_loop3A_971, %parallel_loop3A_972] : memref<2x64x128xf32, #tpu.memory_space<vmem>> -> memref<1x64x128xf32, #tpu.memory_space<vmem>>
          %parallel_loop3A_974 = tpu.memref_squeeze %parallel_loop3A_973 : memref<1x64x128xf32, #tpu.memory_space<vmem>> -> memref<64x128xf32, #tpu.memory_space<vmem>>
          %parallel_loop3A_975 = arith.index_cast %parallel_loop3A_552 : i32 to index
          %parallel_loop3A_976 = arith.constant 112 : index
          %parallel_loop3A_977 = tpu.vector_load %parallel_loop3A_974[%parallel_loop3A_975, %parallel_loop3A_976] {strides = array<i32>} : memref<64x128xf32, #tpu.memory_space<vmem>>, vector<1x16xf32>,
          %parallel_loop3A_978 = vector.shape_cast %parallel_loop3A_977 : vector<1x16xf32> to vector<16xf32>
          %parallel_loop3A_979 = arith.constant 0 : i32
          %parallel_loop3A_980 = arith.constant 0 : i32
          %parallel_loop3A_981 = tpu.memref_slice %arg15[%scan3A_403, %parallel_loop3A_979, %parallel_loop3A_980] : memref<2x64x128xf32, #tpu.memory_space<vmem>> -> memref<1x64x128xf32, #tpu.memory_space<vmem>>
          %parallel_loop3A_982 = tpu.memref_squeeze %parallel_loop3A_981 : memref<1x64x128xf32, #tpu.memory_space<vmem>> -> memref<64x128xf32, #tpu.memory_space<vmem>>
          %parallel_loop3A_983 = arith.index_cast %parallel_loop3A_552 : i32 to index
          %parallel_loop3A_984 = arith.constant 112 : index
          %parallel_loop3A_985 = tpu.vector_load %parallel_loop3A_982[%parallel_loop3A_983, %parallel_loop3A_984] {strides = array<i32>} : memref<64x128xf32, #tpu.memory_space<vmem>>, vector<1x16xf32>,
          %parallel_loop3A_986 = vector.shape_cast %parallel_loop3A_985 : vector<1x16xf32> to vector<16xf32>
          %parallel_loop3A_987 = arith.constant 0 : i32
          %parallel_loop3A_988 = arith.constant 0 : i32
          %parallel_loop3A_989 = tpu.memref_slice %arg16[%scan3A_404, %parallel_loop3A_987, %parallel_loop3A_988] : memref<2x64x128xf32, #tpu.memory_space<vmem>> -> memref<1x64x128xf32, #tpu.memory_space<vmem>>
          %parallel_loop3A_990 = tpu.memref_squeeze %parallel_loop3A_989 : memref<1x64x128xf32, #tpu.memory_space<vmem>> -> memref<64x128xf32, #tpu.memory_space<vmem>>
          %parallel_loop3A_991 = arith.index_cast %parallel_loop3A_552 : i32 to index
          %parallel_loop3A_992 = arith.constant 112 : index
          %parallel_loop3A_993 = tpu.vector_load %parallel_loop3A_990[%parallel_loop3A_991, %parallel_loop3A_992] {strides = array<i32>} : memref<64x128xf32, #tpu.memory_space<vmem>>, vector<1x16xf32>,
          %parallel_loop3A_994 = vector.shape_cast %parallel_loop3A_993 : vector<1x16xf32> to vector<16xf32>
          %parallel_loop3A_995 = arith.constant 0 : i32
          %parallel_loop3A_996 = arith.constant 0 : i32
          %parallel_loop3A_997 = tpu.memref_slice %arg17[%scan3A_405, %parallel_loop3A_995, %parallel_loop3A_996] : memref<2x64x128xf32, #tpu.memory_space<vmem>> -> memref<1x64x128xf32, #tpu.memory_space<vmem>>
          %parallel_loop3A_998 = tpu.memref_squeeze %parallel_loop3A_997 : memref<1x64x128xf32, #tpu.memory_space<vmem>> -> memref<64x128xf32, #tpu.memory_space<vmem>>
          %parallel_loop3A_999 = arith.index_cast %parallel_loop3A_552 : i32 to index
          %parallel_loop3A_1000 = arith.constant 112 : index
          %parallel_loop3A_1001 = tpu.vector_load %parallel_loop3A_998[%parallel_loop3A_999, %parallel_loop3A_1000] {strides = array<i32>} : memref<64x128xf32, #tpu.memory_space<vmem>>, vector<1x16xf32>,
          %parallel_loop3A_1002 = vector.shape_cast %parallel_loop3A_1001 : vector<1x16xf32> to vector<16xf32>
          %parallel_loop3A_1003 = arith.constant 0 : i32
          %parallel_loop3A_1004 = arith.constant 0 : i32
          %parallel_loop3A_1005 = tpu.memref_slice %arg18[%scan3A_406, %parallel_loop3A_1003, %parallel_loop3A_1004] : memref<2x64x128xf32, #tpu.memory_space<vmem>> -> memref<1x64x128xf32, #tpu.memory_space<vmem>>
          %parallel_loop3A_1006 = tpu.memref_squeeze %parallel_loop3A_1005 : memref<1x64x128xf32, #tpu.memory_space<vmem>> -> memref<64x128xf32, #tpu.memory_space<vmem>>
          %parallel_loop3A_1007 = arith.index_cast %parallel_loop3A_552 : i32 to index
          %parallel_loop3A_1008 = arith.constant 112 : index
          %parallel_loop3A_1009 = tpu.vector_load %parallel_loop3A_1006[%parallel_loop3A_1007, %parallel_loop3A_1008] {strides = array<i32>} : memref<64x128xf32, #tpu.memory_space<vmem>>, vector<1x16xf32>,
          %parallel_loop3A_1010 = vector.shape_cast %parallel_loop3A_1009 : vector<1x16xf32> to vector<16xf32>
          %parallel_loop3A_1011 = arith.mulf %parallel_loop3A_970, %parallel_loop3A_986 : vector<16xf32>
          %parallel_loop3A_1012 = arith.mulf %parallel_loop3A_978, %parallel_loop3A_994 : vector<16xf32>
          %parallel_loop3A_1013 = arith.addf %parallel_loop3A_1011, %parallel_loop3A_1012 : vector<16xf32>
          %parallel_loop3A_1014 = arith.mulf %parallel_loop3A_1002, %parallel_loop3A_1013 : vector<16xf32>
          %parallel_loop3A_1015 = arith.addf %parallel_loop3A_957, %parallel_loop3A_1014 : vector<16xf32>
          %parallel_loop3A_1016 = arith.mulf %parallel_loop3A_970, %parallel_loop3A_994 : vector<16xf32>
          %parallel_loop3A_1017 = arith.mulf %parallel_loop3A_978, %parallel_loop3A_986 : vector<16xf32>
          %parallel_loop3A_1018 = arith.subf %parallel_loop3A_1016, %parallel_loop3A_1017 : vector<16xf32>
          %parallel_loop3A_1019 = arith.mulf %parallel_loop3A_1010, %parallel_loop3A_1018 : vector<16xf32>
          %parallel_loop3A_1020 = arith.addf %parallel_loop3A_962, %parallel_loop3A_1019 : vector<16xf32>
          %parallel_loop3A_1021 = arith.addf %parallel_loop3A_1015, %parallel_loop3A_1020 : vector<16xf32>
          %parallel_loop3A_1022 = vector.shape_cast %xor3A_521 : vector<16xi32> to vector<16x1xi32>
          %parallel_loop3A_1023 = vector.shape_cast %parallel_loop3A_1022 : vector<16x1xi32> to vector<16xi32>
          %parallel_loop3A_1024 = tpu.dynamic_gather %parallel_loop3A_1021[%parallel_loop3A_1023] in [0] : vector<16xf32>, vector<16xi32> -> vector<16xf32>
          %parallel_loop3A_1025 = arith.addf %parallel_loop3A_1021, %parallel_loop3A_1024 : vector<16xf32>
          %parallel_loop3A_1026 = vector.shape_cast %xor3A_524 : vector<16xi32> to vector<16x1xi32>
          %parallel_loop3A_1027 = vector.shape_cast %parallel_loop3A_1026 : vector<16x1xi32> to vector<16xi32>
          %parallel_loop3A_1028 = tpu.dynamic_gather %parallel_loop3A_1025[%parallel_loop3A_1027] in [0] : vector<16xf32>, vector<16xi32> -> vector<16xf32>
          %parallel_loop3A_1029 = arith.addf %parallel_loop3A_1025, %parallel_loop3A_1028 : vector<16xf32>
          %parallel_loop3A_1030 = vector.shape_cast %xor3A_527 : vector<16xi32> to vector<16x1xi32>
          %parallel_loop3A_1031 = vector.shape_cast %parallel_loop3A_1030 : vector<16x1xi32> to vector<16xi32>
          %parallel_loop3A_1032 = tpu.dynamic_gather %parallel_loop3A_1029[%parallel_loop3A_1031] in [0] : vector<16xf32>, vector<16xi32> -> vector<16xf32>
          %parallel_loop3A_1033 = arith.addf %parallel_loop3A_1029, %parallel_loop3A_1032 : vector<16xf32>
          %parallel_loop3A_1034 = vector.shape_cast %xor3A_530 : vector<16xi32> to vector<16x1xi32>
          %parallel_loop3A_1035 = vector.shape_cast %parallel_loop3A_1034 : vector<16x1xi32> to vector<16xi32>
          %parallel_loop3A_1036 = tpu.dynamic_gather %parallel_loop3A_1033[%parallel_loop3A_1035] in [0] : vector<16xf32>, vector<16xi32> -> vector<16xf32>
          %parallel_loop3A_1037 = arith.addf %parallel_loop3A_1033, %parallel_loop3A_1036 : vector<16xf32>
          %parallel_loop3A_1038 = vector.broadcast %parallel_loop3A_548 : i32 to vector<16xi32>
          %parallel_loop3A_1039 = arith.cmpi eq, %iota3A, %parallel_loop3A_1038 : vector<16xi32>
          %parallel_loop3A_1040 = arith.select %parallel_loop3A_1039, %parallel_loop3A_1037, %parallel_loop3A_549 : vector<16xi1>, vector<16xf32>
          scf.yield %parallel_loop3A_1040 : vector<16xf32>
        } {sc.loop_unroll_factor = 4 : i64, sc.parallel_access}
        %neg3A = arith.constant 0.000000e+00 : f32
        %neg3A_535 = vector.broadcast %neg3A : f32 to vector<16xf32>
        %neg3A_536 = arith.subf %neg3A_535, %parallel_loop3A_534 : vector<16xf32>
        %exp3A = math.exp %neg3A_536 : vector<16xf32>
        %add3A_537 = arith.constant 1.000000e+00 : f32
        %add3A_538 = vector.broadcast %add3A_537 : f32 to vector<16xf32>
        %add3A_539 = arith.addf %add3A_538, %exp3A : vector<16xf32>
        %div3A = arith.constant 1.000000e+00 : f32
        %div3A_540 = vector.broadcast %div3A : f32 to vector<16xf32>
        %div3A_541 = arith.divf %div3A_540, %add3A_539 : vector<16xf32>
        %mul3A_542 = arith.constant 16 : i32
        %mul3A_543 = arith.muli %scan3A_519, %mul3A_542 : i32
        %add3A_544 = arith.addi %mul3A_399, %mul3A_543 : i32
        %swap3A = arith.index_cast %add3A_544 : i32 to index
        %swap3A_545 = tpu.vector_load %arg19[%swap3A] {strides = array<i32>} : memref<512xf32, #tpu.memory_space<vmem>>, vector<16xf32>,
        %swap3A_546 = vector.shape_cast %swap3A_545 : vector<16xf32> to vector<16xf32>
        %swap3A_547 = vector.shape_cast %div3A_541 : vector<16xf32> to vector<16xf32>
        tpu.vector_store %arg19[%swap3A], %swap3A_547 {strides = array<i32>} : memref<512xf32, #tpu.memory_space<vmem>>, vector<16xf32>,
      }
      %scan3A_411 = arith.constant 4 : i32
      %lt3A_412 = arith.constant 3 : i32
      %lt3A_413 = arith.cmpi slt, %scan3A_249, %lt3A_412 : i32
      %convert_element_type3A_414 = arith.extui %lt3A_413 : i1 to i32
      %cond3A_415 = arith.constant 0 : i32
      %cond3A_416 = arith.cmpi ne, %convert_element_type3A_414, %cond3A_415 : i32
      scf.if %cond3A_416 {
        %add3A_519 = arith.constant 2 : i32
        %add3A_520 = arith.addi %mul3A_251, %add3A_519 : i32
        %mul3A_521 = arith.constant 64 : i32
        %mul3A_522 = arith.muli %add3A_520, %mul3A_521 : i32
        %dma_start3A_523 = arith.constant 0 : i32
        %dma_start3A_524 = arith.constant 0 : i32
        %dma_start3A_525 = arith.constant 0 : i32
        %dma_start3A_526 = tpu.memref_slice %arg13[%dma_start3A_523, %dma_start3A_524, %dma_start3A_525] : memref<2x64x128xf32, #tpu.memory_space<vmem>> -> memref<1x64x128xf32, #tpu.memory_space<vmem>>
        %dma_start3A_527 = tpu.memref_squeeze %dma_start3A_526 : memref<1x64x128xf32, #tpu.memory_space<vmem>> -> memref<64x128xf32, #tpu.memory_space<vmem>>
        %dma_start3A_528 = tpu.memref_slice %arg10[%mul3A_522] : memref<512xi32, #tpu.memory_space<vmem>> -> memref<64xi32, #tpu.memory_space<vmem>>
        %dma_start3A_529 = arith.constant 0 : i32
        %dma_start3A_530 = arith.constant 0 : i32
        %dma_start3A_531 = tpu.memref_slice %arg2[%dma_start3A_529, %dma_start3A_530] : memref<100000x128xf32, #tpu.memory_space<hbm>> -> memref<100000x128xf32, #tpu.memory_space<hbm>>
        tpu.enqueue_indirect_dma source(%dma_start3A_531 : memref<100000x128xf32, #tpu.memory_space<hbm>>) target(%dma_start3A_527 : memref<64x128xf32, #tpu.memory_space<vmem>>) offsets(%dma_start3A_528 : memref<64xi32, #tpu.memory_space<vmem>>) semaphore(%arg22 : memref<!tpu.dma_semaphore, #tpu.memory_space<semaphore_mem>>)
        %dma_start3A_532 = arith.constant 0 : i32
        %dma_start3A_533 = arith.constant 0 : i32
        %dma_start3A_534 = arith.constant 0 : i32
        %dma_start3A_535 = tpu.memref_slice %arg14[%dma_start3A_532, %dma_start3A_533, %dma_start3A_534] : memref<2x64x128xf32, #tpu.memory_space<vmem>> -> memref<1x64x128xf32, #tpu.memory_space<vmem>>
        %dma_start3A_536 = tpu.memref_squeeze %dma_start3A_535 : memref<1x64x128xf32, #tpu.memory_space<vmem>> -> memref<64x128xf32, #tpu.memory_space<vmem>>
        %dma_start3A_537 = tpu.memref_slice %arg10[%mul3A_522] : memref<512xi32, #tpu.memory_space<vmem>> -> memref<64xi32, #tpu.memory_space<vmem>>
        %dma_start3A_538 = arith.constant 0 : i32
        %dma_start3A_539 = arith.constant 0 : i32
        %dma_start3A_540 = tpu.memref_slice %arg3[%dma_start3A_538, %dma_start3A_539] : memref<100000x128xf32, #tpu.memory_space<hbm>> -> memref<100000x128xf32, #tpu.memory_space<hbm>>
        tpu.enqueue_indirect_dma source(%dma_start3A_540 : memref<100000x128xf32, #tpu.memory_space<hbm>>) target(%dma_start3A_536 : memref<64x128xf32, #tpu.memory_space<vmem>>) offsets(%dma_start3A_537 : memref<64xi32, #tpu.memory_space<vmem>>) semaphore(%arg22 : memref<!tpu.dma_semaphore, #tpu.memory_space<semaphore_mem>>)
        %dma_start3A_541 = arith.constant 0 : i32
        %dma_start3A_542 = arith.constant 0 : i32
        %dma_start3A_543 = arith.constant 0 : i32
        %dma_start3A_544 = tpu.memref_slice %arg15[%dma_start3A_541, %dma_start3A_542, %dma_start3A_543] : memref<2x64x128xf32, #tpu.memory_space<vmem>> -> memref<1x64x128xf32, #tpu.memory_space<vmem>>
        %dma_start3A_545 = tpu.memref_squeeze %dma_start3A_544 : memref<1x64x128xf32, #tpu.memory_space<vmem>> -> memref<64x128xf32, #tpu.memory_space<vmem>>
        %dma_start3A_546 = tpu.memref_slice %arg12[%mul3A_522] : memref<512xi32, #tpu.memory_space<vmem>> -> memref<64xi32, #tpu.memory_space<vmem>>
        %dma_start3A_547 = arith.constant 0 : i32
        %dma_start3A_548 = arith.constant 0 : i32
        %dma_start3A_549 = tpu.memref_slice %arg2[%dma_start3A_547, %dma_start3A_548] : memref<100000x128xf32, #tpu.memory_space<hbm>> -> memref<100000x128xf32, #tpu.memory_space<hbm>>
        tpu.enqueue_indirect_dma source(%dma_start3A_549 : memref<100000x128xf32, #tpu.memory_space<hbm>>) target(%dma_start3A_545 : memref<64x128xf32, #tpu.memory_space<vmem>>) offsets(%dma_start3A_546 : memref<64xi32, #tpu.memory_space<vmem>>) semaphore(%arg22 : memref<!tpu.dma_semaphore, #tpu.memory_space<semaphore_mem>>)
        %dma_start3A_550 = arith.constant 0 : i32
        %dma_start3A_551 = arith.constant 0 : i32
        %dma_start3A_552 = arith.constant 0 : i32
        %dma_start3A_553 = tpu.memref_slice %arg16[%dma_start3A_550, %dma_start3A_551, %dma_start3A_552] : memref<2x64x128xf32, #tpu.memory_space<vmem>> -> memref<1x64x128xf32, #tpu.memory_space<vmem>>
        %dma_start3A_554 = tpu.memref_squeeze %dma_start3A_553 : memref<1x64x128xf32, #tpu.memory_space<vmem>> -> memref<64x128xf32, #tpu.memory_space<vmem>>
        %dma_start3A_555 = tpu.memref_slice %arg12[%mul3A_522] : memref<512xi32, #tpu.memory_space<vmem>> -> memref<64xi32, #tpu.memory_space<vmem>>
        %dma_start3A_556 = arith.constant 0 : i32
        %dma_start3A_557 = arith.constant 0 : i32
        %dma_start3A_558 = tpu.memref_slice %arg3[%dma_start3A_556, %dma_start3A_557] : memref<100000x128xf32, #tpu.memory_space<hbm>> -> memref<100000x128xf32, #tpu.memory_space<hbm>>
        tpu.enqueue_indirect_dma source(%dma_start3A_558 : memref<100000x128xf32, #tpu.memory_space<hbm>>) target(%dma_start3A_554 : memref<64x128xf32, #tpu.memory_space<vmem>>) offsets(%dma_start3A_555 : memref<64xi32, #tpu.memory_space<vmem>>) semaphore(%arg22 : memref<!tpu.dma_semaphore, #tpu.memory_space<semaphore_mem>>)
        %dma_start3A_559 = arith.constant 0 : i32
        %dma_start3A_560 = arith.constant 0 : i32
        %dma_start3A_561 = arith.constant 0 : i32
        %dma_start3A_562 = tpu.memref_slice %arg17[%dma_start3A_559, %dma_start3A_560, %dma_start3A_561] : memref<2x64x128xf32, #tpu.memory_space<vmem>> -> memref<1x64x128xf32, #tpu.memory_space<vmem>>
        %dma_start3A_563 = tpu.memref_squeeze %dma_start3A_562 : memref<1x64x128xf32, #tpu.memory_space<vmem>> -> memref<64x128xf32, #tpu.memory_space<vmem>>
        %dma_start3A_564 = arith.constant 0 : i32
        %dma_start3A_565 = tpu.memref_slice %arg11[%add3A_520, %dma_start3A_564] : memref<8x64xi32, #tpu.memory_space<vmem>> -> memref<1x64xi32, #tpu.memory_space<vmem>>
        %dma_start3A_566 = tpu.memref_squeeze %dma_start3A_565 : memref<1x64xi32, #tpu.memory_space<vmem>> -> memref<64xi32, #tpu.memory_space<vmem>>
        %dma_start3A_567 = arith.constant 0 : i32
        %dma_start3A_568 = arith.constant 0 : i32
        %dma_start3A_569 = tpu.memref_slice %arg20[%dma_start3A_567, %dma_start3A_568] : memref<1000x128xf32, #tpu.memory_space<vmem_shared>> -> memref<1000x128xf32, #tpu.memory_space<vmem_shared>>
        tpu.enqueue_indirect_dma source(%dma_start3A_569 : memref<1000x128xf32, #tpu.memory_space<vmem_shared>>) target(%dma_start3A_563 : memref<64x128xf32, #tpu.memory_space<vmem>>) offsets(%dma_start3A_566 : memref<64xi32, #tpu.memory_space<vmem>>) semaphore(%arg24 : memref<!tpu.dma_semaphore, #tpu.memory_space<semaphore_mem>>)
        %dma_start3A_570 = arith.constant 0 : i32
        %dma_start3A_571 = arith.constant 0 : i32
        %dma_start3A_572 = arith.constant 0 : i32
        %dma_start3A_573 = tpu.memref_slice %arg18[%dma_start3A_570, %dma_start3A_571, %dma_start3A_572] : memref<2x64x128xf32, #tpu.memory_space<vmem>> -> memref<1x64x128xf32, #tpu.memory_space<vmem>>
        %dma_start3A_574 = tpu.memref_squeeze %dma_start3A_573 : memref<1x64x128xf32, #tpu.memory_space<vmem>> -> memref<64x128xf32, #tpu.memory_space<vmem>>
        %dma_start3A_575 = arith.constant 0 : i32
        %dma_start3A_576 = tpu.memref_slice %arg11[%add3A_520, %dma_start3A_575] : memref<8x64xi32, #tpu.memory_space<vmem>> -> memref<1x64xi32, #tpu.memory_space<vmem>>
        %dma_start3A_577 = tpu.memref_squeeze %dma_start3A_576 : memref<1x64xi32, #tpu.memory_space<vmem>> -> memref<64xi32, #tpu.memory_space<vmem>>
        %dma_start3A_578 = arith.constant 0 : i32
        %dma_start3A_579 = arith.constant 0 : i32
        %dma_start3A_580 = tpu.memref_slice %arg21[%dma_start3A_578, %dma_start3A_579] : memref<1000x128xf32, #tpu.memory_space<vmem_shared>> -> memref<1000x128xf32, #tpu.memory_space<vmem_shared>>
        tpu.enqueue_indirect_dma source(%dma_start3A_580 : memref<1000x128xf32, #tpu.memory_space<vmem_shared>>) target(%dma_start3A_574 : memref<64x128xf32, #tpu.memory_space<vmem>>) offsets(%dma_start3A_577 : memref<64xi32, #tpu.memory_space<vmem>>) semaphore(%arg24 : memref<!tpu.dma_semaphore, #tpu.memory_space<semaphore_mem>>)
      } else {
      }
      %add3A_417 = arith.constant 1 : i32
      %add3A_418 = arith.addi %mul3A_251, %add3A_417 : i32
      %mul3A_419 = arith.constant 64 : i32
      %mul3A_420 = arith.muli %add3A_418, %mul3A_419 : i32
      %dma_wait3A_421 = arith.constant 1 : i32
      %dma_wait3A_422 = arith.constant 0 : i32
      %dma_wait3A_423 = arith.constant 0 : i32
      %dma_wait3A_424 = tpu.memref_slice %arg13[%dma_wait3A_421, %dma_wait3A_422, %dma_wait3A_423] : memref<2x64x128xf32, #tpu.memory_space<vmem>> -> memref<1x64x128xf32, #tpu.memory_space<vmem>>
      %dma_wait3A_425 = tpu.memref_squeeze %dma_wait3A_424 : memref<1x64x128xf32, #tpu.memory_space<vmem>> -> memref<64x128xf32, #tpu.memory_space<vmem>>
      %dma_wait3A_426 = arith.constant 0 : i32
      %dma_wait3A_427 = arith.constant 0 : i32
      %dma_wait3A_428 = tpu.memref_slice %arg2[%dma_wait3A_426, %dma_wait3A_427] : memref<100000x128xf32, #tpu.memory_space<hbm>> -> memref<64x128xf32, #tpu.memory_space<hbm>>
      %dma_wait3A_429 = arith.constant 0 : i32
      %dma_wait3A_430 = arith.constant 0 : i32
      %dma_wait3A_431 = tpu.memref_slice %arg13[%dma_wait3A_421, %dma_wait3A_429, %dma_wait3A_430] : memref<2x64x128xf32, #tpu.memory_space<vmem>> -> memref<1x64x128xf32, #tpu.memory_space<vmem>>
      %dma_wait3A_432 = tpu.memref_squeeze %dma_wait3A_431 : memref<1x64x128xf32, #tpu.memory_space<vmem>> -> memref<64x128xf32, #tpu.memory_space<vmem>>
      %dma_wait3A_433 = arith.constant 0 : i32
      %dma_wait3A_434 = arith.constant 0 : i32
      %dma_wait3A_435 = tpu.memref_slice %arg2[%dma_wait3A_433, %dma_wait3A_434] : memref<100000x128xf32, #tpu.memory_space<hbm>> -> memref<64x128xf32, #tpu.memory_space<hbm>>
      tpu.wait_dma2 semaphore(%arg23 : memref<!tpu.dma_semaphore, #tpu.memory_space<semaphore_mem>>) src(%dma_wait3A_435 : memref<64x128xf32, #tpu.memory_space<hbm>>) dst(%dma_wait3A_432 : memref<64x128xf32, #tpu.memory_space<vmem>>)
      %dma_wait3A_436 = arith.constant 1 : i32
      %dma_wait3A_437 = arith.constant 0 : i32
      %dma_wait3A_438 = arith.constant 0 : i32
      %dma_wait3A_439 = tpu.memref_slice %arg14[%dma_wait3A_436, %dma_wait3A_437, %dma_wait3A_438] : memref<2x64x128xf32, #tpu.memory_space<vmem>> -> memref<1x64x128xf32, #tpu.memory_space<vmem>>
      %dma_wait3A_440 = tpu.memref_squeeze %dma_wait3A_439 : memref<1x64x128xf32, #tpu.memory_space<vmem>> -> memref<64x128xf32, #tpu.memory_space<vmem>>
      %dma_wait3A_441 = arith.constant 0 : i32
      %dma_wait3A_442 = arith.constant 0 : i32
      %dma_wait3A_443 = tpu.memref_slice %arg2[%dma_wait3A_441, %dma_wait3A_442] : memref<100000x128xf32, #tpu.memory_space<hbm>> -> memref<64x128xf32, #tpu.memory_space<hbm>>
      %dma_wait3A_444 = arith.constant 0 : i32
      %dma_wait3A_445 = arith.constant 0 : i32
      %dma_wait3A_446 = tpu.memref_slice %arg14[%dma_wait3A_436, %dma_wait3A_444, %dma_wait3A_445] : memref<2x64x128xf32, #tpu.memory_space<vmem>> -> memref<1x64x128xf32, #tpu.memory_space<vmem>>
      %dma_wait3A_447 = tpu.memref_squeeze %dma_wait3A_446 : memref<1x64x128xf32, #tpu.memory_space<vmem>> -> memref<64x128xf32, #tpu.memory_space<vmem>>
      %dma_wait3A_448 = arith.constant 0 : i32
      %dma_wait3A_449 = arith.constant 0 : i32
      %dma_wait3A_450 = tpu.memref_slice %arg2[%dma_wait3A_448, %dma_wait3A_449] : memref<100000x128xf32, #tpu.memory_space<hbm>> -> memref<64x128xf32, #tpu.memory_space<hbm>>
      tpu.wait_dma2 semaphore(%arg23 : memref<!tpu.dma_semaphore, #tpu.memory_space<semaphore_mem>>) src(%dma_wait3A_450 : memref<64x128xf32, #tpu.memory_space<hbm>>) dst(%dma_wait3A_447 : memref<64x128xf32, #tpu.memory_space<vmem>>)
      %dma_wait3A_451 = arith.constant 1 : i32
      %dma_wait3A_452 = arith.constant 0 : i32
      %dma_wait3A_453 = arith.constant 0 : i32
      %dma_wait3A_454 = tpu.memref_slice %arg15[%dma_wait3A_451, %dma_wait3A_452, %dma_wait3A_453] : memref<2x64x128xf32, #tpu.memory_space<vmem>> -> memref<1x64x128xf32, #tpu.memory_space<vmem>>
      %dma_wait3A_455 = tpu.memref_squeeze %dma_wait3A_454 : memref<1x64x128xf32, #tpu.memory_space<vmem>> -> memref<64x128xf32, #tpu.memory_space<vmem>>
      %dma_wait3A_456 = arith.constant 0 : i32
      %dma_wait3A_457 = arith.constant 0 : i32
      %dma_wait3A_458 = tpu.memref_slice %arg2[%dma_wait3A_456, %dma_wait3A_457] : memref<100000x128xf32, #tpu.memory_space<hbm>> -> memref<64x128xf32, #tpu.memory_space<hbm>>
      %dma_wait3A_459 = arith.constant 0 : i32
      %dma_wait3A_460 = arith.constant 0 : i32
      %dma_wait3A_461 = tpu.memref_slice %arg15[%dma_wait3A_451, %dma_wait3A_459, %dma_wait3A_460] : memref<2x64x128xf32, #tpu.memory_space<vmem>> -> memref<1x64x128xf32, #tpu.memory_space<vmem>>
      %dma_wait3A_462 = tpu.memref_squeeze %dma_wait3A_461 : memref<1x64x128xf32, #tpu.memory_space<vmem>> -> memref<64x128xf32, #tpu.memory_space<vmem>>
      %dma_wait3A_463 = arith.constant 0 : i32
      %dma_wait3A_464 = arith.constant 0 : i32
      %dma_wait3A_465 = tpu.memref_slice %arg2[%dma_wait3A_463, %dma_wait3A_464] : memref<100000x128xf32, #tpu.memory_space<hbm>> -> memref<64x128xf32, #tpu.memory_space<hbm>>
      tpu.wait_dma2 semaphore(%arg23 : memref<!tpu.dma_semaphore, #tpu.memory_space<semaphore_mem>>) src(%dma_wait3A_465 : memref<64x128xf32, #tpu.memory_space<hbm>>) dst(%dma_wait3A_462 : memref<64x128xf32, #tpu.memory_space<vmem>>)
      %dma_wait3A_466 = arith.constant 1 : i32
      %dma_wait3A_467 = arith.constant 0 : i32
      %dma_wait3A_468 = arith.constant 0 : i32
      %dma_wait3A_469 = tpu.memref_slice %arg16[%dma_wait3A_466, %dma_wait3A_467, %dma_wait3A_468] : memref<2x64x128xf32, #tpu.memory_space<vmem>> -> memref<1x64x128xf32, #tpu.memory_space<vmem>>
      %dma_wait3A_470 = tpu.memref_squeeze %dma_wait3A_469 : memref<1x64x128xf32, #tpu.memory_space<vmem>> -> memref<64x128xf32, #tpu.memory_space<vmem>>
      %dma_wait3A_471 = arith.constant 0 : i32
      %dma_wait3A_472 = arith.constant 0 : i32
      %dma_wait3A_473 = tpu.memref_slice %arg2[%dma_wait3A_471, %dma_wait3A_472] : memref<100000x128xf32, #tpu.memory_space<hbm>> -> memref<64x128xf32, #tpu.memory_space<hbm>>
      %dma_wait3A_474 = arith.constant 0 : i32
      %dma_wait3A_475 = arith.constant 0 : i32
      %dma_wait3A_476 = tpu.memref_slice %arg16[%dma_wait3A_466, %dma_wait3A_474, %dma_wait3A_475] : memref<2x64x128xf32, #tpu.memory_space<vmem>> -> memref<1x64x128xf32, #tpu.memory_space<vmem>>
      %dma_wait3A_477 = tpu.memref_squeeze %dma_wait3A_476 : memref<1x64x128xf32, #tpu.memory_space<vmem>> -> memref<64x128xf32, #tpu.memory_space<vmem>>
      %dma_wait3A_478 = arith.constant 0 : i32
      %dma_wait3A_479 = arith.constant 0 : i32
      %dma_wait3A_480 = tpu.memref_slice %arg2[%dma_wait3A_478, %dma_wait3A_479] : memref<100000x128xf32, #tpu.memory_space<hbm>> -> memref<64x128xf32, #tpu.memory_space<hbm>>
      tpu.wait_dma2 semaphore(%arg23 : memref<!tpu.dma_semaphore, #tpu.memory_space<semaphore_mem>>) src(%dma_wait3A_480 : memref<64x128xf32, #tpu.memory_space<hbm>>) dst(%dma_wait3A_477 : memref<64x128xf32, #tpu.memory_space<vmem>>)
      %dma_wait3A_481 = arith.constant 1 : i32
      %dma_wait3A_482 = arith.constant 0 : i32
      %dma_wait3A_483 = arith.constant 0 : i32
      %dma_wait3A_484 = tpu.memref_slice %arg17[%dma_wait3A_481, %dma_wait3A_482, %dma_wait3A_483] : memref<2x64x128xf32, #tpu.memory_space<vmem>> -> memref<1x64x128xf32, #tpu.memory_space<vmem>>
      %dma_wait3A_485 = tpu.memref_squeeze %dma_wait3A_484 : memref<1x64x128xf32, #tpu.memory_space<vmem>> -> memref<64x128xf32, #tpu.memory_space<vmem>>
      %dma_wait3A_486 = arith.constant 0 : i32
      %dma_wait3A_487 = tpu.memref_slice %arg11[%add3A_418, %dma_wait3A_486] : memref<8x64xi32, #tpu.memory_space<vmem>> -> memref<1x64xi32, #tpu.memory_space<vmem>>
      %dma_wait3A_488 = tpu.memref_squeeze %dma_wait3A_487 : memref<1x64xi32, #tpu.memory_space<vmem>> -> memref<64xi32, #tpu.memory_space<vmem>>
      %dma_wait3A_489 = arith.constant 0 : i32
      %dma_wait3A_490 = arith.constant 0 : i32
      %dma_wait3A_491 = tpu.memref_slice %arg20[%dma_wait3A_489, %dma_wait3A_490] : memref<1000x128xf32, #tpu.memory_space<vmem_shared>> -> memref<1000x128xf32, #tpu.memory_space<vmem_shared>>
      tpu.wait_indirect_dma semaphore(%arg25 : memref<!tpu.dma_semaphore, #tpu.memory_space<semaphore_mem>>) src(%dma_wait3A_491 : memref<1000x128xf32, #tpu.memory_space<vmem_shared>>) dst(%dma_wait3A_485 : memref<64x128xf32, #tpu.memory_space<vmem>>)
      %dma_wait3A_492 = arith.constant 1 : i32
      %dma_wait3A_493 = arith.constant 0 : i32
      %dma_wait3A_494 = arith.constant 0 : i32
      %dma_wait3A_495 = tpu.memref_slice %arg18[%dma_wait3A_492, %dma_wait3A_493, %dma_wait3A_494] : memref<2x64x128xf32, #tpu.memory_space<vmem>> -> memref<1x64x128xf32, #tpu.memory_space<vmem>>
      %dma_wait3A_496 = tpu.memref_squeeze %dma_wait3A_495 : memref<1x64x128xf32, #tpu.memory_space<vmem>> -> memref<64x128xf32, #tpu.memory_space<vmem>>
      %dma_wait3A_497 = arith.constant 0 : i32
      %dma_wait3A_498 = tpu.memref_slice %arg11[%add3A_418, %dma_wait3A_497] : memref<8x64xi32, #tpu.memory_space<vmem>> -> memref<1x64xi32, #tpu.memory_space<vmem>>
      %dma_wait3A_499 = tpu.memref_squeeze %dma_wait3A_498 : memref<1x64xi32, #tpu.memory_space<vmem>> -> memref<64xi32, #tpu.memory_space<vmem>>
      %dma_wait3A_500 = arith.constant 0 : i32
      %dma_wait3A_501 = arith.constant 0 : i32
      %dma_wait3A_502 = tpu.memref_slice %arg21[%dma_wait3A_500, %dma_wait3A_501] : memref<1000x128xf32, #tpu.memory_space<vmem_shared>> -> memref<1000x128xf32, #tpu.memory_space<vmem_shared>>
      tpu.wait_indirect_dma semaphore(%arg25 : memref<!tpu.dma_semaphore, #tpu.memory_space<semaphore_mem>>) src(%dma_wait3A_502 : memref<1000x128xf32, #tpu.memory_space<vmem_shared>>) dst(%dma_wait3A_496 : memref<64x128xf32, #tpu.memory_space<vmem>>)
      %add3A_503 = arith.constant 1 : i32
      %add3A_504 = arith.addi %mul3A_251, %add3A_503 : i32
      %mul3A_505 = arith.constant 64 : i32
      %mul3A_506 = arith.muli %add3A_504, %mul3A_505 : i32
      %scan3A_507 = arith.constant 0 : i32
      %scan3A_508 = arith.constant 1 : i32
      %scan3A_509 = arith.constant 1 : i32
      %scan3A_510 = arith.constant 1 : i32
      %scan3A_511 = arith.constant 1 : i32
      %scan3A_512 = arith.constant 1 : i32
      %scan3A_513 = arith.constant 1 : i32
      %scan3A_514 = arith.constant 0 : i32
      %scan3A_515 = arith.constant 4 : i32
      %scan3A_516 = arith.addi %scan3A_514, %scan3A_515 : i32
      %scan3A_517 = arith.constant 1 : i32
      scf.for %scan3A_519 = %scan3A_514 to %scan3A_516 step %scan3A_517  : i32 {
        %iota3A = tpu.iota {dimensions = array<i32: 0>} : vector<16xi32>
        %xor3A = arith.constant 1 : i32
        %xor3A_520 = vector.broadcast %xor3A : i32 to vector<16xi32>
        %xor3A_521 = arith.xori %iota3A, %xor3A_520 : vector<16xi32>
        %xor3A_522 = arith.constant 2 : i32
        %xor3A_523 = vector.broadcast %xor3A_522 : i32 to vector<16xi32>
        %xor3A_524 = arith.xori %iota3A, %xor3A_523 : vector<16xi32>
        %xor3A_525 = arith.constant 4 : i32
        %xor3A_526 = vector.broadcast %xor3A_525 : i32 to vector<16xi32>
        %xor3A_527 = arith.xori %iota3A, %xor3A_526 : vector<16xi32>
        %xor3A_528 = arith.constant 8 : i32
        %xor3A_529 = vector.broadcast %xor3A_528 : i32 to vector<16xi32>
        %xor3A_530 = arith.xori %iota3A, %xor3A_529 : vector<16xi32>
        %broadcast_in_dim3A = arith.constant 0.000000e+00 : f32
        %broadcast_in_dim3A_531 = vector.broadcast %broadcast_in_dim3A : f32 to vector<16xf32>
        %parallel_loop3A = arith.constant 0 : i32
        %parallel_loop3A_532 = arith.constant 16 : i32
        %parallel_loop3A_533 = arith.constant 1 : i32
        %parallel_loop3A_534 = scf.for %parallel_loop3A_548 = %parallel_loop3A to %parallel_loop3A_532 step %parallel_loop3A_533 iter_args(%parallel_loop3A_549 = %broadcast_in_dim3A_531) -> (vector<16xf32>)  : i32 {
          %parallel_loop3A_550 = arith.constant 16 : i32
          %parallel_loop3A_551 = arith.muli %scan3A_519, %parallel_loop3A_550 : i32
          %parallel_loop3A_552 = arith.addi %parallel_loop3A_551, %parallel_loop3A_548 : i32
          %parallel_loop3A_553 = arith.constant 0.000000e+00 : f32
          %parallel_loop3A_554 = vector.broadcast %parallel_loop3A_553 : f32 to vector<16xf32>
          %parallel_loop3A_555 = arith.constant 0.000000e+00 : f32
          %parallel_loop3A_556 = vector.broadcast %parallel_loop3A_555 : f32 to vector<16xf32>
          %parallel_loop3A_557 = arith.constant 0 : i32
          %parallel_loop3A_558 = arith.constant 0 : i32
          %parallel_loop3A_559 = tpu.memref_slice %arg13[%scan3A_508, %parallel_loop3A_557, %parallel_loop3A_558] : memref<2x64x128xf32, #tpu.memory_space<vmem>> -> memref<1x64x128xf32, #tpu.memory_space<vmem>>
          %parallel_loop3A_560 = tpu.memref_squeeze %parallel_loop3A_559 : memref<1x64x128xf32, #tpu.memory_space<vmem>> -> memref<64x128xf32, #tpu.memory_space<vmem>>
          %parallel_loop3A_561 = arith.index_cast %parallel_loop3A_552 : i32 to index
          %parallel_loop3A_562 = arith.constant 0 : index
          %parallel_loop3A_563 = tpu.vector_load %parallel_loop3A_560[%parallel_loop3A_561, %parallel_loop3A_562] {strides = array<i32>} : memref<64x128xf32, #tpu.memory_space<vmem>>, vector<1x16xf32>,
          %parallel_loop3A_564 = vector.shape_cast %parallel_loop3A_563 : vector<1x16xf32> to vector<16xf32>
          %parallel_loop3A_565 = arith.constant 0 : i32
          %parallel_loop3A_566 = arith.constant 0 : i32
          %parallel_loop3A_567 = tpu.memref_slice %arg14[%scan3A_509, %parallel_loop3A_565, %parallel_loop3A_566] : memref<2x64x128xf32, #tpu.memory_space<vmem>> -> memref<1x64x128xf32, #tpu.memory_space<vmem>>
          %parallel_loop3A_568 = tpu.memref_squeeze %parallel_loop3A_567 : memref<1x64x128xf32, #tpu.memory_space<vmem>> -> memref<64x128xf32, #tpu.memory_space<vmem>>
          %parallel_loop3A_569 = arith.index_cast %parallel_loop3A_552 : i32 to index
          %parallel_loop3A_570 = arith.constant 0 : index
          %parallel_loop3A_571 = tpu.vector_load %parallel_loop3A_568[%parallel_loop3A_569, %parallel_loop3A_570] {strides = array<i32>} : memref<64x128xf32, #tpu.memory_space<vmem>>, vector<1x16xf32>,
          %parallel_loop3A_572 = vector.shape_cast %parallel_loop3A_571 : vector<1x16xf32> to vector<16xf32>
          %parallel_loop3A_573 = arith.constant 0 : i32
          %parallel_loop3A_574 = arith.constant 0 : i32
          %parallel_loop3A_575 = tpu.memref_slice %arg15[%scan3A_510, %parallel_loop3A_573, %parallel_loop3A_574] : memref<2x64x128xf32, #tpu.memory_space<vmem>> -> memref<1x64x128xf32, #tpu.memory_space<vmem>>
          %parallel_loop3A_576 = tpu.memref_squeeze %parallel_loop3A_575 : memref<1x64x128xf32, #tpu.memory_space<vmem>> -> memref<64x128xf32, #tpu.memory_space<vmem>>
          %parallel_loop3A_577 = arith.index_cast %parallel_loop3A_552 : i32 to index
          %parallel_loop3A_578 = arith.constant 0 : index
          %parallel_loop3A_579 = tpu.vector_load %parallel_loop3A_576[%parallel_loop3A_577, %parallel_loop3A_578] {strides = array<i32>} : memref<64x128xf32, #tpu.memory_space<vmem>>, vector<1x16xf32>,
          %parallel_loop3A_580 = vector.shape_cast %parallel_loop3A_579 : vector<1x16xf32> to vector<16xf32>
          %parallel_loop3A_581 = arith.constant 0 : i32
          %parallel_loop3A_582 = arith.constant 0 : i32
          %parallel_loop3A_583 = tpu.memref_slice %arg16[%scan3A_511, %parallel_loop3A_581, %parallel_loop3A_582] : memref<2x64x128xf32, #tpu.memory_space<vmem>> -> memref<1x64x128xf32, #tpu.memory_space<vmem>>
          %parallel_loop3A_584 = tpu.memref_squeeze %parallel_loop3A_583 : memref<1x64x128xf32, #tpu.memory_space<vmem>> -> memref<64x128xf32, #tpu.memory_space<vmem>>
          %parallel_loop3A_585 = arith.index_cast %parallel_loop3A_552 : i32 to index
          %parallel_loop3A_586 = arith.constant 0 : index
          %parallel_loop3A_587 = tpu.vector_load %parallel_loop3A_584[%parallel_loop3A_585, %parallel_loop3A_586] {strides = array<i32>} : memref<64x128xf32, #tpu.memory_space<vmem>>, vector<1x16xf32>,
          %parallel_loop3A_588 = vector.shape_cast %parallel_loop3A_587 : vector<1x16xf32> to vector<16xf32>
          %parallel_loop3A_589 = arith.constant 0 : i32
          %parallel_loop3A_590 = arith.constant 0 : i32
          %parallel_loop3A_591 = tpu.memref_slice %arg17[%scan3A_512, %parallel_loop3A_589, %parallel_loop3A_590] : memref<2x64x128xf32, #tpu.memory_space<vmem>> -> memref<1x64x128xf32, #tpu.memory_space<vmem>>
          %parallel_loop3A_592 = tpu.memref_squeeze %parallel_loop3A_591 : memref<1x64x128xf32, #tpu.memory_space<vmem>> -> memref<64x128xf32, #tpu.memory_space<vmem>>
          %parallel_loop3A_593 = arith.index_cast %parallel_loop3A_552 : i32 to index
          %parallel_loop3A_594 = arith.constant 0 : index
          %parallel_loop3A_595 = tpu.vector_load %parallel_loop3A_592[%parallel_loop3A_593, %parallel_loop3A_594] {strides = array<i32>} : memref<64x128xf32, #tpu.memory_space<vmem>>, vector<1x16xf32>,
          %parallel_loop3A_596 = vector.shape_cast %parallel_loop3A_595 : vector<1x16xf32> to vector<16xf32>
          %parallel_loop3A_597 = arith.constant 0 : i32
          %parallel_loop3A_598 = arith.constant 0 : i32
          %parallel_loop3A_599 = tpu.memref_slice %arg18[%scan3A_513, %parallel_loop3A_597, %parallel_loop3A_598] : memref<2x64x128xf32, #tpu.memory_space<vmem>> -> memref<1x64x128xf32, #tpu.memory_space<vmem>>
          %parallel_loop3A_600 = tpu.memref_squeeze %parallel_loop3A_599 : memref<1x64x128xf32, #tpu.memory_space<vmem>> -> memref<64x128xf32, #tpu.memory_space<vmem>>
          %parallel_loop3A_601 = arith.index_cast %parallel_loop3A_552 : i32 to index
          %parallel_loop3A_602 = arith.constant 0 : index
          %parallel_loop3A_603 = tpu.vector_load %parallel_loop3A_600[%parallel_loop3A_601, %parallel_loop3A_602] {strides = array<i32>} : memref<64x128xf32, #tpu.memory_space<vmem>>, vector<1x16xf32>,
          %parallel_loop3A_604 = vector.shape_cast %parallel_loop3A_603 : vector<1x16xf32> to vector<16xf32>
          %parallel_loop3A_605 = arith.mulf %parallel_loop3A_564, %parallel_loop3A_580 : vector<16xf32>
          %parallel_loop3A_606 = arith.mulf %parallel_loop3A_572, %parallel_loop3A_588 : vector<16xf32>
          %parallel_loop3A_607 = arith.addf %parallel_loop3A_605, %parallel_loop3A_606 : vector<16xf32>
          %parallel_loop3A_608 = arith.mulf %parallel_loop3A_596, %parallel_loop3A_607 : vector<16xf32>
          %parallel_loop3A_609 = arith.addf %parallel_loop3A_554, %parallel_loop3A_608 : vector<16xf32>
          %parallel_loop3A_610 = arith.mulf %parallel_loop3A_564, %parallel_loop3A_588 : vector<16xf32>
          %parallel_loop3A_611 = arith.mulf %parallel_loop3A_572, %parallel_loop3A_580 : vector<16xf32>
          %parallel_loop3A_612 = arith.subf %parallel_loop3A_610, %parallel_loop3A_611 : vector<16xf32>
          %parallel_loop3A_613 = arith.mulf %parallel_loop3A_604, %parallel_loop3A_612 : vector<16xf32>
          %parallel_loop3A_614 = arith.addf %parallel_loop3A_556, %parallel_loop3A_613 : vector<16xf32>
          %parallel_loop3A_615 = arith.constant 0 : i32
          %parallel_loop3A_616 = arith.constant 0 : i32
          %parallel_loop3A_617 = tpu.memref_slice %arg13[%scan3A_508, %parallel_loop3A_615, %parallel_loop3A_616] : memref<2x64x128xf32, #tpu.memory_space<vmem>> -> memref<1x64x128xf32, #tpu.memory_space<vmem>>
          %parallel_loop3A_618 = tpu.memref_squeeze %parallel_loop3A_617 : memref<1x64x128xf32, #tpu.memory_space<vmem>> -> memref<64x128xf32, #tpu.memory_space<vmem>>
          %parallel_loop3A_619 = arith.index_cast %parallel_loop3A_552 : i32 to index
          %parallel_loop3A_620 = arith.constant 16 : index
          %parallel_loop3A_621 = tpu.vector_load %parallel_loop3A_618[%parallel_loop3A_619, %parallel_loop3A_620] {strides = array<i32>} : memref<64x128xf32, #tpu.memory_space<vmem>>, vector<1x16xf32>,
          %parallel_loop3A_622 = vector.shape_cast %parallel_loop3A_621 : vector<1x16xf32> to vector<16xf32>
          %parallel_loop3A_623 = arith.constant 0 : i32
          %parallel_loop3A_624 = arith.constant 0 : i32
          %parallel_loop3A_625 = tpu.memref_slice %arg14[%scan3A_509, %parallel_loop3A_623, %parallel_loop3A_624] : memref<2x64x128xf32, #tpu.memory_space<vmem>> -> memref<1x64x128xf32, #tpu.memory_space<vmem>>
          %parallel_loop3A_626 = tpu.memref_squeeze %parallel_loop3A_625 : memref<1x64x128xf32, #tpu.memory_space<vmem>> -> memref<64x128xf32, #tpu.memory_space<vmem>>
          %parallel_loop3A_627 = arith.index_cast %parallel_loop3A_552 : i32 to index
          %parallel_loop3A_628 = arith.constant 16 : index
          %parallel_loop3A_629 = tpu.vector_load %parallel_loop3A_626[%parallel_loop3A_627, %parallel_loop3A_628] {strides = array<i32>} : memref<64x128xf32, #tpu.memory_space<vmem>>, vector<1x16xf32>,
          %parallel_loop3A_630 = vector.shape_cast %parallel_loop3A_629 : vector<1x16xf32> to vector<16xf32>
          %parallel_loop3A_631 = arith.constant 0 : i32
          %parallel_loop3A_632 = arith.constant 0 : i32
          %parallel_loop3A_633 = tpu.memref_slice %arg15[%scan3A_510, %parallel_loop3A_631, %parallel_loop3A_632] : memref<2x64x128xf32, #tpu.memory_space<vmem>> -> memref<1x64x128xf32, #tpu.memory_space<vmem>>
          %parallel_loop3A_634 = tpu.memref_squeeze %parallel_loop3A_633 : memref<1x64x128xf32, #tpu.memory_space<vmem>> -> memref<64x128xf32, #tpu.memory_space<vmem>>
          %parallel_loop3A_635 = arith.index_cast %parallel_loop3A_552 : i32 to index
          %parallel_loop3A_636 = arith.constant 16 : index
          %parallel_loop3A_637 = tpu.vector_load %parallel_loop3A_634[%parallel_loop3A_635, %parallel_loop3A_636] {strides = array<i32>} : memref<64x128xf32, #tpu.memory_space<vmem>>, vector<1x16xf32>,
          %parallel_loop3A_638 = vector.shape_cast %parallel_loop3A_637 : vector<1x16xf32> to vector<16xf32>
          %parallel_loop3A_639 = arith.constant 0 : i32
          %parallel_loop3A_640 = arith.constant 0 : i32
          %parallel_loop3A_641 = tpu.memref_slice %arg16[%scan3A_511, %parallel_loop3A_639, %parallel_loop3A_640] : memref<2x64x128xf32, #tpu.memory_space<vmem>> -> memref<1x64x128xf32, #tpu.memory_space<vmem>>
          %parallel_loop3A_642 = tpu.memref_squeeze %parallel_loop3A_641 : memref<1x64x128xf32, #tpu.memory_space<vmem>> -> memref<64x128xf32, #tpu.memory_space<vmem>>
          %parallel_loop3A_643 = arith.index_cast %parallel_loop3A_552 : i32 to index
          %parallel_loop3A_644 = arith.constant 16 : index
          %parallel_loop3A_645 = tpu.vector_load %parallel_loop3A_642[%parallel_loop3A_643, %parallel_loop3A_644] {strides = array<i32>} : memref<64x128xf32, #tpu.memory_space<vmem>>, vector<1x16xf32>,
          %parallel_loop3A_646 = vector.shape_cast %parallel_loop3A_645 : vector<1x16xf32> to vector<16xf32>
          %parallel_loop3A_647 = arith.constant 0 : i32
          %parallel_loop3A_648 = arith.constant 0 : i32
          %parallel_loop3A_649 = tpu.memref_slice %arg17[%scan3A_512, %parallel_loop3A_647, %parallel_loop3A_648] : memref<2x64x128xf32, #tpu.memory_space<vmem>> -> memref<1x64x128xf32, #tpu.memory_space<vmem>>
          %parallel_loop3A_650 = tpu.memref_squeeze %parallel_loop3A_649 : memref<1x64x128xf32, #tpu.memory_space<vmem>> -> memref<64x128xf32, #tpu.memory_space<vmem>>
          %parallel_loop3A_651 = arith.index_cast %parallel_loop3A_552 : i32 to index
          %parallel_loop3A_652 = arith.constant 16 : index
          %parallel_loop3A_653 = tpu.vector_load %parallel_loop3A_650[%parallel_loop3A_651, %parallel_loop3A_652] {strides = array<i32>} : memref<64x128xf32, #tpu.memory_space<vmem>>, vector<1x16xf32>,
          %parallel_loop3A_654 = vector.shape_cast %parallel_loop3A_653 : vector<1x16xf32> to vector<16xf32>
          %parallel_loop3A_655 = arith.constant 0 : i32
          %parallel_loop3A_656 = arith.constant 0 : i32
          %parallel_loop3A_657 = tpu.memref_slice %arg18[%scan3A_513, %parallel_loop3A_655, %parallel_loop3A_656] : memref<2x64x128xf32, #tpu.memory_space<vmem>> -> memref<1x64x128xf32, #tpu.memory_space<vmem>>
          %parallel_loop3A_658 = tpu.memref_squeeze %parallel_loop3A_657 : memref<1x64x128xf32, #tpu.memory_space<vmem>> -> memref<64x128xf32, #tpu.memory_space<vmem>>
          %parallel_loop3A_659 = arith.index_cast %parallel_loop3A_552 : i32 to index
          %parallel_loop3A_660 = arith.constant 16 : index
          %parallel_loop3A_661 = tpu.vector_load %parallel_loop3A_658[%parallel_loop3A_659, %parallel_loop3A_660] {strides = array<i32>} : memref<64x128xf32, #tpu.memory_space<vmem>>, vector<1x16xf32>,
          %parallel_loop3A_662 = vector.shape_cast %parallel_loop3A_661 : vector<1x16xf32> to vector<16xf32>
          %parallel_loop3A_663 = arith.mulf %parallel_loop3A_622, %parallel_loop3A_638 : vector<16xf32>
          %parallel_loop3A_664 = arith.mulf %parallel_loop3A_630, %parallel_loop3A_646 : vector<16xf32>
          %parallel_loop3A_665 = arith.addf %parallel_loop3A_663, %parallel_loop3A_664 : vector<16xf32>
          %parallel_loop3A_666 = arith.mulf %parallel_loop3A_654, %parallel_loop3A_665 : vector<16xf32>
          %parallel_loop3A_667 = arith.addf %parallel_loop3A_609, %parallel_loop3A_666 : vector<16xf32>
          %parallel_loop3A_668 = arith.mulf %parallel_loop3A_622, %parallel_loop3A_646 : vector<16xf32>
          %parallel_loop3A_669 = arith.mulf %parallel_loop3A_630, %parallel_loop3A_638 : vector<16xf32>
          %parallel_loop3A_670 = arith.subf %parallel_loop3A_668, %parallel_loop3A_669 : vector<16xf32>
          %parallel_loop3A_671 = arith.mulf %parallel_loop3A_662, %parallel_loop3A_670 : vector<16xf32>
          %parallel_loop3A_672 = arith.addf %parallel_loop3A_614, %parallel_loop3A_671 : vector<16xf32>
          %parallel_loop3A_673 = arith.constant 0 : i32
          %parallel_loop3A_674 = arith.constant 0 : i32
          %parallel_loop3A_675 = tpu.memref_slice %arg13[%scan3A_508, %parallel_loop3A_673, %parallel_loop3A_674] : memref<2x64x128xf32, #tpu.memory_space<vmem>> -> memref<1x64x128xf32, #tpu.memory_space<vmem>>
          %parallel_loop3A_676 = tpu.memref_squeeze %parallel_loop3A_675 : memref<1x64x128xf32, #tpu.memory_space<vmem>> -> memref<64x128xf32, #tpu.memory_space<vmem>>
          %parallel_loop3A_677 = arith.index_cast %parallel_loop3A_552 : i32 to index
          %parallel_loop3A_678 = arith.constant 32 : index
          %parallel_loop3A_679 = tpu.vector_load %parallel_loop3A_676[%parallel_loop3A_677, %parallel_loop3A_678] {strides = array<i32>} : memref<64x128xf32, #tpu.memory_space<vmem>>, vector<1x16xf32>,
          %parallel_loop3A_680 = vector.shape_cast %parallel_loop3A_679 : vector<1x16xf32> to vector<16xf32>
          %parallel_loop3A_681 = arith.constant 0 : i32
          %parallel_loop3A_682 = arith.constant 0 : i32
          %parallel_loop3A_683 = tpu.memref_slice %arg14[%scan3A_509, %parallel_loop3A_681, %parallel_loop3A_682] : memref<2x64x128xf32, #tpu.memory_space<vmem>> -> memref<1x64x128xf32, #tpu.memory_space<vmem>>
          %parallel_loop3A_684 = tpu.memref_squeeze %parallel_loop3A_683 : memref<1x64x128xf32, #tpu.memory_space<vmem>> -> memref<64x128xf32, #tpu.memory_space<vmem>>
          %parallel_loop3A_685 = arith.index_cast %parallel_loop3A_552 : i32 to index
          %parallel_loop3A_686 = arith.constant 32 : index
          %parallel_loop3A_687 = tpu.vector_load %parallel_loop3A_684[%parallel_loop3A_685, %parallel_loop3A_686] {strides = array<i32>} : memref<64x128xf32, #tpu.memory_space<vmem>>, vector<1x16xf32>,
          %parallel_loop3A_688 = vector.shape_cast %parallel_loop3A_687 : vector<1x16xf32> to vector<16xf32>
          %parallel_loop3A_689 = arith.constant 0 : i32
          %parallel_loop3A_690 = arith.constant 0 : i32
          %parallel_loop3A_691 = tpu.memref_slice %arg15[%scan3A_510, %parallel_loop3A_689, %parallel_loop3A_690] : memref<2x64x128xf32, #tpu.memory_space<vmem>> -> memref<1x64x128xf32, #tpu.memory_space<vmem>>
          %parallel_loop3A_692 = tpu.memref_squeeze %parallel_loop3A_691 : memref<1x64x128xf32, #tpu.memory_space<vmem>> -> memref<64x128xf32, #tpu.memory_space<vmem>>
          %parallel_loop3A_693 = arith.index_cast %parallel_loop3A_552 : i32 to index
          %parallel_loop3A_694 = arith.constant 32 : index
          %parallel_loop3A_695 = tpu.vector_load %parallel_loop3A_692[%parallel_loop3A_693, %parallel_loop3A_694] {strides = array<i32>} : memref<64x128xf32, #tpu.memory_space<vmem>>, vector<1x16xf32>,
          %parallel_loop3A_696 = vector.shape_cast %parallel_loop3A_695 : vector<1x16xf32> to vector<16xf32>
          %parallel_loop3A_697 = arith.constant 0 : i32
          %parallel_loop3A_698 = arith.constant 0 : i32
          %parallel_loop3A_699 = tpu.memref_slice %arg16[%scan3A_511, %parallel_loop3A_697, %parallel_loop3A_698] : memref<2x64x128xf32, #tpu.memory_space<vmem>> -> memref<1x64x128xf32, #tpu.memory_space<vmem>>
          %parallel_loop3A_700 = tpu.memref_squeeze %parallel_loop3A_699 : memref<1x64x128xf32, #tpu.memory_space<vmem>> -> memref<64x128xf32, #tpu.memory_space<vmem>>
          %parallel_loop3A_701 = arith.index_cast %parallel_loop3A_552 : i32 to index
          %parallel_loop3A_702 = arith.constant 32 : index
          %parallel_loop3A_703 = tpu.vector_load %parallel_loop3A_700[%parallel_loop3A_701, %parallel_loop3A_702] {strides = array<i32>} : memref<64x128xf32, #tpu.memory_space<vmem>>, vector<1x16xf32>,
          %parallel_loop3A_704 = vector.shape_cast %parallel_loop3A_703 : vector<1x16xf32> to vector<16xf32>
          %parallel_loop3A_705 = arith.constant 0 : i32
          %parallel_loop3A_706 = arith.constant 0 : i32
          %parallel_loop3A_707 = tpu.memref_slice %arg17[%scan3A_512, %parallel_loop3A_705, %parallel_loop3A_706] : memref<2x64x128xf32, #tpu.memory_space<vmem>> -> memref<1x64x128xf32, #tpu.memory_space<vmem>>
          %parallel_loop3A_708 = tpu.memref_squeeze %parallel_loop3A_707 : memref<1x64x128xf32, #tpu.memory_space<vmem>> -> memref<64x128xf32, #tpu.memory_space<vmem>>
          %parallel_loop3A_709 = arith.index_cast %parallel_loop3A_552 : i32 to index
          %parallel_loop3A_710 = arith.constant 32 : index
          %parallel_loop3A_711 = tpu.vector_load %parallel_loop3A_708[%parallel_loop3A_709, %parallel_loop3A_710] {strides = array<i32>} : memref<64x128xf32, #tpu.memory_space<vmem>>, vector<1x16xf32>,
          %parallel_loop3A_712 = vector.shape_cast %parallel_loop3A_711 : vector<1x16xf32> to vector<16xf32>
          %parallel_loop3A_713 = arith.constant 0 : i32
          %parallel_loop3A_714 = arith.constant 0 : i32
          %parallel_loop3A_715 = tpu.memref_slice %arg18[%scan3A_513, %parallel_loop3A_713, %parallel_loop3A_714] : memref<2x64x128xf32, #tpu.memory_space<vmem>> -> memref<1x64x128xf32, #tpu.memory_space<vmem>>
          %parallel_loop3A_716 = tpu.memref_squeeze %parallel_loop3A_715 : memref<1x64x128xf32, #tpu.memory_space<vmem>> -> memref<64x128xf32, #tpu.memory_space<vmem>>
          %parallel_loop3A_717 = arith.index_cast %parallel_loop3A_552 : i32 to index
          %parallel_loop3A_718 = arith.constant 32 : index
          %parallel_loop3A_719 = tpu.vector_load %parallel_loop3A_716[%parallel_loop3A_717, %parallel_loop3A_718] {strides = array<i32>} : memref<64x128xf32, #tpu.memory_space<vmem>>, vector<1x16xf32>,
          %parallel_loop3A_720 = vector.shape_cast %parallel_loop3A_719 : vector<1x16xf32> to vector<16xf32>
          %parallel_loop3A_721 = arith.mulf %parallel_loop3A_680, %parallel_loop3A_696 : vector<16xf32>
          %parallel_loop3A_722 = arith.mulf %parallel_loop3A_688, %parallel_loop3A_704 : vector<16xf32>
          %parallel_loop3A_723 = arith.addf %parallel_loop3A_721, %parallel_loop3A_722 : vector<16xf32>
          %parallel_loop3A_724 = arith.mulf %parallel_loop3A_712, %parallel_loop3A_723 : vector<16xf32>
          %parallel_loop3A_725 = arith.addf %parallel_loop3A_667, %parallel_loop3A_724 : vector<16xf32>
          %parallel_loop3A_726 = arith.mulf %parallel_loop3A_680, %parallel_loop3A_704 : vector<16xf32>
          %parallel_loop3A_727 = arith.mulf %parallel_loop3A_688, %parallel_loop3A_696 : vector<16xf32>
          %parallel_loop3A_728 = arith.subf %parallel_loop3A_726, %parallel_loop3A_727 : vector<16xf32>
          %parallel_loop3A_729 = arith.mulf %parallel_loop3A_720, %parallel_loop3A_728 : vector<16xf32>
          %parallel_loop3A_730 = arith.addf %parallel_loop3A_672, %parallel_loop3A_729 : vector<16xf32>
          %parallel_loop3A_731 = arith.constant 0 : i32
          %parallel_loop3A_732 = arith.constant 0 : i32
          %parallel_loop3A_733 = tpu.memref_slice %arg13[%scan3A_508, %parallel_loop3A_731, %parallel_loop3A_732] : memref<2x64x128xf32, #tpu.memory_space<vmem>> -> memref<1x64x128xf32, #tpu.memory_space<vmem>>
          %parallel_loop3A_734 = tpu.memref_squeeze %parallel_loop3A_733 : memref<1x64x128xf32, #tpu.memory_space<vmem>> -> memref<64x128xf32, #tpu.memory_space<vmem>>
          %parallel_loop3A_735 = arith.index_cast %parallel_loop3A_552 : i32 to index
          %parallel_loop3A_736 = arith.constant 48 : index
          %parallel_loop3A_737 = tpu.vector_load %parallel_loop3A_734[%parallel_loop3A_735, %parallel_loop3A_736] {strides = array<i32>} : memref<64x128xf32, #tpu.memory_space<vmem>>, vector<1x16xf32>,
          %parallel_loop3A_738 = vector.shape_cast %parallel_loop3A_737 : vector<1x16xf32> to vector<16xf32>
          %parallel_loop3A_739 = arith.constant 0 : i32
          %parallel_loop3A_740 = arith.constant 0 : i32
          %parallel_loop3A_741 = tpu.memref_slice %arg14[%scan3A_509, %parallel_loop3A_739, %parallel_loop3A_740] : memref<2x64x128xf32, #tpu.memory_space<vmem>> -> memref<1x64x128xf32, #tpu.memory_space<vmem>>
          %parallel_loop3A_742 = tpu.memref_squeeze %parallel_loop3A_741 : memref<1x64x128xf32, #tpu.memory_space<vmem>> -> memref<64x128xf32, #tpu.memory_space<vmem>>
          %parallel_loop3A_743 = arith.index_cast %parallel_loop3A_552 : i32 to index
          %parallel_loop3A_744 = arith.constant 48 : index
          %parallel_loop3A_745 = tpu.vector_load %parallel_loop3A_742[%parallel_loop3A_743, %parallel_loop3A_744] {strides = array<i32>} : memref<64x128xf32, #tpu.memory_space<vmem>>, vector<1x16xf32>,
          %parallel_loop3A_746 = vector.shape_cast %parallel_loop3A_745 : vector<1x16xf32> to vector<16xf32>
          %parallel_loop3A_747 = arith.constant 0 : i32
          %parallel_loop3A_748 = arith.constant 0 : i32
          %parallel_loop3A_749 = tpu.memref_slice %arg15[%scan3A_510, %parallel_loop3A_747, %parallel_loop3A_748] : memref<2x64x128xf32, #tpu.memory_space<vmem>> -> memref<1x64x128xf32, #tpu.memory_space<vmem>>
          %parallel_loop3A_750 = tpu.memref_squeeze %parallel_loop3A_749 : memref<1x64x128xf32, #tpu.memory_space<vmem>> -> memref<64x128xf32, #tpu.memory_space<vmem>>
          %parallel_loop3A_751 = arith.index_cast %parallel_loop3A_552 : i32 to index
          %parallel_loop3A_752 = arith.constant 48 : index
          %parallel_loop3A_753 = tpu.vector_load %parallel_loop3A_750[%parallel_loop3A_751, %parallel_loop3A_752] {strides = array<i32>} : memref<64x128xf32, #tpu.memory_space<vmem>>, vector<1x16xf32>,
          %parallel_loop3A_754 = vector.shape_cast %parallel_loop3A_753 : vector<1x16xf32> to vector<16xf32>
          %parallel_loop3A_755 = arith.constant 0 : i32
          %parallel_loop3A_756 = arith.constant 0 : i32
          %parallel_loop3A_757 = tpu.memref_slice %arg16[%scan3A_511, %parallel_loop3A_755, %parallel_loop3A_756] : memref<2x64x128xf32, #tpu.memory_space<vmem>> -> memref<1x64x128xf32, #tpu.memory_space<vmem>>
          %parallel_loop3A_758 = tpu.memref_squeeze %parallel_loop3A_757 : memref<1x64x128xf32, #tpu.memory_space<vmem>> -> memref<64x128xf32, #tpu.memory_space<vmem>>
          %parallel_loop3A_759 = arith.index_cast %parallel_loop3A_552 : i32 to index
          %parallel_loop3A_760 = arith.constant 48 : index
          %parallel_loop3A_761 = tpu.vector_load %parallel_loop3A_758[%parallel_loop3A_759, %parallel_loop3A_760] {strides = array<i32>} : memref<64x128xf32, #tpu.memory_space<vmem>>, vector<1x16xf32>,
          %parallel_loop3A_762 = vector.shape_cast %parallel_loop3A_761 : vector<1x16xf32> to vector<16xf32>
          %parallel_loop3A_763 = arith.constant 0 : i32
          %parallel_loop3A_764 = arith.constant 0 : i32
          %parallel_loop3A_765 = tpu.memref_slice %arg17[%scan3A_512, %parallel_loop3A_763, %parallel_loop3A_764] : memref<2x64x128xf32, #tpu.memory_space<vmem>> -> memref<1x64x128xf32, #tpu.memory_space<vmem>>
          %parallel_loop3A_766 = tpu.memref_squeeze %parallel_loop3A_765 : memref<1x64x128xf32, #tpu.memory_space<vmem>> -> memref<64x128xf32, #tpu.memory_space<vmem>>
          %parallel_loop3A_767 = arith.index_cast %parallel_loop3A_552 : i32 to index
          %parallel_loop3A_768 = arith.constant 48 : index
          %parallel_loop3A_769 = tpu.vector_load %parallel_loop3A_766[%parallel_loop3A_767, %parallel_loop3A_768] {strides = array<i32>} : memref<64x128xf32, #tpu.memory_space<vmem>>, vector<1x16xf32>,
          %parallel_loop3A_770 = vector.shape_cast %parallel_loop3A_769 : vector<1x16xf32> to vector<16xf32>
          %parallel_loop3A_771 = arith.constant 0 : i32
          %parallel_loop3A_772 = arith.constant 0 : i32
          %parallel_loop3A_773 = tpu.memref_slice %arg18[%scan3A_513, %parallel_loop3A_771, %parallel_loop3A_772] : memref<2x64x128xf32, #tpu.memory_space<vmem>> -> memref<1x64x128xf32, #tpu.memory_space<vmem>>
          %parallel_loop3A_774 = tpu.memref_squeeze %parallel_loop3A_773 : memref<1x64x128xf32, #tpu.memory_space<vmem>> -> memref<64x128xf32, #tpu.memory_space<vmem>>
          %parallel_loop3A_775 = arith.index_cast %parallel_loop3A_552 : i32 to index
          %parallel_loop3A_776 = arith.constant 48 : index
          %parallel_loop3A_777 = tpu.vector_load %parallel_loop3A_774[%parallel_loop3A_775, %parallel_loop3A_776] {strides = array<i32>} : memref<64x128xf32, #tpu.memory_space<vmem>>, vector<1x16xf32>,
          %parallel_loop3A_778 = vector.shape_cast %parallel_loop3A_777 : vector<1x16xf32> to vector<16xf32>
          %parallel_loop3A_779 = arith.mulf %parallel_loop3A_738, %parallel_loop3A_754 : vector<16xf32>
          %parallel_loop3A_780 = arith.mulf %parallel_loop3A_746, %parallel_loop3A_762 : vector<16xf32>
          %parallel_loop3A_781 = arith.addf %parallel_loop3A_779, %parallel_loop3A_780 : vector<16xf32>
          %parallel_loop3A_782 = arith.mulf %parallel_loop3A_770, %parallel_loop3A_781 : vector<16xf32>
          %parallel_loop3A_783 = arith.addf %parallel_loop3A_725, %parallel_loop3A_782 : vector<16xf32>
          %parallel_loop3A_784 = arith.mulf %parallel_loop3A_738, %parallel_loop3A_762 : vector<16xf32>
          %parallel_loop3A_785 = arith.mulf %parallel_loop3A_746, %parallel_loop3A_754 : vector<16xf32>
          %parallel_loop3A_786 = arith.subf %parallel_loop3A_784, %parallel_loop3A_785 : vector<16xf32>
          %parallel_loop3A_787 = arith.mulf %parallel_loop3A_778, %parallel_loop3A_786 : vector<16xf32>
          %parallel_loop3A_788 = arith.addf %parallel_loop3A_730, %parallel_loop3A_787 : vector<16xf32>
          %parallel_loop3A_789 = arith.constant 0 : i32
          %parallel_loop3A_790 = arith.constant 0 : i32
          %parallel_loop3A_791 = tpu.memref_slice %arg13[%scan3A_508, %parallel_loop3A_789, %parallel_loop3A_790] : memref<2x64x128xf32, #tpu.memory_space<vmem>> -> memref<1x64x128xf32, #tpu.memory_space<vmem>>
          %parallel_loop3A_792 = tpu.memref_squeeze %parallel_loop3A_791 : memref<1x64x128xf32, #tpu.memory_space<vmem>> -> memref<64x128xf32, #tpu.memory_space<vmem>>
          %parallel_loop3A_793 = arith.index_cast %parallel_loop3A_552 : i32 to index
          %parallel_loop3A_794 = arith.constant 64 : index
          %parallel_loop3A_795 = tpu.vector_load %parallel_loop3A_792[%parallel_loop3A_793, %parallel_loop3A_794] {strides = array<i32>} : memref<64x128xf32, #tpu.memory_space<vmem>>, vector<1x16xf32>,
          %parallel_loop3A_796 = vector.shape_cast %parallel_loop3A_795 : vector<1x16xf32> to vector<16xf32>
          %parallel_loop3A_797 = arith.constant 0 : i32
          %parallel_loop3A_798 = arith.constant 0 : i32
          %parallel_loop3A_799 = tpu.memref_slice %arg14[%scan3A_509, %parallel_loop3A_797, %parallel_loop3A_798] : memref<2x64x128xf32, #tpu.memory_space<vmem>> -> memref<1x64x128xf32, #tpu.memory_space<vmem>>
          %parallel_loop3A_800 = tpu.memref_squeeze %parallel_loop3A_799 : memref<1x64x128xf32, #tpu.memory_space<vmem>> -> memref<64x128xf32, #tpu.memory_space<vmem>>
          %parallel_loop3A_801 = arith.index_cast %parallel_loop3A_552 : i32 to index
          %parallel_loop3A_802 = arith.constant 64 : index
          %parallel_loop3A_803 = tpu.vector_load %parallel_loop3A_800[%parallel_loop3A_801, %parallel_loop3A_802] {strides = array<i32>} : memref<64x128xf32, #tpu.memory_space<vmem>>, vector<1x16xf32>,
          %parallel_loop3A_804 = vector.shape_cast %parallel_loop3A_803 : vector<1x16xf32> to vector<16xf32>
          %parallel_loop3A_805 = arith.constant 0 : i32
          %parallel_loop3A_806 = arith.constant 0 : i32
          %parallel_loop3A_807 = tpu.memref_slice %arg15[%scan3A_510, %parallel_loop3A_805, %parallel_loop3A_806] : memref<2x64x128xf32, #tpu.memory_space<vmem>> -> memref<1x64x128xf32, #tpu.memory_space<vmem>>
          %parallel_loop3A_808 = tpu.memref_squeeze %parallel_loop3A_807 : memref<1x64x128xf32, #tpu.memory_space<vmem>> -> memref<64x128xf32, #tpu.memory_space<vmem>>
          %parallel_loop3A_809 = arith.index_cast %parallel_loop3A_552 : i32 to index
          %parallel_loop3A_810 = arith.constant 64 : index
          %parallel_loop3A_811 = tpu.vector_load %parallel_loop3A_808[%parallel_loop3A_809, %parallel_loop3A_810] {strides = array<i32>} : memref<64x128xf32, #tpu.memory_space<vmem>>, vector<1x16xf32>,
          %parallel_loop3A_812 = vector.shape_cast %parallel_loop3A_811 : vector<1x16xf32> to vector<16xf32>
          %parallel_loop3A_813 = arith.constant 0 : i32
          %parallel_loop3A_814 = arith.constant 0 : i32
          %parallel_loop3A_815 = tpu.memref_slice %arg16[%scan3A_511, %parallel_loop3A_813, %parallel_loop3A_814] : memref<2x64x128xf32, #tpu.memory_space<vmem>> -> memref<1x64x128xf32, #tpu.memory_space<vmem>>
          %parallel_loop3A_816 = tpu.memref_squeeze %parallel_loop3A_815 : memref<1x64x128xf32, #tpu.memory_space<vmem>> -> memref<64x128xf32, #tpu.memory_space<vmem>>
          %parallel_loop3A_817 = arith.index_cast %parallel_loop3A_552 : i32 to index
          %parallel_loop3A_818 = arith.constant 64 : index
          %parallel_loop3A_819 = tpu.vector_load %parallel_loop3A_816[%parallel_loop3A_817, %parallel_loop3A_818] {strides = array<i32>} : memref<64x128xf32, #tpu.memory_space<vmem>>, vector<1x16xf32>,
          %parallel_loop3A_820 = vector.shape_cast %parallel_loop3A_819 : vector<1x16xf32> to vector<16xf32>
          %parallel_loop3A_821 = arith.constant 0 : i32
          %parallel_loop3A_822 = arith.constant 0 : i32
          %parallel_loop3A_823 = tpu.memref_slice %arg17[%scan3A_512, %parallel_loop3A_821, %parallel_loop3A_822] : memref<2x64x128xf32, #tpu.memory_space<vmem>> -> memref<1x64x128xf32, #tpu.memory_space<vmem>>
          %parallel_loop3A_824 = tpu.memref_squeeze %parallel_loop3A_823 : memref<1x64x128xf32, #tpu.memory_space<vmem>> -> memref<64x128xf32, #tpu.memory_space<vmem>>
          %parallel_loop3A_825 = arith.index_cast %parallel_loop3A_552 : i32 to index
          %parallel_loop3A_826 = arith.constant 64 : index
          %parallel_loop3A_827 = tpu.vector_load %parallel_loop3A_824[%parallel_loop3A_825, %parallel_loop3A_826] {strides = array<i32>} : memref<64x128xf32, #tpu.memory_space<vmem>>, vector<1x16xf32>,
          %parallel_loop3A_828 = vector.shape_cast %parallel_loop3A_827 : vector<1x16xf32> to vector<16xf32>
          %parallel_loop3A_829 = arith.constant 0 : i32
          %parallel_loop3A_830 = arith.constant 0 : i32
          %parallel_loop3A_831 = tpu.memref_slice %arg18[%scan3A_513, %parallel_loop3A_829, %parallel_loop3A_830] : memref<2x64x128xf32, #tpu.memory_space<vmem>> -> memref<1x64x128xf32, #tpu.memory_space<vmem>>
          %parallel_loop3A_832 = tpu.memref_squeeze %parallel_loop3A_831 : memref<1x64x128xf32, #tpu.memory_space<vmem>> -> memref<64x128xf32, #tpu.memory_space<vmem>>
          %parallel_loop3A_833 = arith.index_cast %parallel_loop3A_552 : i32 to index
          %parallel_loop3A_834 = arith.constant 64 : index
          %parallel_loop3A_835 = tpu.vector_load %parallel_loop3A_832[%parallel_loop3A_833, %parallel_loop3A_834] {strides = array<i32>} : memref<64x128xf32, #tpu.memory_space<vmem>>, vector<1x16xf32>,
          %parallel_loop3A_836 = vector.shape_cast %parallel_loop3A_835 : vector<1x16xf32> to vector<16xf32>
          %parallel_loop3A_837 = arith.mulf %parallel_loop3A_796, %parallel_loop3A_812 : vector<16xf32>
          %parallel_loop3A_838 = arith.mulf %parallel_loop3A_804, %parallel_loop3A_820 : vector<16xf32>
          %parallel_loop3A_839 = arith.addf %parallel_loop3A_837, %parallel_loop3A_838 : vector<16xf32>
          %parallel_loop3A_840 = arith.mulf %parallel_loop3A_828, %parallel_loop3A_839 : vector<16xf32>
          %parallel_loop3A_841 = arith.addf %parallel_loop3A_783, %parallel_loop3A_840 : vector<16xf32>
          %parallel_loop3A_842 = arith.mulf %parallel_loop3A_796, %parallel_loop3A_820 : vector<16xf32>
          %parallel_loop3A_843 = arith.mulf %parallel_loop3A_804, %parallel_loop3A_812 : vector<16xf32>
          %parallel_loop3A_844 = arith.subf %parallel_loop3A_842, %parallel_loop3A_843 : vector<16xf32>
          %parallel_loop3A_845 = arith.mulf %parallel_loop3A_836, %parallel_loop3A_844 : vector<16xf32>
          %parallel_loop3A_846 = arith.addf %parallel_loop3A_788, %parallel_loop3A_845 : vector<16xf32>
          %parallel_loop3A_847 = arith.constant 0 : i32
          %parallel_loop3A_848 = arith.constant 0 : i32
          %parallel_loop3A_849 = tpu.memref_slice %arg13[%scan3A_508, %parallel_loop3A_847, %parallel_loop3A_848] : memref<2x64x128xf32, #tpu.memory_space<vmem>> -> memref<1x64x128xf32, #tpu.memory_space<vmem>>
          %parallel_loop3A_850 = tpu.memref_squeeze %parallel_loop3A_849 : memref<1x64x128xf32, #tpu.memory_space<vmem>> -> memref<64x128xf32, #tpu.memory_space<vmem>>
          %parallel_loop3A_851 = arith.index_cast %parallel_loop3A_552 : i32 to index
          %parallel_loop3A_852 = arith.constant 80 : index
          %parallel_loop3A_853 = tpu.vector_load %parallel_loop3A_850[%parallel_loop3A_851, %parallel_loop3A_852] {strides = array<i32>} : memref<64x128xf32, #tpu.memory_space<vmem>>, vector<1x16xf32>,
          %parallel_loop3A_854 = vector.shape_cast %parallel_loop3A_853 : vector<1x16xf32> to vector<16xf32>
          %parallel_loop3A_855 = arith.constant 0 : i32
          %parallel_loop3A_856 = arith.constant 0 : i32
          %parallel_loop3A_857 = tpu.memref_slice %arg14[%scan3A_509, %parallel_loop3A_855, %parallel_loop3A_856] : memref<2x64x128xf32, #tpu.memory_space<vmem>> -> memref<1x64x128xf32, #tpu.memory_space<vmem>>
          %parallel_loop3A_858 = tpu.memref_squeeze %parallel_loop3A_857 : memref<1x64x128xf32, #tpu.memory_space<vmem>> -> memref<64x128xf32, #tpu.memory_space<vmem>>
          %parallel_loop3A_859 = arith.index_cast %parallel_loop3A_552 : i32 to index
          %parallel_loop3A_860 = arith.constant 80 : index
          %parallel_loop3A_861 = tpu.vector_load %parallel_loop3A_858[%parallel_loop3A_859, %parallel_loop3A_860] {strides = array<i32>} : memref<64x128xf32, #tpu.memory_space<vmem>>, vector<1x16xf32>,
          %parallel_loop3A_862 = vector.shape_cast %parallel_loop3A_861 : vector<1x16xf32> to vector<16xf32>
          %parallel_loop3A_863 = arith.constant 0 : i32
          %parallel_loop3A_864 = arith.constant 0 : i32
          %parallel_loop3A_865 = tpu.memref_slice %arg15[%scan3A_510, %parallel_loop3A_863, %parallel_loop3A_864] : memref<2x64x128xf32, #tpu.memory_space<vmem>> -> memref<1x64x128xf32, #tpu.memory_space<vmem>>
          %parallel_loop3A_866 = tpu.memref_squeeze %parallel_loop3A_865 : memref<1x64x128xf32, #tpu.memory_space<vmem>> -> memref<64x128xf32, #tpu.memory_space<vmem>>
          %parallel_loop3A_867 = arith.index_cast %parallel_loop3A_552 : i32 to index
          %parallel_loop3A_868 = arith.constant 80 : index
          %parallel_loop3A_869 = tpu.vector_load %parallel_loop3A_866[%parallel_loop3A_867, %parallel_loop3A_868] {strides = array<i32>} : memref<64x128xf32, #tpu.memory_space<vmem>>, vector<1x16xf32>,
          %parallel_loop3A_870 = vector.shape_cast %parallel_loop3A_869 : vector<1x16xf32> to vector<16xf32>
          %parallel_loop3A_871 = arith.constant 0 : i32
          %parallel_loop3A_872 = arith.constant 0 : i32
          %parallel_loop3A_873 = tpu.memref_slice %arg16[%scan3A_511, %parallel_loop3A_871, %parallel_loop3A_872] : memref<2x64x128xf32, #tpu.memory_space<vmem>> -> memref<1x64x128xf32, #tpu.memory_space<vmem>>
          %parallel_loop3A_874 = tpu.memref_squeeze %parallel_loop3A_873 : memref<1x64x128xf32, #tpu.memory_space<vmem>> -> memref<64x128xf32, #tpu.memory_space<vmem>>
          %parallel_loop3A_875 = arith.index_cast %parallel_loop3A_552 : i32 to index
          %parallel_loop3A_876 = arith.constant 80 : index
          %parallel_loop3A_877 = tpu.vector_load %parallel_loop3A_874[%parallel_loop3A_875, %parallel_loop3A_876] {strides = array<i32>} : memref<64x128xf32, #tpu.memory_space<vmem>>, vector<1x16xf32>,
          %parallel_loop3A_878 = vector.shape_cast %parallel_loop3A_877 : vector<1x16xf32> to vector<16xf32>
          %parallel_loop3A_879 = arith.constant 0 : i32
          %parallel_loop3A_880 = arith.constant 0 : i32
          %parallel_loop3A_881 = tpu.memref_slice %arg17[%scan3A_512, %parallel_loop3A_879, %parallel_loop3A_880] : memref<2x64x128xf32, #tpu.memory_space<vmem>> -> memref<1x64x128xf32, #tpu.memory_space<vmem>>
          %parallel_loop3A_882 = tpu.memref_squeeze %parallel_loop3A_881 : memref<1x64x128xf32, #tpu.memory_space<vmem>> -> memref<64x128xf32, #tpu.memory_space<vmem>>
          %parallel_loop3A_883 = arith.index_cast %parallel_loop3A_552 : i32 to index
          %parallel_loop3A_884 = arith.constant 80 : index
          %parallel_loop3A_885 = tpu.vector_load %parallel_loop3A_882[%parallel_loop3A_883, %parallel_loop3A_884] {strides = array<i32>} : memref<64x128xf32, #tpu.memory_space<vmem>>, vector<1x16xf32>,
          %parallel_loop3A_886 = vector.shape_cast %parallel_loop3A_885 : vector<1x16xf32> to vector<16xf32>
          %parallel_loop3A_887 = arith.constant 0 : i32
          %parallel_loop3A_888 = arith.constant 0 : i32
          %parallel_loop3A_889 = tpu.memref_slice %arg18[%scan3A_513, %parallel_loop3A_887, %parallel_loop3A_888] : memref<2x64x128xf32, #tpu.memory_space<vmem>> -> memref<1x64x128xf32, #tpu.memory_space<vmem>>
          %parallel_loop3A_890 = tpu.memref_squeeze %parallel_loop3A_889 : memref<1x64x128xf32, #tpu.memory_space<vmem>> -> memref<64x128xf32, #tpu.memory_space<vmem>>
          %parallel_loop3A_891 = arith.index_cast %parallel_loop3A_552 : i32 to index
          %parallel_loop3A_892 = arith.constant 80 : index
          %parallel_loop3A_893 = tpu.vector_load %parallel_loop3A_890[%parallel_loop3A_891, %parallel_loop3A_892] {strides = array<i32>} : memref<64x128xf32, #tpu.memory_space<vmem>>, vector<1x16xf32>,
          %parallel_loop3A_894 = vector.shape_cast %parallel_loop3A_893 : vector<1x16xf32> to vector<16xf32>
          %parallel_loop3A_895 = arith.mulf %parallel_loop3A_854, %parallel_loop3A_870 : vector<16xf32>
          %parallel_loop3A_896 = arith.mulf %parallel_loop3A_862, %parallel_loop3A_878 : vector<16xf32>
          %parallel_loop3A_897 = arith.addf %parallel_loop3A_895, %parallel_loop3A_896 : vector<16xf32>
          %parallel_loop3A_898 = arith.mulf %parallel_loop3A_886, %parallel_loop3A_897 : vector<16xf32>
          %parallel_loop3A_899 = arith.addf %parallel_loop3A_841, %parallel_loop3A_898 : vector<16xf32>
          %parallel_loop3A_900 = arith.mulf %parallel_loop3A_854, %parallel_loop3A_878 : vector<16xf32>
          %parallel_loop3A_901 = arith.mulf %parallel_loop3A_862, %parallel_loop3A_870 : vector<16xf32>
          %parallel_loop3A_902 = arith.subf %parallel_loop3A_900, %parallel_loop3A_901 : vector<16xf32>
          %parallel_loop3A_903 = arith.mulf %parallel_loop3A_894, %parallel_loop3A_902 : vector<16xf32>
          %parallel_loop3A_904 = arith.addf %parallel_loop3A_846, %parallel_loop3A_903 : vector<16xf32>
          %parallel_loop3A_905 = arith.constant 0 : i32
          %parallel_loop3A_906 = arith.constant 0 : i32
          %parallel_loop3A_907 = tpu.memref_slice %arg13[%scan3A_508, %parallel_loop3A_905, %parallel_loop3A_906] : memref<2x64x128xf32, #tpu.memory_space<vmem>> -> memref<1x64x128xf32, #tpu.memory_space<vmem>>
          %parallel_loop3A_908 = tpu.memref_squeeze %parallel_loop3A_907 : memref<1x64x128xf32, #tpu.memory_space<vmem>> -> memref<64x128xf32, #tpu.memory_space<vmem>>
          %parallel_loop3A_909 = arith.index_cast %parallel_loop3A_552 : i32 to index
          %parallel_loop3A_910 = arith.constant 96 : index
          %parallel_loop3A_911 = tpu.vector_load %parallel_loop3A_908[%parallel_loop3A_909, %parallel_loop3A_910] {strides = array<i32>} : memref<64x128xf32, #tpu.memory_space<vmem>>, vector<1x16xf32>,
          %parallel_loop3A_912 = vector.shape_cast %parallel_loop3A_911 : vector<1x16xf32> to vector<16xf32>
          %parallel_loop3A_913 = arith.constant 0 : i32
          %parallel_loop3A_914 = arith.constant 0 : i32
          %parallel_loop3A_915 = tpu.memref_slice %arg14[%scan3A_509, %parallel_loop3A_913, %parallel_loop3A_914] : memref<2x64x128xf32, #tpu.memory_space<vmem>> -> memref<1x64x128xf32, #tpu.memory_space<vmem>>
          %parallel_loop3A_916 = tpu.memref_squeeze %parallel_loop3A_915 : memref<1x64x128xf32, #tpu.memory_space<vmem>> -> memref<64x128xf32, #tpu.memory_space<vmem>>
          %parallel_loop3A_917 = arith.index_cast %parallel_loop3A_552 : i32 to index
          %parallel_loop3A_918 = arith.constant 96 : index
          %parallel_loop3A_919 = tpu.vector_load %parallel_loop3A_916[%parallel_loop3A_917, %parallel_loop3A_918] {strides = array<i32>} : memref<64x128xf32, #tpu.memory_space<vmem>>, vector<1x16xf32>,
          %parallel_loop3A_920 = vector.shape_cast %parallel_loop3A_919 : vector<1x16xf32> to vector<16xf32>
          %parallel_loop3A_921 = arith.constant 0 : i32
          %parallel_loop3A_922 = arith.constant 0 : i32
          %parallel_loop3A_923 = tpu.memref_slice %arg15[%scan3A_510, %parallel_loop3A_921, %parallel_loop3A_922] : memref<2x64x128xf32, #tpu.memory_space<vmem>> -> memref<1x64x128xf32, #tpu.memory_space<vmem>>
          %parallel_loop3A_924 = tpu.memref_squeeze %parallel_loop3A_923 : memref<1x64x128xf32, #tpu.memory_space<vmem>> -> memref<64x128xf32, #tpu.memory_space<vmem>>
          %parallel_loop3A_925 = arith.index_cast %parallel_loop3A_552 : i32 to index
          %parallel_loop3A_926 = arith.constant 96 : index
          %parallel_loop3A_927 = tpu.vector_load %parallel_loop3A_924[%parallel_loop3A_925, %parallel_loop3A_926] {strides = array<i32>} : memref<64x128xf32, #tpu.memory_space<vmem>>, vector<1x16xf32>,
          %parallel_loop3A_928 = vector.shape_cast %parallel_loop3A_927 : vector<1x16xf32> to vector<16xf32>
          %parallel_loop3A_929 = arith.constant 0 : i32
          %parallel_loop3A_930 = arith.constant 0 : i32
          %parallel_loop3A_931 = tpu.memref_slice %arg16[%scan3A_511, %parallel_loop3A_929, %parallel_loop3A_930] : memref<2x64x128xf32, #tpu.memory_space<vmem>> -> memref<1x64x128xf32, #tpu.memory_space<vmem>>
          %parallel_loop3A_932 = tpu.memref_squeeze %parallel_loop3A_931 : memref<1x64x128xf32, #tpu.memory_space<vmem>> -> memref<64x128xf32, #tpu.memory_space<vmem>>
          %parallel_loop3A_933 = arith.index_cast %parallel_loop3A_552 : i32 to index
          %parallel_loop3A_934 = arith.constant 96 : index
          %parallel_loop3A_935 = tpu.vector_load %parallel_loop3A_932[%parallel_loop3A_933, %parallel_loop3A_934] {strides = array<i32>} : memref<64x128xf32, #tpu.memory_space<vmem>>, vector<1x16xf32>,
          %parallel_loop3A_936 = vector.shape_cast %parallel_loop3A_935 : vector<1x16xf32> to vector<16xf32>
          %parallel_loop3A_937 = arith.constant 0 : i32
          %parallel_loop3A_938 = arith.constant 0 : i32
          %parallel_loop3A_939 = tpu.memref_slice %arg17[%scan3A_512, %parallel_loop3A_937, %parallel_loop3A_938] : memref<2x64x128xf32, #tpu.memory_space<vmem>> -> memref<1x64x128xf32, #tpu.memory_space<vmem>>
          %parallel_loop3A_940 = tpu.memref_squeeze %parallel_loop3A_939 : memref<1x64x128xf32, #tpu.memory_space<vmem>> -> memref<64x128xf32, #tpu.memory_space<vmem>>
          %parallel_loop3A_941 = arith.index_cast %parallel_loop3A_552 : i32 to index
          %parallel_loop3A_942 = arith.constant 96 : index
          %parallel_loop3A_943 = tpu.vector_load %parallel_loop3A_940[%parallel_loop3A_941, %parallel_loop3A_942] {strides = array<i32>} : memref<64x128xf32, #tpu.memory_space<vmem>>, vector<1x16xf32>,
          %parallel_loop3A_944 = vector.shape_cast %parallel_loop3A_943 : vector<1x16xf32> to vector<16xf32>
          %parallel_loop3A_945 = arith.constant 0 : i32
          %parallel_loop3A_946 = arith.constant 0 : i32
          %parallel_loop3A_947 = tpu.memref_slice %arg18[%scan3A_513, %parallel_loop3A_945, %parallel_loop3A_946] : memref<2x64x128xf32, #tpu.memory_space<vmem>> -> memref<1x64x128xf32, #tpu.memory_space<vmem>>
          %parallel_loop3A_948 = tpu.memref_squeeze %parallel_loop3A_947 : memref<1x64x128xf32, #tpu.memory_space<vmem>> -> memref<64x128xf32, #tpu.memory_space<vmem>>
          %parallel_loop3A_949 = arith.index_cast %parallel_loop3A_552 : i32 to index
          %parallel_loop3A_950 = arith.constant 96 : index
          %parallel_loop3A_951 = tpu.vector_load %parallel_loop3A_948[%parallel_loop3A_949, %parallel_loop3A_950] {strides = array<i32>} : memref<64x128xf32, #tpu.memory_space<vmem>>, vector<1x16xf32>,
          %parallel_loop3A_952 = vector.shape_cast %parallel_loop3A_951 : vector<1x16xf32> to vector<16xf32>
          %parallel_loop3A_953 = arith.mulf %parallel_loop3A_912, %parallel_loop3A_928 : vector<16xf32>
          %parallel_loop3A_954 = arith.mulf %parallel_loop3A_920, %parallel_loop3A_936 : vector<16xf32>
          %parallel_loop3A_955 = arith.addf %parallel_loop3A_953, %parallel_loop3A_954 : vector<16xf32>
          %parallel_loop3A_956 = arith.mulf %parallel_loop3A_944, %parallel_loop3A_955 : vector<16xf32>
          %parallel_loop3A_957 = arith.addf %parallel_loop3A_899, %parallel_loop3A_956 : vector<16xf32>
          %parallel_loop3A_958 = arith.mulf %parallel_loop3A_912, %parallel_loop3A_936 : vector<16xf32>
          %parallel_loop3A_959 = arith.mulf %parallel_loop3A_920, %parallel_loop3A_928 : vector<16xf32>
          %parallel_loop3A_960 = arith.subf %parallel_loop3A_958, %parallel_loop3A_959 : vector<16xf32>
          %parallel_loop3A_961 = arith.mulf %parallel_loop3A_952, %parallel_loop3A_960 : vector<16xf32>
          %parallel_loop3A_962 = arith.addf %parallel_loop3A_904, %parallel_loop3A_961 : vector<16xf32>
          %parallel_loop3A_963 = arith.constant 0 : i32
          %parallel_loop3A_964 = arith.constant 0 : i32
          %parallel_loop3A_965 = tpu.memref_slice %arg13[%scan3A_508, %parallel_loop3A_963, %parallel_loop3A_964] : memref<2x64x128xf32, #tpu.memory_space<vmem>> -> memref<1x64x128xf32, #tpu.memory_space<vmem>>
          %parallel_loop3A_966 = tpu.memref_squeeze %parallel_loop3A_965 : memref<1x64x128xf32, #tpu.memory_space<vmem>> -> memref<64x128xf32, #tpu.memory_space<vmem>>
          %parallel_loop3A_967 = arith.index_cast %parallel_loop3A_552 : i32 to index
          %parallel_loop3A_968 = arith.constant 112 : index
          %parallel_loop3A_969 = tpu.vector_load %parallel_loop3A_966[%parallel_loop3A_967, %parallel_loop3A_968] {strides = array<i32>} : memref<64x128xf32, #tpu.memory_space<vmem>>, vector<1x16xf32>,
          %parallel_loop3A_970 = vector.shape_cast %parallel_loop3A_969 : vector<1x16xf32> to vector<16xf32>
          %parallel_loop3A_971 = arith.constant 0 : i32
          %parallel_loop3A_972 = arith.constant 0 : i32
          %parallel_loop3A_973 = tpu.memref_slice %arg14[%scan3A_509, %parallel_loop3A_971, %parallel_loop3A_972] : memref<2x64x128xf32, #tpu.memory_space<vmem>> -> memref<1x64x128xf32, #tpu.memory_space<vmem>>
          %parallel_loop3A_974 = tpu.memref_squeeze %parallel_loop3A_973 : memref<1x64x128xf32, #tpu.memory_space<vmem>> -> memref<64x128xf32, #tpu.memory_space<vmem>>
          %parallel_loop3A_975 = arith.index_cast %parallel_loop3A_552 : i32 to index
          %parallel_loop3A_976 = arith.constant 112 : index
          %parallel_loop3A_977 = tpu.vector_load %parallel_loop3A_974[%parallel_loop3A_975, %parallel_loop3A_976] {strides = array<i32>} : memref<64x128xf32, #tpu.memory_space<vmem>>, vector<1x16xf32>,
          %parallel_loop3A_978 = vector.shape_cast %parallel_loop3A_977 : vector<1x16xf32> to vector<16xf32>
          %parallel_loop3A_979 = arith.constant 0 : i32
          %parallel_loop3A_980 = arith.constant 0 : i32
          %parallel_loop3A_981 = tpu.memref_slice %arg15[%scan3A_510, %parallel_loop3A_979, %parallel_loop3A_980] : memref<2x64x128xf32, #tpu.memory_space<vmem>> -> memref<1x64x128xf32, #tpu.memory_space<vmem>>
          %parallel_loop3A_982 = tpu.memref_squeeze %parallel_loop3A_981 : memref<1x64x128xf32, #tpu.memory_space<vmem>> -> memref<64x128xf32, #tpu.memory_space<vmem>>
          %parallel_loop3A_983 = arith.index_cast %parallel_loop3A_552 : i32 to index
          %parallel_loop3A_984 = arith.constant 112 : index
          %parallel_loop3A_985 = tpu.vector_load %parallel_loop3A_982[%parallel_loop3A_983, %parallel_loop3A_984] {strides = array<i32>} : memref<64x128xf32, #tpu.memory_space<vmem>>, vector<1x16xf32>,
          %parallel_loop3A_986 = vector.shape_cast %parallel_loop3A_985 : vector<1x16xf32> to vector<16xf32>
          %parallel_loop3A_987 = arith.constant 0 : i32
          %parallel_loop3A_988 = arith.constant 0 : i32
          %parallel_loop3A_989 = tpu.memref_slice %arg16[%scan3A_511, %parallel_loop3A_987, %parallel_loop3A_988] : memref<2x64x128xf32, #tpu.memory_space<vmem>> -> memref<1x64x128xf32, #tpu.memory_space<vmem>>
          %parallel_loop3A_990 = tpu.memref_squeeze %parallel_loop3A_989 : memref<1x64x128xf32, #tpu.memory_space<vmem>> -> memref<64x128xf32, #tpu.memory_space<vmem>>
          %parallel_loop3A_991 = arith.index_cast %parallel_loop3A_552 : i32 to index
          %parallel_loop3A_992 = arith.constant 112 : index
          %parallel_loop3A_993 = tpu.vector_load %parallel_loop3A_990[%parallel_loop3A_991, %parallel_loop3A_992] {strides = array<i32>} : memref<64x128xf32, #tpu.memory_space<vmem>>, vector<1x16xf32>,
          %parallel_loop3A_994 = vector.shape_cast %parallel_loop3A_993 : vector<1x16xf32> to vector<16xf32>
          %parallel_loop3A_995 = arith.constant 0 : i32
          %parallel_loop3A_996 = arith.constant 0 : i32
          %parallel_loop3A_997 = tpu.memref_slice %arg17[%scan3A_512, %parallel_loop3A_995, %parallel_loop3A_996] : memref<2x64x128xf32, #tpu.memory_space<vmem>> -> memref<1x64x128xf32, #tpu.memory_space<vmem>>
          %parallel_loop3A_998 = tpu.memref_squeeze %parallel_loop3A_997 : memref<1x64x128xf32, #tpu.memory_space<vmem>> -> memref<64x128xf32, #tpu.memory_space<vmem>>
          %parallel_loop3A_999 = arith.index_cast %parallel_loop3A_552 : i32 to index
          %parallel_loop3A_1000 = arith.constant 112 : index
          %parallel_loop3A_1001 = tpu.vector_load %parallel_loop3A_998[%parallel_loop3A_999, %parallel_loop3A_1000] {strides = array<i32>} : memref<64x128xf32, #tpu.memory_space<vmem>>, vector<1x16xf32>,
          %parallel_loop3A_1002 = vector.shape_cast %parallel_loop3A_1001 : vector<1x16xf32> to vector<16xf32>
          %parallel_loop3A_1003 = arith.constant 0 : i32
          %parallel_loop3A_1004 = arith.constant 0 : i32
          %parallel_loop3A_1005 = tpu.memref_slice %arg18[%scan3A_513, %parallel_loop3A_1003, %parallel_loop3A_1004] : memref<2x64x128xf32, #tpu.memory_space<vmem>> -> memref<1x64x128xf32, #tpu.memory_space<vmem>>
          %parallel_loop3A_1006 = tpu.memref_squeeze %parallel_loop3A_1005 : memref<1x64x128xf32, #tpu.memory_space<vmem>> -> memref<64x128xf32, #tpu.memory_space<vmem>>
          %parallel_loop3A_1007 = arith.index_cast %parallel_loop3A_552 : i32 to index
          %parallel_loop3A_1008 = arith.constant 112 : index
          %parallel_loop3A_1009 = tpu.vector_load %parallel_loop3A_1006[%parallel_loop3A_1007, %parallel_loop3A_1008] {strides = array<i32>} : memref<64x128xf32, #tpu.memory_space<vmem>>, vector<1x16xf32>,
          %parallel_loop3A_1010 = vector.shape_cast %parallel_loop3A_1009 : vector<1x16xf32> to vector<16xf32>
          %parallel_loop3A_1011 = arith.mulf %parallel_loop3A_970, %parallel_loop3A_986 : vector<16xf32>
          %parallel_loop3A_1012 = arith.mulf %parallel_loop3A_978, %parallel_loop3A_994 : vector<16xf32>
          %parallel_loop3A_1013 = arith.addf %parallel_loop3A_1011, %parallel_loop3A_1012 : vector<16xf32>
          %parallel_loop3A_1014 = arith.mulf %parallel_loop3A_1002, %parallel_loop3A_1013 : vector<16xf32>
          %parallel_loop3A_1015 = arith.addf %parallel_loop3A_957, %parallel_loop3A_1014 : vector<16xf32>
          %parallel_loop3A_1016 = arith.mulf %parallel_loop3A_970, %parallel_loop3A_994 : vector<16xf32>
          %parallel_loop3A_1017 = arith.mulf %parallel_loop3A_978, %parallel_loop3A_986 : vector<16xf32>
          %parallel_loop3A_1018 = arith.subf %parallel_loop3A_1016, %parallel_loop3A_1017 : vector<16xf32>
          %parallel_loop3A_1019 = arith.mulf %parallel_loop3A_1010, %parallel_loop3A_1018 : vector<16xf32>
          %parallel_loop3A_1020 = arith.addf %parallel_loop3A_962, %parallel_loop3A_1019 : vector<16xf32>
          %parallel_loop3A_1021 = arith.addf %parallel_loop3A_1015, %parallel_loop3A_1020 : vector<16xf32>
          %parallel_loop3A_1022 = vector.shape_cast %xor3A_521 : vector<16xi32> to vector<16x1xi32>
          %parallel_loop3A_1023 = vector.shape_cast %parallel_loop3A_1022 : vector<16x1xi32> to vector<16xi32>
          %parallel_loop3A_1024 = tpu.dynamic_gather %parallel_loop3A_1021[%parallel_loop3A_1023] in [0] : vector<16xf32>, vector<16xi32> -> vector<16xf32>
          %parallel_loop3A_1025 = arith.addf %parallel_loop3A_1021, %parallel_loop3A_1024 : vector<16xf32>
          %parallel_loop3A_1026 = vector.shape_cast %xor3A_524 : vector<16xi32> to vector<16x1xi32>
          %parallel_loop3A_1027 = vector.shape_cast %parallel_loop3A_1026 : vector<16x1xi32> to vector<16xi32>
          %parallel_loop3A_1028 = tpu.dynamic_gather %parallel_loop3A_1025[%parallel_loop3A_1027] in [0] : vector<16xf32>, vector<16xi32> -> vector<16xf32>
          %parallel_loop3A_1029 = arith.addf %parallel_loop3A_1025, %parallel_loop3A_1028 : vector<16xf32>
          %parallel_loop3A_1030 = vector.shape_cast %xor3A_527 : vector<16xi32> to vector<16x1xi32>
          %parallel_loop3A_1031 = vector.shape_cast %parallel_loop3A_1030 : vector<16x1xi32> to vector<16xi32>
          %parallel_loop3A_1032 = tpu.dynamic_gather %parallel_loop3A_1029[%parallel_loop3A_1031] in [0] : vector<16xf32>, vector<16xi32> -> vector<16xf32>
          %parallel_loop3A_1033 = arith.addf %parallel_loop3A_1029, %parallel_loop3A_1032 : vector<16xf32>
          %parallel_loop3A_1034 = vector.shape_cast %xor3A_530 : vector<16xi32> to vector<16x1xi32>
          %parallel_loop3A_1035 = vector.shape_cast %parallel_loop3A_1034 : vector<16x1xi32> to vector<16xi32>
          %parallel_loop3A_1036 = tpu.dynamic_gather %parallel_loop3A_1033[%parallel_loop3A_1035] in [0] : vector<16xf32>, vector<16xi32> -> vector<16xf32>
          %parallel_loop3A_1037 = arith.addf %parallel_loop3A_1033, %parallel_loop3A_1036 : vector<16xf32>
          %parallel_loop3A_1038 = vector.broadcast %parallel_loop3A_548 : i32 to vector<16xi32>
          %parallel_loop3A_1039 = arith.cmpi eq, %iota3A, %parallel_loop3A_1038 : vector<16xi32>
          %parallel_loop3A_1040 = arith.select %parallel_loop3A_1039, %parallel_loop3A_1037, %parallel_loop3A_549 : vector<16xi1>, vector<16xf32>
          scf.yield %parallel_loop3A_1040 : vector<16xf32>
        } {sc.loop_unroll_factor = 4 : i64, sc.parallel_access}
        %neg3A = arith.constant 0.000000e+00 : f32
        %neg3A_535 = vector.broadcast %neg3A : f32 to vector<16xf32>
        %neg3A_536 = arith.subf %neg3A_535, %parallel_loop3A_534 : vector<16xf32>
        %exp3A = math.exp %neg3A_536 : vector<16xf32>
        %add3A_537 = arith.constant 1.000000e+00 : f32
        %add3A_538 = vector.broadcast %add3A_537 : f32 to vector<16xf32>
        %add3A_539 = arith.addf %add3A_538, %exp3A : vector<16xf32>
        %div3A = arith.constant 1.000000e+00 : f32
        %div3A_540 = vector.broadcast %div3A : f32 to vector<16xf32>
        %div3A_541 = arith.divf %div3A_540, %add3A_539 : vector<16xf32>
        %mul3A_542 = arith.constant 16 : i32
        %mul3A_543 = arith.muli %scan3A_519, %mul3A_542 : i32
        %add3A_544 = arith.addi %mul3A_506, %mul3A_543 : i32
        %swap3A = arith.index_cast %add3A_544 : i32 to index
        %swap3A_545 = tpu.vector_load %arg19[%swap3A] {strides = array<i32>} : memref<512xf32, #tpu.memory_space<vmem>>, vector<16xf32>,
        %swap3A_546 = vector.shape_cast %swap3A_545 : vector<16xf32> to vector<16xf32>
        %swap3A_547 = vector.shape_cast %div3A_541 : vector<16xf32> to vector<16xf32>
        tpu.vector_store %arg19[%swap3A], %swap3A_547 {strides = array<i32>} : memref<512xf32, #tpu.memory_space<vmem>>, vector<16xf32>,
      }
      %scan3A_518 = arith.constant 4 : i32
    }
    %scan3A_248 = arith.constant 4 : i32
    "tpu.region"() ({
      %run_scoped3A = tpu.sem_alloc : memref<!tpu.dma_semaphore, #tpu.memory_space<semaphore_mem>>
      %dma_start3A_249 = tpu.memref_slice %arg9[%mul3A_2] : memref<16384xf32, #tpu.memory_space<hbm>> -> memref<512xf32, #tpu.memory_space<hbm>>
      %dma_start3A_250 = tpu.memref_slice %arg9[%mul3A_2] : memref<16384xf32, #tpu.memory_space<hbm>> -> memref<512xf32, #tpu.memory_space<hbm>>
      tpu.enqueue_dma source(%arg19 : memref<512xf32, #tpu.memory_space<vmem>>) target(%dma_start3A_250 : memref<512xf32, #tpu.memory_space<hbm>>) target_semaphore(%run_scoped3A : memref<!tpu.dma_semaphore, #tpu.memory_space<semaphore_mem>>)
      %dma_wait3A_251 = tpu.memref_slice %arg9[%mul3A_2] : memref<16384xf32, #tpu.memory_space<hbm>> -> memref<512xf32, #tpu.memory_space<hbm>>
      %dma_wait3A_252 = tpu.memref_slice %arg9[%mul3A_2] : memref<16384xf32, #tpu.memory_space<hbm>> -> memref<512xf32, #tpu.memory_space<hbm>>
      tpu.wait_dma2 semaphore(%run_scoped3A : memref<!tpu.dma_semaphore, #tpu.memory_space<semaphore_mem>>) src(%arg19 : memref<512xf32, #tpu.memory_space<vmem>>) dst(%dma_wait3A_252 : memref<512xf32, #tpu.memory_space<hbm>>)
      tpu.yield
    }) : () -> ()
    return
  }
}

</mosaic_0001>

<sc_bundles>
// kernel: kernel.3.cloned.1.call-start
scs
__scs_entry_jumppad:
0x0: {  	(pc) =	sbr.rel $0x88, $3  }
0x1: {  	(tag) =	ssettag $0x0;
	lr =	simm.s32 $0x1  }
0x2: {  	[smem:$0x3F9A] =	sst lr;
	_ =	strace $0xD0000000  }
0x3: {  	_ = 	snop  }
0x4: {  	_ = 	snop  }
0x5: {  	_ = 	snop  }
0x6: {  	_ = 	snop  }
0x7: {  	_ = 	snop  }
__scs_overlays_trampoline_lowered:
0x8: {  	[smem:$0x3FA9] =	sst s0  }
0x9: {  	[smem:$0x3FAA] =	sst s1  }
0xa: {  	[smem:$0x3FAB] =	sst s2  }
0xb: {  	[smem:$0x3FAC] =	sst s3  }
0xc: {  	[smem:$0x3FAD] =	sst s4  }
0xd: {  	[smem:$0x3FAE] =	sst s5  }
0xe: {  	[smem:$0x3FAF] =	sst s6  }
0xf: {  	[smem:$0x3FB0] =	sst s7  }
0x10: {  	[smem:$0x3FB1] =	sst s8  }
0x11: {  	[smem:$0x3FB2] =	sst s9;
	s0 =	simm.s32 @!p0 $0x0  }
0x12: {  	s1 =	sld [smem:$0x3F98];
	s0 =	simm.s32 @p0 $0x1  }
0x13: {  	[smem:$0x3FB3] =	sst s0;
	s0 =	simm.s32 @!p1 $0x0  }
0x14: {  	s2 =	sld [smem:$0x3F97];
	s0 =	simm.s32 @p1 $0x1  }
0x15: {  	[smem:$0x3FB4] =	sst s0;
	s0 =	simm.s32 @!p2 $0x0  }
0x16: {  	s3 =	sld [smem:$0x3FDB];
	s0 =	simm.s32 @p2 $0x1  }
0x17: {  	s4 =	simm.s32 $0x1BF5;
	[smem:$0x3FB6] =	sst s0  }
0x18: {  	s0 =	sld [smem:$0x3F99];
	_ =	swait.ge [sflag:s4], $0x0  }
0x19: {  	s7 =	sld [smem:$0x3F9A]  }
0x1a: {  	s8 =	sadd.s32 $0xFFFFE003, lr  }
0x1b: {  	s9 =	sadd.s32 $0xFFFFFEF7, lr;
	s5 =	simm.s32 $0xFFFFFFFF;
	p2 =	slt.u32 s8, $0xFFFFF086  }
0x1c: {  	p1 =	slt.u32 s9, $0xF7A;
	s5 =	simm.s32 @!p2 $0x0  }
0x1d: {  	s5 =	simm.s32 @p1 $0x1;
	p0 =	seq.s32 s7, s2  }
0x1e: {  	s7 =	smul.u32 @!p0 $0xF7A, s2;
	p2 =	seq.s32 @!p0 s5, $0x0  }
0x1f: {  	s9 =	smul.u32 $0xF7A, s1;
	s8 =	simm.s32 @!p0 $0x1BF5;
	p2 =	por !p2, p0  }
0x20: {  	[sflag:s8] =	ssyncset.s32 @!p0 $0xFFFFF086;
	s6 =	sadd.s32 @!p0 s3, s7;
	s7 =	simm.s32 @!p0 $0x108  }
0x21: {  	s3 =	sadd.s32 s3, s9;
	s6 =	sadd.s32 @!p0 $0x88, s6;
	s7 =	simm.s32 @p2 $0x1082  }
0x22: {  	[simem:s7], [sflag:s8] =	dma.local @!p0 [hbm:s6], $0xF7A  }
0x23: {  	s9 =	sor.u32 $0xD0000000, s2;
	s6 =	simm.s32 $0x108;
	_ =	swait.ge @!p0 [sflag:s8], $0x0  }
0x24: {  	s3 =	sadd.s32 $0x88, s3;
	s6 =	simm.s32 @!p1 $0x1082;
	[sflag:s4] =	ssyncset.s32 $0xFFFFF086  }
0x25: {  	[simem:s6], [sflag:s4] =	dma.local [hbm:s3], $0xF7A  }
0x26: {  	[smem:$0x3F9A] =	sst s1;
	(tag) =	ssettag s2;
	_ =	strace s9  }
0x27: {  	s1 =	sld [smem:$0x3FAA]  }
0x28: {  	s2 =	sld [smem:$0x3FAB]  }
0x29: {  	s4 =	sld [smem:$0x3FAD]  }
0x2a: {  	p0 =	seq.s32 s5, $0x0;
	s5 =	sld [smem:$0x3FAE]  }
0x2b: {  	s6 =	sld [smem:$0x3FAF]  }
0x2c: {  	s7 =	sld [smem:$0x3FB0]  }
0x2d: {  	s3 =	simm.s32 $0x108;
	s8 =	sld [smem:$0x3FB1]  }
0x2e: {  	s3 =	simm.s32 @!p0 $0x1082;
	s9 =	sld [smem:$0x3FB2]  }
0x2f: {  	lr =	sadd.s32 s0, s3;
	s0 =	sld [smem:$0x3FA9]  }
0x30: {  	s3 =	sld [smem:$0x3FAC]  }
0x31: {  	[smem:$0x3FB5] =	sst s10  }
0x32: {  	s10 =	sld [smem:$0x3FB3];
	_ =	sdelay $0x3  }
0x33: {  	p0 =	seq.s32 s10, $0x1;
	s10 =	sld [smem:$0x3FB5];
	_ =	sdelay $0x3  }
0x34: {  	[smem:$0x3FB5] =	sst s10  }
0x35: {  	s10 =	sld [smem:$0x3FB4];
	_ =	sdelay $0x3  }
0x36: {  	p1 =	seq.s32 s10, $0x1;
	s10 =	sld [smem:$0x3FB5];
	_ =	sdelay $0x3  }
0x37: {  	[smem:$0x3FB5] =	sst s10  }
0x38: {  	s10 =	sld [smem:$0x3FB6]  }
0x39: {  	_ = 	snop;
	(pc) =	sbr.ind lr, $3  }
0x3a: {  	_ = 	snop  }
0x3b: {  	_ = 	snop  }
0x3c: {  	p2 =	seq.s32 s10, $0x1;
	s10 =	sld [smem:$0x3FB5]  }
0x3d: {  	_ =	shalt  }
0x3e: {  	_ =	shalt  }
0x3f: {  	_ =	shalt  }
0x40: {  	_ =	shalt  }
0x41: {  	_ =	shalt  }
0x42: {  	_ =	shalt  }
0x43: {  	_ =	shalt  }
0x44: {  	_ =	shalt  }
0x45: {  	_ =	shalt  }
0x46: {  	_ =	shalt  }
0x47: {  	_ =	shalt  }
0x48: {  	_ =	shalt  }
0x49: {  	_ =	shalt  }
0x4a: {  	_ =	shalt  }
0x4b: {  	_ =	shalt  }
0x4c: {  	_ =	shalt  }
0x4d: {  	_ =	shalt  }
0x4e: {  	_ =	shalt  }
0x4f: {  	_ =	shalt  }
0x50: {  	_ =	shalt  }
0x51: {  	_ =	shalt  }
0x52: {  	_ =	shalt  }
0x53: {  	_ =	shalt  }
0x54: {  	_ =	shalt  }
0x55: {  	_ =	shalt  }
0x56: {  	_ =	shalt  }
0x57: {  	_ =	shalt  }
0x58: {  	_ =	shalt  }
0x59: {  	_ =	shalt  }
0x5a: {  	_ =	shalt  }
0x5b: {  	_ =	shalt  }
0x5c: {  	_ =	shalt  }
0x5d: {  	_ =	shalt  }
0x5e: {  	_ =	shalt  }
0x5f: {  	_ =	shalt  }
0x60: {  	_ =	shalt  }
0x61: {  	_ =	shalt  }
0x62: {  	_ =	shalt  }
0x63: {  	_ =	shalt  }
0x64: {  	_ =	shalt  }
0x65: {  	_ =	shalt  }
0x66: {  	_ =	shalt  }
0x67: {  	_ =	shalt  }
0x68: {  	_ =	shalt  }
0x69: {  	_ =	shalt  }
0x6a: {  	_ =	shalt  }
0x6b: {  	_ =	shalt  }
0x6c: {  	_ =	shalt  }
0x6d: {  	_ =	shalt  }
0x6e: {  	_ =	shalt  }
0x6f: {  	_ =	shalt  }
0x70: {  	_ =	shalt  }
0x71: {  	_ =	shalt  }
0x72: {  	_ =	shalt  }
0x73: {  	_ =	shalt  }
0x74: {  	_ =	shalt  }
0x75: {  	_ =	shalt  }
0x76: {  	_ =	shalt  }
0x77: {  	_ =	shalt  }
0x78: {  	_ =	shalt  }
0x79: {  	_ =	shalt  }
0x7a: {  	_ =	shalt  }
0x7b: {  	_ =	shalt  }
0x7c: {  	_ =	shalt  }
0x7d: {  	_ =	shalt  }
0x7e: {  	_ =	shalt  }
0x7f: {  	_ =	shalt  }
0x80: {  	_ =	shalt  }
0x81: {  	_ =	shalt  }
0x82: {  	_ =	shalt  }
0x83: {  	_ =	shalt  }
0x84: {  	_ =	shalt  }
0x85: {  	_ =	shalt  }
0x86: {  	_ =	shalt  }
0x87: {  	_ =	shalt  }
.Lfunc_end0:
.L_simem_size_0:
called_computation_lowered:
.L_overlay_start_0:
0x88: {  	s2 =	sld [smem:$0x3FD9]  }
0x89: {  	s3 =	sld [smem:$0x3FFE];
	_ =	sdelay $0x1  }
0x8a: {  	s1 =	srdreg.scid  }
0x8b: {  	s0 =	sand.u32 $0x1, s1  }
0x8c: {  	s18 =	sshll.u32 s0, $0xA;
	s2 =	sadd.s32 s3, s2  }
0x8d: {  	s2 =	sadd.s32 s2, s18  }
0x8e: {  	[smem:$0x3FC1] =	sst s2  }
0x8f: {  	_ = 	snop  }
0x90: {  	s2 =	sld [smem:$0x3FC9]  }
0x91: {  	s19 =	sld [smem:$0x3FC8]  }
0x92: {  	s4 =	sld [smem:$0x3FC7]  }
0x93: {  	s5 =	sld [smem:$0x3FC6]  }
0x94: {  	s6 =	sld [smem:$0x3FC5]  }
0x95: {  	s7 =	sld [smem:$0x3FC4]  }
0x96: {  	s8 =	sld [smem:$0x3FC3]  }
0x97: {  	s9 =	sld [smem:$0x3FD0];
	(tm) =	ssettm $0x1  }
0x98: {  	s10 =	sld [smem:$0x3FFB];
	_ =	sdelay $0x3  }
0x99: {  	_ =	strace s10  }
0x9a: {  	s10 =	sld [smem:$0x3FFC];
	_ =	sdelay $0x3  }
0x9b: {  	_ =	strace s10  }
0x9c: {  	s10 =	sld [smem:$0x3FFD];
	_ =	sdelay $0x3  }
0x9d: {  	_ =	strace s10  }
0x9e: {  	_ =	strace $0x8FFFFFFF  }
0x9f: {  	s20 =	sld [smem:$0x3FDB];
	_ =	sdelay $0x1  }
0xa0: {  	s11 =	simm.s32 $_scs_section_size  }
0xa1: {  	s12 =	simm.s32 $_size__tile_overlayer_lowered;
	s13 =	simm.s32 $_tile_overlayer_lowered  }
0xa2: {  	s23 =	simm.s32 $0x1BFF;
	s22 =	sshll.u32 s13, $0x1;
	s10 =	sadd.s32 s11, s20  }
0xa3: {  	s14 =	simm.s32 $0x0;
	s21 =	sshll.u32 s12, $0x1;
	s12 =	sadd.s32 s22, s10  }
0xa4: {  	[timem:s14], [sflag:s23] =	dma.local [hbm:s12], s21  }
0xa5: {  	_ =	swait.ge [sflag:s23], s21  }
0xa6: {  	s11 =	ssub.s32 $0x0, s21;
	[sflag:s23] =	ssyncset.done $0x0  }
0xa7: {  	[sflag:s23] =	ssyncadd.s32 s11;
	_ =	sdelay $0x1  }
0xa8: {  	s24 =	simm.s32 $0x1B8B  }
0xa9: {  	_ =	swait.ge [sflag:s24], $0x1  }
0xaa: {  	[sflag:s24] =	ssyncset.done $0x0  }
0xab: {  	s25 =	simm.s32 $0x1B8E;
	[sflag:s24] =	ssyncadd.s32 $0xFFFFFFFF  }
0xac: {  	s26 =	simm.s32 $execute0_lowered;
	[smem:$0x3FD2] =	sst s25  }
0xad: {  	s11 =	sshll.u32 s26, $0x1;
	_ =	strace $0x80000046;
	[dreg:$0x1] =	wrdreg $0xFFFFFFFF  }
0xae: {  	s28 =	simm.s32 $_size_execute0_lowered;
	s10 =	sadd.s32 s10, s11;
	[dreg:$0x0] =	wrdreg $0x0  }
0xaf: {  	s11 =	sshll.u32 s28, $0x1;
	[dreg:$0x2] =	wrdreg s10  }
0xb0: {  	[dreg:$0x3] =	wrdreg s11  }
0xb1: {  	[dreg:$0x4] =	wrdreg $0xC0  }
0xb2: {  	_ =	task [dreg:s14], $0x5FFFF  }
0xb3: {  	[dreg:$0x1] =	wrdreg $0xFFFFFFFF  }
0xb4: {  	[dreg:$0x0] =	wrdreg $0x60  }
0xb5: {  	[dreg:$0x2] =	wrdreg s2  }
0xb6: {  	[dreg:$0x3] =	wrdreg s19  }
0xb7: {  	[dreg:$0x4] =	wrdreg s4  }
0xb8: {  	[dreg:$0x5] =	wrdreg s5  }
0xb9: {  	[dreg:$0x6] =	wrdreg s6  }
0xba: {  	[dreg:$0x7] =	wrdreg s7  }
0xbb: {  	[dreg:$0x8] =	wrdreg s8  }
0xbc: {  	[dreg:$0x9] =	wrdreg s9  }
0xbd: {  	[dreg:$0xa] =	wrdreg $0x18A000  }
0xbe: {  	[dreg:$0xb] =	wrdreg $0x1A9400  }
0xbf: {  	[dreg:$0xc] =	wrdreg $0x9  }
0xc0: {  	_ =	task.clear_ibuf [dreg:s14], $0xDFFFF;
	_ =	strace $0x90000046  }
0xc1: {  	s29 =	simm.s32 $0x9;
	_ =	strace $0x80000048  }
0xc2: {  	_ =	swait.ge [sflag:s29], $0x1  }
0xc3: {  	[sflag:s29] =	ssyncadd.s32 $0xFFFFFFFF  }
0xc4: {  	_ =	strace $0x90000048  }
0xc5: {  	_ =	sfence  }
0xc6: {  	s30 =	sld [smem:$0x0];
	_ =	sdelay $0x2  }
0xc7: {  	s31 =	sshll.u32 s1, $0xD;
	s1 =	sshrl.u32 s1, $0x2  }
0xc8: {  	s3 =	sand.u32 $0x4000, s31;
	s1 =	sadd.s32 s1, s30  }
0xc9: {  	s0 =	sor.u32 s3, s0;
	s1 =	sshll.u32 s1, $0x11  }
0xca: {  	s0 =	sor.u32 s1, s0  }
0xcb: {  	s0 =	sadd.s32 $0x8F2B, s0  }
0xcc: {  	[sflag:s0] =	ssyncadd.remote.s32 $0x1  }
0xcd: {  	_ =	sfence.sel $0xFFFF  }
0xce: {  	[dreg:$0x0] =	wrdreg $0xFFFFFFFF;
	(pc) =	sbr.abs _section_cstart, $3  }
0xcf: {  	[dreg:$0x1] =	wrdreg $0xFFFFFFFF  }
0xd0: {  	_ =	task.clear_ibuf [dreg:s14], $0x2FFFF;
	_ =	strace $0x9FFFFFFF  }
0xd1: {  	(tm) =	ssettm $0x7FFFFFFF  }
tec
execute0_lowered:
.L_overlay_start_1:
0x0: {  	(tag) =	ssettag $0x1  }
0x1: {  	s0 =	rddreg [dreg:$0x0]  }
0x2: {  	s1 =	rddreg [dreg:$0x1]  }
0x3: {  	s2 =	rddreg [dreg:$0x4]  }
0x4: {  	s3 =	rddreg [dreg:$0x5]  }
0x5: {  	s4 =	rddreg [dreg:$0x6]  }
0x6: {  	s7 =	rddreg [dreg:$0x7]  }
0x7: {  	s5 =	rddreg [dreg:$0x8]  }
0x8: {  	s6 =	rddreg [dreg:$0x9]  }
0x9: {  	s8 =	srdreg.scid;
	s14 =	simm.s32 $0x0;
	s12 =	stileid.u32  }
0xa: {  	s31 =	simm.s32 $0x2800;
	s28 =	simm.s32 $0x16800;
	s8 =	sand.u32 $0x1, s8  }
0xb: {  	s11 =	sshll.u32 s12, $0x7;
	s9 =	ssub.s32 $0x2, s8;
	s8 =	sshll.u32 s8, $0x6  }
0xc: {  	s29 =	simm.s32 $0x1;
	s30 =	simm.s32 $0x3;
	s8 =	sor.u32 s8, s11  }
0xd: {  	s13 =	simm.s32 $0x0;
	[smem:$0x7FF] =	sst s14;
	s2 =	sadd.s32 s2, s8  }
0xe: {  	_ =	strace $0x80000047;
	s18 =	sadd.s32 s4, s8;
	[dreg:$0xb] =	wrdreg s2  }
0xf: {  	p0 =	seq.s32 s12, $0x1;
	s19 =	sadd.s32 s3, s8;
	[dreg:$0xc] =	wrdreg s18  }
0x10: {  	p2 =	sgt.u32 s12, $0x1;
	s25 =	sadd.s32 s7, s8;
	[dreg:$0xd] =	wrdreg s19  }
0x11: {  	p1 =	sne.s32 @!p0 s12, $0x0;
	s3 =	sadd.s32 $0x8, s19;
	[dreg:$0x15] =	wrdreg s25  }
0x12: {  	v0 =	vimm.s32 $0xEFCDAB89;
	v1 =	vimm.s32 $0x67452301;
	v2 =	vimm.s32 $0xDCFE98BA;
	s10 =	sshrl.u32 s9, $0x1;
	s20 =	sadd.s32 $0x10, s19;
	[dreg:$0xe] =	wrdreg s3  }
0x13: {  	v3 =	vimm.s32 $0x54761032;
	v4 =	vimm.s32 $0xBA98FEDC;
	v5 =	vimm.s32 $0x32107654;
	p1 =	por p1, p0;
	s21 =	sadd.s32 $0x18, s19;
	[dreg:$0xf] =	wrdreg s20  }
0x14: {  	v6 =	vimm.s32 $0xFEDCBA98;
	v7 =	vimm.s32 $0x76543210;
	v0 =	vunpack.c.l.s4.s8 v0;
	s9 =	ssub.s32 s9, s10;
	s22 =	sadd.s32 $0x20, s19;
	[dreg:$0x10] =	wrdreg s21  }
0x15: {  	v1 =	vunpack.c.l.s4.s8 v1;
	v2 =	vunpack.c.l.s4.s8 v2;
	v3 =	vunpack.c.l.s4.s8 v3;
	s7 =	simm.s32 $0x5;
	s23 =	sadd.s32 $0x28, s19;
	[dreg:$0x11] =	wrdreg s22  }
0x16: {  	v6 =	vunpack.c.l.s4.s8 v6;
	v4 =	vunpack.c.l.s4.s8 v4;
	v5 =	vunpack.c.l.s4.s8 v5;
	s4 =	simm.s32 $0x6800;
	s24 =	sadd.s32 $0x30, s19;
	[dreg:$0x12] =	wrdreg s23  }
0x17: {  	v7 =	vunpack.c.l.s4.s8 v7;
	v0 =	vunpack.c.0.s8.s32 v0;
	v1 =	vunpack.c.0.s8.s32 v1;
	s10 =	simm.s32 $0x4;
	s2 =	sadd.s32 $0x38, s19;
	[dreg:$0x13] =	wrdreg s24  }
0x18: {  	v2 =	vunpack.c.0.s8.s32 v2;
	v3 =	vunpack.c.0.s8.s32 v3;
	v6 =	vunpack.c.0.s8.s32 v6;
	s26 =	smax.u32 s9, $0x1;
	s25 =	simm.s32 $0xE800;
	[dreg:$0x14] =	wrdreg s2  }
0x19: {  	v4 =	vunpack.c.0.s8.s32 v4;
	v5 =	vunpack.c.0.s8.s32 v5;
	v7 =	vunpack.c.0.s8.s32 v7;
	s9 =	simm.s32 $0x2;
	[dreg:$0x16] =	wrdreg s26;
	s2 =	sshrl.u32 @p0 s6, $0x3  }
0x1a: {  	v0 =	vcombine.low v1, v0;
	v1 =	vcombine.low v3, v2;
	v3 =	vand.u32 $0xF, v6;
	s3 =	simm.s32 $0xA800;
	[dreg:$0x17] =	wrdreg s2;
	s2 =	sshrl.u32 @!p1 s5, $0x3  }
0x1b: {  	v2 =	vcombine.low v5, v4;
	v4 =	vlaneseq.u32;
	s26 =	simm.s32 $0x12800;
	v3 =	vcombine.low v3, v7;
	[dreg:$0x18] =	wrdreg s2;
	s2 =	simm.s32 $0x40  }
.LBB2_1:
0x1c: {  	s11 =	rddreg [dreg:$0x3]  }
0x1d: {  	s8 =	simm.s32 @p0 $0x1C46;
	s12 =	rddreg [dreg:$0x17]  }
0x1e: {  	[spmem:s12], [sflag:s8] =	dma.local @p0 [hbm:s11], $0x3E80  }
0x1f: {  	s11 =	rddreg [dreg:$0x2]  }
0x20: {  	s8 =	simm.s32 @!p1 $0x1C06;
	s12 =	rddreg [dreg:$0x18]  }
0x21: {  	[spmem:s12], [sflag:s8] =	dma.local @!p1 [hbm:s11], $0x3E80  }
0x22: {  	s8 =	rddreg [dreg:$0xb]  }
0x23: {  	[tilespmem:s14], [sflag:$0x5] =	stream.linear.gather [hbm4b:s8+s14], $0x200, $0x38;
	[tilespmem:$0x1C880] =	vst v63  }
0x24: {  	s11 =	simm.s32 $0x600;
	s12 =	rddreg [dreg:$0xc]  }
0x25: {  	[tilespmem:s11], [sflag:$0x5] =	stream.linear.gather [hbm4b:s12+s14], $0x200, $0x38;
	[tilespmem:$0x1C880] =	vst v63  }
0x26: {  	s15 =	rddreg [dreg:$0xd];
	s12 =	simm.s32 $0x200  }
0x27: {  	[tilespmem:s12], [sflag:$0x5] =	stream.linear.gather [hbm4b:s15+s14], $0x40, $0x38;
	[tilespmem:$0x1C880] =	vst v63  }
0x28: {  	s16 =	rddreg [dreg:$0xe];
	s15 =	simm.s32 $0x280  }
0x29: {  	[tilespmem:s15], [sflag:$0x5] =	stream.linear.gather [hbm4b:s16+s14], $0x40, $0x38;
	[tilespmem:$0x1C880] =	vst v63  }
0x2a: {  	s18 =	simm.s32 $0x300;
	s17 =	rddreg [dreg:$0xf]  }
0x2b: {  	[tilespmem:s18], [sflag:$0x5] =	stream.linear.gather [hbm4b:s17+s14], $0x40, $0x38;
	[tilespmem:$0x1C880] =	vst v63  }
0x2c: {  	s20 =	simm.s32 $0x380;
	s19 =	rddreg [dreg:$0x10]  }
0x2d: {  	[tilespmem:s20], [sflag:$0x5] =	stream.linear.gather [hbm4b:s19+s14], $0x40, $0x38;
	[tilespmem:$0x1C880] =	vst v63  }
0x2e: {  	s22 =	simm.s32 $0x400;
	s21 =	rddreg [dreg:$0x11]  }
0x2f: {  	[tilespmem:s22], [sflag:$0x5] =	stream.linear.gather [hbm4b:s21+s14], $0x40, $0x38;
	[tilespmem:$0x1C880] =	vst v63  }
0x30: {  	s24 =	simm.s32 $0x480;
	s23 =	rddreg [dreg:$0x12]  }
0x31: {  	[tilespmem:s24], [sflag:$0x5] =	stream.linear.gather [hbm4b:s23+s14], $0x40, $0x38;
	[tilespmem:$0x1C880] =	vst v63  }
0x32: {  	s15 =	rddreg [dreg:$0x13];
	s16 =	simm.s32 $0x500  }
0x33: {  	[tilespmem:s16], [sflag:$0x5] =	stream.linear.gather [hbm4b:s15+s14], $0x40, $0x38;
	[tilespmem:$0x1C880] =	vst v63  }
0x34: {  	s17 =	rddreg [dreg:$0x14];
	s18 =	simm.s32 $0x580  }
0x35: {  	[tilespmem:s18], [sflag:$0x5] =	stream.linear.gather [hbm4b:s17+s14], $0x40, $0x38;
	[tilespmem:$0x1C880] =	vst v63  }
0x36: {  	_ =	swait.ge [sflag:s7], $0x200  }
0x37: {  	[sflag:s7] =	ssyncset.done $0x0  }
0x38: {  	[sflag:s7] =	ssyncadd.s32 $0xFFFFFE00  }
0x39: {  	_ =	swait.ge [sflag:s7], $0x200  }
0x3a: {  	[sflag:s7] =	ssyncset.done $0x0  }
0x3b: {  	[sflag:s7] =	ssyncadd.s32 $0xFFFFFE00  }
0x3c: {  	_ =	swait.ge [sflag:s7], $0x40  }
0x3d: {  	[sflag:s7] =	ssyncset.done $0x0  }
0x3e: {  	[sflag:s7] =	ssyncadd.s32 $0xFFFFFFC0  }
0x3f: {  	_ =	swait.ge [sflag:s7], $0x40  }
0x40: {  	[sflag:s7] =	ssyncset.done $0x0  }
0x41: {  	[sflag:s7] =	ssyncadd.s32 $0xFFFFFFC0  }
0x42: {  	_ =	swait.ge [sflag:s7], $0x40  }
0x43: {  	[sflag:s7] =	ssyncset.done $0x0  }
0x44: {  	[sflag:s7] =	ssyncadd.s32 $0xFFFFFFC0  }
0x45: {  	_ =	swait.ge [sflag:s7], $0x40  }
0x46: {  	[sflag:s7] =	ssyncset.done $0x0  }
0x47: {  	[sflag:s7] =	ssyncadd.s32 $0xFFFFFFC0  }
0x48: {  	_ =	swait.ge [sflag:s7], $0x40  }
0x49: {  	[sflag:s7] =	ssyncset.done $0x0  }
0x4a: {  	[sflag:s7] =	ssyncadd.s32 $0xFFFFFFC0  }
0x4b: {  	_ =	swait.ge [sflag:s7], $0x40  }
0x4c: {  	[sflag:s7] =	ssyncset.done $0x0  }
0x4d: {  	[sflag:s7] =	ssyncadd.s32 $0xFFFFFFC0  }
0x4e: {  	_ =	swait.ge [sflag:s7], $0x40  }
0x4f: {  	[sflag:s7] =	ssyncset.done $0x0  }
0x50: {  	[sflag:s7] =	ssyncadd.s32 $0xFFFFFFC0  }
0x51: {  	_ =	swait.ge [sflag:s7], $0x40  }
0x52: {  	[sflag:s7] =	ssyncset.done $0x0  }
0x53: {  	s19 =	simm.s32 $0x800;
	[sflag:s7] =	ssyncadd.s32 $0xFFFFFFC0  }
0x54: {  	[tilespmem:s19], [sflag:$0x1] =	stream.indirect.gather [hbm4b:s0+s2], $0x80, s14, s2, $0xb8;
	[tilespmem:$0x1C880] =	vst v63  }
0x55: {  	s20 =	simm.s32 $0x4800  }
0x56: {  	[tilespmem:s20], [sflag:$0x1] =	stream.indirect.gather [hbm4b:s1+s2], $0x80, s14, s2, $0xb8;
	[tilespmem:$0x1C880] =	vst v63  }
0x57: {  	s21 =	simm.s32 $0x8800  }
0x58: {  	[tilespmem:s21], [sflag:$0x1] =	stream.indirect.gather [hbm4b:s0+s2], $0x80, s11, s2, $0xb8;
	[tilespmem:$0x1C880] =	vst v63  }
0x59: {  	s8 =	simm.s32 @!p2 $0x6;
	s22 =	simm.s32 $0xC800  }
0x5a: {  	[tilespmem:s22], [sflag:$0x1] =	stream.indirect.gather [hbm4b:s1+s2], $0x80, s11, s2, $0xb8;
	[tilespmem:$0x1C880] =	vst v63  }
0x5b: {  	_ =	swait.ge @!p2 [sflag:s8], $0x3E80  }
0x5c: {  	[sflag:s8] =	ssyncset.done @!p2 $0x0  }
0x5d: {  	[sflag:s8] =	ssyncadd.s32 @!p2 $0xFFFFC180  }
0x5e: {  	s23 =	simm.s32 $0x10800;
	[bflag:$0x0] =	sbarrier.arrive $0xFFFF  }
0x5f: {  	[tilespmem:s23], [sflag:$0x3] =	stream.indirect.gather [spmem:s5], $0x80, s12, s2, $0xb8;
	[tilespmem:$0x1C880] =	vst v63  }
0x60: {  	s24 =	simm.s32 $0x14800;
	s14 =	simm.s32 $0x0  }
0x61: {  	[tilespmem:s24], [sflag:$0x3] =	stream.indirect.gather [spmem:s6], $0x80, s12, s2, $0xb8;
	[tilespmem:$0x1C880] =	vst v63  }
.LBB2_2:
0x62: {  	s8 =	sshllo.u32 s14, $0x1  }
0x63: {  	s15 =	sshll.u32 s8, $0x6  }
0x64: {  	[tilespmem:s31], [sflag:$0x2] =	stream.indirect.gather [hbm4b:s0+s2], $0x80, s15, s2, $0xb8;
	[tilespmem:$0x1C880] =	vst v63  }
0x65: {  	_ = 	snop  }
0x66: {  	[tilespmem:s4], [sflag:$0x2] =	stream.indirect.gather [hbm4b:s1+s2], $0x80, s15, s2, $0xb8;
	[tilespmem:$0x1C880] =	vst v63  }
0x67: {  	s8 =	sshll.u32 s8, $0x7;
	s11 =	sadd.s32 $0x600, s15  }
0x68: {  	[tilespmem:s3], [sflag:$0x2] =	stream.indirect.gather [hbm4b:s0+s2], $0x80, s11, s2, $0xb8;
	[tilespmem:$0x1C880] =	vst v63  }
0x69: {  	s8 =	sand.u32 $0x3FFFFF80, s8  }
0x6a: {  	[tilespmem:s25], [sflag:$0x2] =	stream.indirect.gather [hbm4b:s1+s2], $0x80, s11, s2, $0xb8;
	[tilespmem:$0x1C880] =	vst v63  }
0x6b: {  	s8 =	sadd.s32 $0x200, s8  }
0x6c: {  	[tilespmem:s26], [sflag:$0x4] =	stream.indirect.gather [spmem:s5], $0x80, s8, s2, $0xb8;
	[tilespmem:$0x1C880] =	vst v63  }
0x6d: {  	_ = 	snop  }
0x6e: {  	[tilespmem:s28], [sflag:$0x4] =	stream.indirect.gather [spmem:s6], $0x80, s8, s2, $0xb8;
	[tilespmem:$0x1C880] =	vst v63  }
0x6f: {  	_ =	swait.ge [sflag:s29], $0x2000  }
0x70: {  	[sflag:s29] =	ssyncset.done $0x0  }
0x71: {  	[sflag:s29] =	ssyncadd.s32 $0xFFFFE000  }
0x72: {  	_ =	swait.ge [sflag:s29], $0x2000  }
0x73: {  	[sflag:s29] =	ssyncset.done $0x0  }
0x74: {  	[sflag:s29] =	ssyncadd.s32 $0xFFFFE000  }
0x75: {  	_ =	swait.ge [sflag:s29], $0x2000  }
0x76: {  	[sflag:s29] =	ssyncset.done $0x0  }
0x77: {  	[sflag:s29] =	ssyncadd.s32 $0xFFFFE000  }
0x78: {  	_ =	swait.ge [sflag:s29], $0x2000  }
0x79: {  	[sflag:s29] =	ssyncset.done $0x0  }
0x7a: {  	[sflag:s29] =	ssyncadd.s32 $0xFFFFE000  }
0x7b: {  	s24 =	sshll.u32 s14, $0x7;
	s16 =	sshll.u32 s14, $0x1;
	_ =	swait.ge [sflag:s30], $0x2000  }
0x7c: {  	s17 =	simm.s32 $0x0;
	s18 =	simm.s32 $0x840;
	[sflag:s30] =	ssyncset.done $0x0  }
0x7d: {  	s19 =	simm.s32 $0x4870;
	s20 =	simm.s32 $0x8870;
	[sflag:s30] =	ssyncadd.s32 $0xFFFFE000  }
0x7e: {  	s21 =	simm.s32 $0xC870;
	s8 =	sand.u32 $0x3FFFFF80, s24;
	_ =	swait.ge [sflag:s30], $0x2000  }
0x7f: {  	s22 =	simm.s32 $0x10870;
	s8 =	sadd.s32 $0x18800, s8;
	[sflag:s30] =	ssyncset.done $0x0  }
0x80: {  	s23 =	simm.s32 $0x0;
	s11 =	simm.s32 $0x14870;
	v5 =	vmov s8;
	[sflag:s30] =	ssyncadd.s32 $0xFFFFE000  }
.LBB2_3:
0x81: {  	v10 =	vmov s18  }
0x82: {  	v9 =	vmov s19  }
0x83: {  	v11 =	vmov s20  }
0x84: {  	v8 =	vmov s21  }
0x85: {  	s8 =	simm.s32 $0x0  }
0x86: {  	v6 =	vld.idx.msk [tilespmem:v10+s8+$0x30 ss:$0x1], $0xffff  }
0x87: {  	v7 =	vld.idx.msk [tilespmem:v9+s8+$0x0 ss:$0x1], $0xffff  }
0x88: {  	v12 =	vld.idx.msk [tilespmem:v11+s8+$0x0 ss:$0x1], $0xffff  }
0x89: {  	v13 =	vld.idx.msk [tilespmem:v8+s8+$0x0 ss:$0x1], $0xffff  }
0x8a: {  	v14 =	vld.idx.msk [tilespmem:v10+s8+$0x20 ss:$0x1], $0xffff  }
0x8b: {  	v15 =	vld.idx.msk [tilespmem:v9+s8+$0xFFFFFFF0 ss:$0x1], $0xffff  }
0x8c: {  	v16 =	vld.idx.msk [tilespmem:v11+s8+$0xFFFFFFF0 ss:$0x1], $0xffff  }
0x8d: {  	v17 =	vld.idx.msk [tilespmem:v8+s8+$0xFFFFFFF0 ss:$0x1], $0xffff  }
0x8e: {  	v18 =	vld.idx.msk [tilespmem:v10+s8+$0x10 ss:$0x1], $0xffff  }
0x8f: {  	v19 =	vld.idx.msk [tilespmem:v9+s8+$0xFFFFFFE0 ss:$0x1], $0xffff  }
0x90: {  	v20 =	vld.idx.msk [tilespmem:v11+s8+$0xFFFFFFE0 ss:$0x1], $0xffff  }
0x91: {  	v21 =	vld.idx.msk [tilespmem:v8+s8+$0xFFFFFFE0 ss:$0x1], $0xffff  }
0x92: {  	v22 =	vld.idx.msk [tilespmem:v10+s8+$0x0 ss:$0x1], $0xffff  }
0x93: {  	v23 =	vld.idx.msk [tilespmem:v9+s8+$0xFFFFFFD0 ss:$0x1], $0xffff  }
0x94: {  	v24 =	vld.idx.msk [tilespmem:v11+s8+$0xFFFFFFD0 ss:$0x1], $0xffff  }
0x95: {  	v25 =	vld.idx.msk [tilespmem:v8+s8+$0xFFFFFFD0 ss:$0x1], $0xffff  }
0x96: {  	v26 =	vld.idx.msk [tilespmem:v10+s8+$0xFFFFFFF0 ss:$0x1], $0xffff  }
0x97: {  	v27 =	vld.idx.msk [tilespmem:v9+s8+$0xFFFFFFC0 ss:$0x1], $0xffff  }
0x98: {  	v28 =	vld.idx.msk [tilespmem:v11+s8+$0xFFFFFFC0 ss:$0x1], $0xffff  }
0x99: {  	v29 =	vld.idx.msk [tilespmem:v8+s8+$0xFFFFFFC0 ss:$0x1], $0xffff  }
0x9a: {  	v30 =	vld.idx.msk [tilespmem:v10+s8+$0xFFFFFFE0 ss:$0x1], $0xffff  }
0x9b: {  	v31 =	vld.idx.msk [tilespmem:v9+s8+$0xFFFFFFB0 ss:$0x1], $0xffff  }
0x9c: {  	v32 =	vld.idx.msk [tilespmem:v11+s8+$0xFFFFFFB0 ss:$0x1], $0xffff  }
0x9d: {  	v33 =	vld.idx.msk [tilespmem:v8+s8+$0xFFFFFFB0 ss:$0x1], $0xffff  }
0x9e: {  	v36 =	vld.idx.msk [tilespmem:v10+s8+$0xFFFFFFD0 ss:$0x1], $0xffff;
	v34 =	vmul.f32 v12, v6  }
0x9f: {  	v37 =	vld.idx.msk [tilespmem:v11+s8+$0xFFFFFFA0 ss:$0x1], $0xffff;
	v35 =	vmul.f32 v13, v7;
	v13 =	vmul.f32 v13, v6  }
0xa0: {  	s24 =	simm.s32 $0x80;
	v39 =	vld.idx.msk [tilespmem:v10+s8+$0xFFFFFFC0 ss:$0x1], $0xffff;
	v38 =	vmul.f32 v16, v14;
	v12 =	vmul.f32 v12, v7  }
0xa1: {  	v57 =	vld.idx.msk [tilespmem:v10+s24+$0x30 ss:$0x1], $0xffff;
	v40 =	vmul.f32 v17, v15;
	v14 =	vmul.f32 v17, v14  }
0xa2: {  	v58 =	vld.idx.msk [tilespmem:v11+s24+$0x0 ss:$0x1], $0xffff;
	v41 =	vmul.f32 v20, v18;
	v15 =	vmul.f32 v16, v15  }
0xa3: {  	v17 =	vld.idx.msk [tilespmem:v9+s8+$0xFFFFFF90 ss:$0x1], $0xffff;
	v42 =	vmul.f32 v21, v19;
	v18 =	vmul.f32 v21, v18  }
0xa4: {  	v6 =	vmov s22;
	v16 =	vld.idx.msk [tilespmem:v11+s8+$0xFFFFFF90 ss:$0x1], $0xffff;
	v43 =	vmul.f32 v24, v22;
	v19 =	vmul.f32 v20, v19  }
0xa5: {  	v7 =	vmov s11;
	v21 =	vld.idx.msk [tilespmem:v8+s8+$0xFFFFFF90 ss:$0x1], $0xffff;
	v44 =	vmul.f32 v25, v23;
	v22 =	vmul.f32 v25, v22  }
0xa6: {  	v20 =	vld.idx.msk [tilespmem:v9+s8+$0xFFFFFFA0 ss:$0x1], $0xffff;
	v45 =	vmul.f32 v28, v26;
	v23 =	vmul.f32 v24, v23  }
0xa7: {  	v25 =	vld.idx.msk [tilespmem:v8+s8+$0xFFFFFFA0 ss:$0x1], $0xffff;
	v24 =	vmul.f32 v29, v27;
	v26 =	vmul.f32 v29, v26  }
0xa8: {  	v59 =	vld.idx.msk [tilespmem:v9+s24+$0xFFFFFFE0 ss:$0x1], $0xffff;
	v47 =	vmul.f32 v32, v30;
	v27 =	vmul.f32 v28, v27  }
0xa9: {  	v48 =	vmul.f32 v37, v36;
	v49 =	vmul.f32 v33, v31;
	v46 =	vld.idx.msk [tilespmem:v6+s8+$0xFFFFFF90 ss:$0x1], $0xffff  }
0xaa: {  	v28 =	vld.idx.msk [tilespmem:v7+s8+$0xFFFFFF90 ss:$0x1], $0xffff;
	v50 =	vmul.f32 v16, v39;
	v51 =	vmul.f32 v21, v17  }
0xab: {  	v52 =	vld.idx.msk [tilespmem:v6+s8+$0xFFFFFFA0 ss:$0x1], $0xffff;
	v21 =	vmul.f32 v21, v39;
	v16 =	vmul.f32 v16, v17  }
0xac: {  	v17 =	vld.idx.msk [tilespmem:v7+s8+$0xFFFFFFA0 ss:$0x1], $0xffff;
	v62 =	vmul.f32 v25, v20;
	v25 =	vmul.f32 v25, v36  }
0xad: {  	v63 =	vld.idx.msk [tilespmem:v6+s8+$0xFFFFFFB0 ss:$0x1], $0xffff;
	v20 =	vmul.f32 v37, v20;
	v50 =	vadd.f32 v51, v50;
	v16 =	vsub.f32 v21, v16  }
0xae: {  	v30 =	vmul.f32 v33, v30;
	v31 =	vmul.f32 v32, v31;
	v21 =	vld.idx.msk [tilespmem:v7+s8+$0xFFFFFFB0 ss:$0x1], $0xffff;
	v53 =	vadd.f32 v62, v48  }
0xaf: {  	v54 =	vld.idx.msk [tilespmem:v6+s8+$0xFFFFFFC0 ss:$0x1], $0xffff;
	v20 =	vsub.f32 v25, v20;
	v55 =	vmul.f32 v50, v46;
	v16 =	vmul.f32 v16, v28  }
0xb0: {  	v56 =	vadd.f32 v49, v47;
	v30 =	vsub.f32 v30, v31;
	v25 =	vld.idx.msk [tilespmem:v7+s8+$0xFFFFFFC0 ss:$0x1], $0xffff;
	v28 =	vmul.f32 v53, v52  }
0xb1: {  	v31 =	vld.idx.msk [tilespmem:v6+s8+$0xFFFFFFD0 ss:$0x1], $0xffff;
	v17 =	vmul.f32 v20, v17;
	v33 =	vadd.f32 $0.0e+00, v55;
	v16 =	vadd.f32 $0.0e+00, v16  }
0xb2: {  	v24 =	vadd.f32 v24, v45;
	v26 =	vsub.f32 v26, v27;
	v20 =	vld.idx.msk [tilespmem:v7+s8+$0xFFFFFFD0 ss:$0x1], $0xffff;
	v36 =	vmul.f32 v56, v63  }
0xb3: {  	v27 =	vld.idx.msk [tilespmem:v6+s8+$0xFFFFFFE0 ss:$0x1], $0xffff;
	v28 =	vadd.f32 v28, v33;
	v16 =	vadd.f32 v17, v16;
	v17 =	vmul.f32 v30, v21  }
0xb4: {  	v22 =	vsub.f32 v22, v23;
	v24 =	vmul.f32 v24, v54;
	v21 =	vld.idx.msk [tilespmem:v7+s8+$0xFFFFFFE0 ss:$0x1], $0xffff;
	v30 =	vadd.f32 v44, v43  }
0xb5: {  	v23 =	vld.idx.msk [tilespmem:v6+s8+$0xFFFFFFF0 ss:$0x1], $0xffff;
	v28 =	vadd.f32 v36, v28;
	v16 =	vadd.f32 v17, v16;
	v17 =	vmul.f32 v26, v25  }
0xb6: {  	v18 =	vsub.f32 v18, v19;
	v25 =	vld.idx.msk [tilespmem:v7+s8+$0xFFFFFFF0 ss:$0x1], $0xffff;
	v26 =	vmul.f32 v30, v31;
	v30 =	vadd.f32 v42, v41  }
0xb7: {  	v19 =	vld.idx.msk [tilespmem:v7+s8+$0x0 ss:$0x1], $0xffff;
	v24 =	vadd.f32 v24, v28;
	v16 =	vadd.f32 v17, v16;
	v17 =	vmul.f32 v22, v20  }
0xb8: {  	v14 =	vsub.f32 v14, v15;
	v29 =	vld.idx.msk [tilespmem:v6+s8+$0x0 ss:$0x1], $0xffff;
	v22 =	vmul.f32 v30, v27;
	v27 =	vadd.f32 v40, v38  }
0xb9: {  	v60 =	vld.idx.msk [tilespmem:v11+s24+$0xFFFFFFE0 ss:$0x1], $0xffff;
	v15 =	vadd.f32 v26, v24;
	v16 =	vadd.f32 v17, v16;
	v17 =	vmul.f32 v18, v21  }
0xba: {  	v61 =	vld.idx.msk [tilespmem:v8+s24+$0xFFFFFFE0 ss:$0x1], $0xffff;
	v12 =	vsub.f32 v13, v12;
	v21 =	vmul.f32 v27, v23;
	v23 =	vadd.f32 v35, v34  }
0xbb: {  	v32 =	vld.idx.msk [tilespmem:v11+s24+$0xFFFFFFD0 ss:$0x1], $0xffff;
	v14 =	vmul.f32 v14, v25;
	v13 =	vadd.f32 v22, v15;
	v15 =	vadd.f32 v17, v16  }
0xbc: {  	v39 =	vld.idx.msk [tilespmem:v8+s24+$0xFFFFFFC0 ss:$0x1], $0xffff;
	v12 =	vmul.f32 v12, v19  }
0xbd: {  	v37 =	vld.idx.msk [tilespmem:v11+s24+$0xFFFFFFA0 ss:$0x1], $0xffff;
	v16 =	vmul.f32 v23, v29;
	v13 =	vadd.f32 v21, v13;
	v14 =	vadd.f32 v14, v15  }
0xbe: {  	v19 =	vld.idx.msk [tilespmem:v8+s24+$0xFFFFFFF0 ss:$0x1], $0xffff  }
0xbf: {  	v33 =	vld.idx.msk [tilespmem:v9+s24+$0xFFFFFFC0 ss:$0x1], $0xffff;
	v13 =	vadd.f32 v16, v13;
	v12 =	vadd.f32 v12, v14  }
0xc0: {  	v43 =	vld.idx.msk [tilespmem:v8+s24+$0xFFFFFF90 ss:$0x1], $0xffff  }
0xc1: {  	v31 =	vld.idx.msk [tilespmem:v10+s24+$0x0 ss:$0x1], $0xffff;
	v12 =	vadd.f32 v12, v13  }
0xc2: {  	v36 =	vld.idx.msk [tilespmem:v10+s24+$0xFFFFFFD0 ss:$0x1], $0xffff  }
0xc3: {  	v41 =	vld.idx.msk [tilespmem:v9+s24+$0xFFFFFF90 ss:$0x1], $0xffff;
	v13 =	vperm.xlane v12, v0  }
0xc4: {  	v42 =	vld.idx.msk [tilespmem:v11+s24+$0xFFFFFF90 ss:$0x1], $0xffff  }
0xc5: {  	v20 =	vld.idx.msk [tilespmem:v9+s24+$0x0 ss:$0x1], $0xffff;
	v12 =	vadd.f32 v12, v13  }
0xc6: {  	v30 =	vld.idx.msk [tilespmem:v9+s24+$0xFFFFFFD0 ss:$0x1], $0xffff  }
0xc7: {  	v18 =	vld.idx.msk [tilespmem:v8+s24+$0x0 ss:$0x1], $0xffff;
	v13 =	vperm.xlane v12, v1  }
0xc8: {  	v24 =	vld.idx.msk [tilespmem:v10+s24+$0x20 ss:$0x1], $0xffff  }
0xc9: {  	v23 =	vld.idx.msk [tilespmem:v11+s24+$0xFFFFFFF0 ss:$0x1], $0xffff;
	v12 =	vadd.f32 v12, v13  }
0xca: {  	v22 =	vld.idx.msk [tilespmem:v9+s24+$0xFFFFFFF0 ss:$0x1], $0xffff  }
0xcb: {  	v38 =	vld.idx.msk [tilespmem:v8+s24+$0xFFFFFFD0 ss:$0x1], $0xffff;
	v13 =	vperm.xlane v12, v2  }
0xcc: {  	v29 =	vld.idx.msk [tilespmem:v10+s24+$0x10 ss:$0x1], $0xffff  }
0xcd: {  	v28 =	vld.idx.msk [tilespmem:v8+s24+$0xFFFFFFB0 ss:$0x1], $0xffff;
	v15 =	vmul.f32 v18, v57;
	v14 =	vmul.f32 v18, v20;
	v12 =	vadd.f32 v12, v13  }
0xce: {  	v40 =	vld.idx.msk [tilespmem:v10+s24+$0xFFFFFFC0 ss:$0x1], $0xffff;
	v16 =	vmul.f32 v58, v20;
	v17 =	vmul.f32 v23, v24  }
0xcf: {  	v62 =	vimm.f32 $0.0e+00;
	v34 =	vld.idx.msk [tilespmem:v10+s24+$0xFFFFFFF0 ss:$0x1], $0xffff;
	v18 =	vmul.f32 v19, v22;
	v21 =	vperm.xlane v12, v3  }
0xd0: {  	v63 =	vmov s17;
	v35 =	vld.idx.msk [tilespmem:v11+s24+$0xFFFFFFC0 ss:$0x1], $0xffff;
	v19 =	vmul.f32 v19, v24;
	v20 =	vmul.f32 v23, v22  }
0xd1: {  	v27 =	vld.idx.msk [tilespmem:v11+s24+$0xFFFFFFB0 ss:$0x1], $0xffff;
	v22 =	vmul.f32 v61, v59;
	v23 =	vmul.f32 v61, v29;
	v12 =	vadd.f32 v12, v21  }
0xd2: {  	vm0 =	veq.s32 v63, v4;
	v25 =	vld.idx.msk [tilespmem:v10+s24+$0xFFFFFFE0 ss:$0x1], $0xffff;
	v24 =	vmul.f32 v60, v59;
	v13 =	vmul.f32 v58, v57  }
0xd3: {  	s12 =	simm.s32 $0x0;
	s8 =	simm.s32 $0x400;
	v26 =	vld.idx.msk [tilespmem:v9+s24+$0xFFFFFFB0 ss:$0x1], $0xffff;
	v21 =	vmul.f32 v60, v29;
	v29 =	vmul.f32 v32, v31;
	v12 =	vsel vm0, v12, v62  }
.LBB2_4:
0xd4: {  	p3 =	sne.s32 s8, $0x1E00;
	v44 =	vld.idx.msk [tilespmem:v9+s24+$0xFFFFFFA0 ss:$0x1], $0xffff;
	v45 =	vmul.f32 v38, v30;
	v31 =	vmul.f32 v38, v31  }
0xd5: {  	v46 =	vmul.f32 v35, v34;
	v30 =	vmul.f32 v32, v30;
	v38 =	vld.idx.msk [tilespmem:v8+s24+$0xFFFFFFA0 ss:$0x1], $0xffff  }
0xd6: {  	v32 =	vmul.f32 v39, v33;
	v34 =	vmul.f32 v39, v34;
	v39 =	vld.idx.msk [tilespmem:v6+s24+$0x0 ss:$0x1], $0xffff  }
0xd7: {  	v48 =	vmul.f32 v27, v25;
	v33 =	vmul.f32 v35, v33;
	v47 =	vld.idx.msk [tilespmem:v6+s24+$0xFFFFFF90 ss:$0x1], $0xffff  }
0xd8: {  	v49 =	vmul.f32 v37, v36;
	v50 =	vmul.f32 v28, v26;
	v35 =	vld.idx.msk [tilespmem:v7+s24+$0xFFFFFF90 ss:$0x1], $0xffff  }
0xd9: {  	v51 =	vmul.f32 v42, v40;
	v52 =	vmul.f32 v43, v41;
	v53 =	vld.idx.msk [tilespmem:v6+s24+$0xFFFFFFA0 ss:$0x1], $0xffff  }
0xda: {  	v40 =	vmul.f32 v43, v40;
	v41 =	vmul.f32 v42, v41;
	v42 =	vld.idx.msk [tilespmem:v7+s24+$0xFFFFFFA0 ss:$0x1], $0xffff  }
0xdb: {  	v43 =	vmul.f32 v38, v44;
	v36 =	vmul.f32 v38, v36;
	v38 =	vld.idx.msk [tilespmem:v6+s24+$0xFFFFFFB0 ss:$0x1], $0xffff  }
0xdc: {  	v37 =	vmul.f32 v37, v44;
	v51 =	vadd.f32 v52, v51;
	v40 =	vsub.f32 v40, v41;
	v41 =	vld.idx.msk [tilespmem:v7+s24+$0xFFFFFFB0 ss:$0x1], $0xffff  }
0xdd: {  	v25 =	vmul.f32 v28, v25;
	v26 =	vmul.f32 v27, v26;
	v43 =	vadd.f32 v43, v49;
	v27 =	vld.idx.msk [tilespmem:v6+s24+$0xFFFFFFC0 ss:$0x1], $0xffff  }
0xde: {  	v28 =	vmul.f32 v51, v47;
	v36 =	vsub.f32 v36, v37;
	v35 =	vmul.f32 v40, v35;
	v37 =	vld.idx.msk [tilespmem:v7+s24+$0xFFFFFFC0 ss:$0x1], $0xffff  }
0xdf: {  	v25 =	vsub.f32 v25, v26;
	v40 =	vmul.f32 v43, v53;
	v43 =	vadd.f32 v50, v48;
	v26 =	vld.idx.msk [tilespmem:v6+s24+$0xFFFFFFD0 ss:$0x1], $0xffff  }
0xe0: {  	v28 =	vadd.f32 $0.0e+00, v28;
	v35 =	vadd.f32 $0.0e+00, v35;
	v36 =	vmul.f32 v36, v42;
	v42 =	vld.idx.msk [tilespmem:v7+s24+$0xFFFFFFD0 ss:$0x1], $0xffff  }
0xe1: {  	v32 =	vadd.f32 v32, v46;
	v33 =	vsub.f32 v34, v33;
	v38 =	vmul.f32 v43, v38;
	v34 =	vld.idx.msk [tilespmem:v6+s24+$0xFFFFFFE0 ss:$0x1], $0xffff  }
0xe2: {  	v28 =	vadd.f32 v40, v28;
	v35 =	vadd.f32 v36, v35;
	v25 =	vmul.f32 v25, v41;
	v36 =	vld.idx.msk [tilespmem:v7+s24+$0xFFFFFFE0 ss:$0x1], $0xffff  }
0xe3: {  	v29 =	vadd.f32 v45, v29;
	v30 =	vsub.f32 v31, v30;
	v27 =	vmul.f32 v32, v27;
	v31 =	vld.idx.msk [tilespmem:v6+s24+$0xFFFFFFF0 ss:$0x1], $0xffff  }
0xe4: {  	v28 =	vadd.f32 v38, v28;
	v25 =	vadd.f32 v25, v35;
	v32 =	vmul.f32 v33, v37;
	v33 =	vld.idx.msk [tilespmem:v7+s24+$0xFFFFFFF0 ss:$0x1], $0xffff  }
0xe5: {  	v21 =	vadd.f32 v22, v21;
	v22 =	vsub.f32 v23, v24;
	v26 =	vmul.f32 v29, v26;
	v23 =	vld.idx.msk [tilespmem:v7+s24+$0x0 ss:$0x1], $0xffff;
	s24 =	sshra.s32 s8, $0x2  }
0xe6: {  	v27 =	vadd.f32 v27, v28;
	v25 =	vadd.f32 v32, v25;
	v28 =	vmul.f32 v30, v42;
	v24 =	vld.idx.msk [tilespmem:v10+s24+$0x30 ss:$0x1], $0xffff  }
0xe7: {  	v17 =	vadd.f32 v18, v17;
	v18 =	vsub.f32 v19, v20;
	v21 =	vmul.f32 v21, v34;
	v29 =	vld.idx.msk [tilespmem:v9+s24+$0x0 ss:$0x1], $0xffff  }
0xe8: {  	v20 =	vadd.f32 v26, v27;
	v25 =	vadd.f32 v28, v25;
	v22 =	vmul.f32 v22, v36;
	v19 =	vld.idx.msk [tilespmem:v11+s24+$0x0 ss:$0x1], $0xffff  }
0xe9: {  	v13 =	vadd.f32 v14, v13;
	v14 =	vsub.f32 v15, v16;
	v17 =	vmul.f32 v17, v31;
	v37 =	vld.idx.msk [tilespmem:v8+s24+$0x0 ss:$0x1], $0xffff  }
0xea: {  	v15 =	vadd.f32 v21, v20;
	v16 =	vadd.f32 v22, v25;
	v18 =	vmul.f32 v18, v33;
	v41 =	vld.idx.msk [tilespmem:v10+s24+$0x20 ss:$0x1], $0xffff  }
0xeb: {  	v13 =	vmul.f32 v13, v39;
	v20 =	vld.idx.msk [tilespmem:v9+s24+$0xFFFFFFF0 ss:$0x1], $0xffff  }
0xec: {  	v15 =	vadd.f32 v17, v15;
	v14 =	vmul.f32 v14, v23;
	v16 =	vadd.f32 v18, v16;
	v22 =	vld.idx.msk [tilespmem:v11+s24+$0xFFFFFFF0 ss:$0x1], $0xffff  }
0xed: {  	v21 =	vld.idx.msk [tilespmem:v8+s24+$0xFFFFFFF0 ss:$0x1], $0xffff  }
0xee: {  	v13 =	vadd.f32 v13, v15;
	v14 =	vadd.f32 v14, v16;
	v23 =	vld.idx.msk [tilespmem:v10+s24+$0x10 ss:$0x1], $0xffff  }
0xef: {  	v44 =	vld.idx.msk [tilespmem:v9+s24+$0xFFFFFFE0 ss:$0x1], $0xffff  }
0xf0: {  	v13 =	vadd.f32 v14, v13;
	v45 =	vld.idx.msk [tilespmem:v11+s24+$0xFFFFFFE0 ss:$0x1], $0xffff  }
0xf1: {  	v43 =	vld.idx.msk [tilespmem:v8+s24+$0xFFFFFFE0 ss:$0x1], $0xffff  }
0xf2: {  	v14 =	vperm.xlane v13, v0;
	v31 =	vld.idx.msk [tilespmem:v10+s24+$0x0 ss:$0x1], $0xffff  }
0xf3: {  	v30 =	vld.idx.msk [tilespmem:v9+s24+$0xFFFFFFD0 ss:$0x1], $0xffff  }
0xf4: {  	v13 =	vadd.f32 v13, v14;
	v32 =	vld.idx.msk [tilespmem:v11+s24+$0xFFFFFFD0 ss:$0x1], $0xffff  }
0xf5: {  	v38 =	vld.idx.msk [tilespmem:v8+s24+$0xFFFFFFD0 ss:$0x1], $0xffff  }
0xf6: {  	v14 =	vperm.xlane v13, v1;
	v34 =	vld.idx.msk [tilespmem:v10+s24+$0xFFFFFFF0 ss:$0x1], $0xffff  }
0xf7: {  	v33 =	vld.idx.msk [tilespmem:v9+s24+$0xFFFFFFC0 ss:$0x1], $0xffff  }
0xf8: {  	v13 =	vadd.f32 v13, v14;
	v35 =	vld.idx.msk [tilespmem:v11+s24+$0xFFFFFFC0 ss:$0x1], $0xffff  }
0xf9: {  	v39 =	vld.idx.msk [tilespmem:v8+s24+$0xFFFFFFC0 ss:$0x1], $0xffff  }
0xfa: {  	v14 =	vperm.xlane v13, v2;
	v25 =	vld.idx.msk [tilespmem:v10+s24+$0xFFFFFFE0 ss:$0x1], $0xffff  }
0xfb: {  	v26 =	vld.idx.msk [tilespmem:v9+s24+$0xFFFFFFB0 ss:$0x1], $0xffff  }
0xfc: {  	v42 =	vadd.f32 v13, v14;
	v27 =	vld.idx.msk [tilespmem:v11+s24+$0xFFFFFFB0 ss:$0x1], $0xffff  }
0xfd: {  	v13 =	vmul.f32 v19, v24;
	v14 =	vmul.f32 v37, v29;
	v28 =	vld.idx.msk [tilespmem:v8+s24+$0xFFFFFFB0 ss:$0x1], $0xffff  }
0xfe: {  	s12 =	sadd.s32 $0x1, s12;
	v15 =	vmul.f32 v37, v24;
	v24 =	vperm.xlane v42, v3;
	v36 =	vld.idx.msk [tilespmem:v10+s24+$0xFFFFFFD0 ss:$0x1], $0xffff  }
.Ltmp0:
0xff: {  	v16 =	vmul.f32 v19, v29;
	v17 =	vmul.f32 v22, v41;
	v29 =	vmov s12;
	v37 =	vld.idx.msk [tilespmem:v11+s24+$0xFFFFFFA0 ss:$0x1], $0xffff;
	(pc) =	sbr.rel @p3 .LBB2_4-.Ltmp0, $4  }
0x100: {  	v18 =	vmul.f32 v21, v20;
	v19 =	vmul.f32 v21, v41;
	v24 =	vadd.f32 v42, v24;
	v40 =	vld.idx.msk [tilespmem:v10+s24+$0xFFFFFFC0 ss:$0x1], $0xffff  }
0x101: {  	v20 =	vmul.f32 v22, v20;
	v21 =	vmul.f32 v45, v23;
	vm0 =	veq.s32 v29, v4;
	v41 =	vld.idx.msk [tilespmem:v9+s24+$0xFFFFFF90 ss:$0x1], $0xffff  }
0x102: {  	v22 =	vmul.f32 v43, v44;
	v23 =	vmul.f32 v43, v23;
	v12 =	vsel vm0, v24, v12;
	v42 =	vld.idx.msk [tilespmem:v11+s24+$0xFFFFFF90 ss:$0x1], $0xffff  }
0x103: {  	s8 =	sadd.s32 $0x200, s8;
	v29 =	vmul.f32 v32, v31;
	v24 =	vmul.f32 v45, v44;
	v43 =	vld.idx.msk [tilespmem:v8+s24+$0xFFFFFF90 ss:$0x1], $0xffff  }
0x104: {  	_ =	sdelay $0x2  }
0x105: {  	v10 =	vmul.f32 v38, v30;
	v11 =	vmul.f32 v38, v31  }
0x106: {  	v9 =	vld.idx.msk [tilespmem:v9+s24+$0xFFFFFFA0 ss:$0x1], $0xffff;
	v31 =	vmul.f32 v35, v34;
	v30 =	vmul.f32 v32, v30  }
0x107: {  	v8 =	vld.idx.msk [tilespmem:v8+s24+$0xFFFFFFA0 ss:$0x1], $0xffff;
	v32 =	vmul.f32 v39, v33;
	v34 =	vmul.f32 v39, v34  }
0x108: {  	v38 =	vmul.f32 v27, v25;
	v52 =	vmul.f32 v35, v33  }
0x109: {  	v53 =	vld.idx.msk [tilespmem:v6+s24+$0xFFFFFF90 ss:$0x1], $0xffff;
	v54 =	vmul.f32 v37, v36;
	v44 =	vmul.f32 v28, v26  }
0x10a: {  	v45 =	vld.idx.msk [tilespmem:v7+s24+$0xFFFFFF90 ss:$0x1], $0xffff;
	v46 =	vmul.f32 v42, v40;
	v56 =	vmul.f32 v42, v41  }
0x10b: {  	v48 =	vld.idx.msk [tilespmem:v6+s24+$0xFFFFFFA0 ss:$0x1], $0xffff;
	v47 =	vmul.f32 v43, v41;
	v55 =	vmul.f32 v43, v40  }
0x10c: {  	v57 =	vld.idx.msk [tilespmem:v7+s24+$0xFFFFFFA0 ss:$0x1], $0xffff;
	v58 =	vmul.f32 v8, v9;
	v8 =	vmul.f32 v8, v36  }
0x10d: {  	v59 =	vld.idx.msk [tilespmem:v6+s24+$0xFFFFFFB0 ss:$0x1], $0xffff;
	v9 =	vmul.f32 v37, v9;
	v46 =	vadd.f32 v47, v46;
	v40 =	vsub.f32 v55, v56  }
0x10e: {  	v60 =	vld.idx.msk [tilespmem:v7+s24+$0xFFFFFFB0 ss:$0x1], $0xffff;
	v61 =	vmul.f32 v28, v25;
	v62 =	vmul.f32 v27, v26;
	v39 =	vadd.f32 v58, v54  }
0x10f: {  	v63 =	vld.idx.msk [tilespmem:v6+s24+$0xFFFFFFC0 ss:$0x1], $0xffff;
	v8 =	vsub.f32 v8, v9;
	v43 =	vmul.f32 v46, v53;
	v46 =	vmul.f32 v40, v45  }
0x110: {  	v38 =	vadd.f32 v44, v38;
	v25 =	vsub.f32 v61, v62;
	v47 =	vld.idx.msk [tilespmem:v7+s24+$0xFFFFFFC0 ss:$0x1], $0xffff;
	v39 =	vmul.f32 v39, v48  }
0x111: {  	v49 =	vld.idx.msk [tilespmem:v7+s24+$0xFFFFFFD0 ss:$0x1], $0xffff;
	v8 =	vmul.f32 v8, v57;
	v28 =	vadd.f32 $0.0e+00, v43;
	v35 =	vadd.f32 $0.0e+00, v46  }
0x112: {  	v31 =	vadd.f32 v32, v31;
	v50 =	vsub.f32 v34, v52;
	v36 =	vmul.f32 v38, v59;
	v48 =	vld.idx.msk [tilespmem:v6+s24+$0xFFFFFFD0 ss:$0x1], $0xffff  }
0x113: {  	v51 =	vld.idx.msk [tilespmem:v6+s24+$0xFFFFFFE0 ss:$0x1], $0xffff;
	v25 =	vmul.f32 v25, v60;
	v28 =	vadd.f32 v39, v28;
	v8 =	vadd.f32 v8, v35  }
0x114: {  	v52 =	vld.idx.msk [tilespmem:v7+s24+$0xFFFFFFE0 ss:$0x1], $0xffff;
	v10 =	vadd.f32 v10, v29;
	v11 =	vsub.f32 v11, v30;
	v27 =	vmul.f32 v31, v63  }
0x115: {  	v54 =	vld.idx.msk [tilespmem:v7+s24+$0xFFFFFFF0 ss:$0x1], $0xffff;
	v9 =	vmul.f32 v50, v47;
	v28 =	vadd.f32 v36, v28;
	v8 =	vadd.f32 v25, v8  }
0x116: {  	v21 =	vadd.f32 v22, v21;
	v55 =	vsub.f32 v23, v24;
	v53 =	vld.idx.msk [tilespmem:v6+s24+$0xFFFFFFF0 ss:$0x1], $0xffff;
	v57 =	vmul.f32 v11, v49  }
0x117: {  	v7 =	vld.idx.msk [tilespmem:v7+s24+$0x0 ss:$0x1], $0xffff;
	v10 =	vmul.f32 v10, v48;
	v56 =	vadd.f32 v27, v28;
	v8 =	vadd.f32 v9, v8  }
0x118: {  	v17 =	vadd.f32 v18, v17;
	v59 =	vsub.f32 v19, v20;
	v58 =	vmul.f32 v21, v51;
	v6 =	vld.idx.msk [tilespmem:v6+s24+$0x0 ss:$0x1], $0xffff  }
0x119: {  	v60 =	vmul.f32 v55, v52;
	v10 =	vadd.f32 v10, v56;
	v8 =	vadd.f32 v57, v8  }
0x11a: {  	v13 =	vadd.f32 v14, v13;
	v61 =	vsub.f32 v15, v16;
	v62 =	vmul.f32 v59, v54  }
0x11b: {  	v17 =	vmul.f32 v17, v53;
	v10 =	vadd.f32 v58, v10;
	v8 =	vadd.f32 v60, v8  }
0x11c: {  	v7 =	vmul.f32 v61, v7  }
0x11d: {  	v6 =	vmul.f32 v13, v6;
	v10 =	vadd.f32 v17, v10;
	v8 =	vadd.f32 v62, v8;
	_ =	sdelay $0x1  }
0x11e: {  	v6 =	vadd.f32 v6, v10;
	v7 =	vadd.f32 v7, v8;
	_ =	sdelay $0x1  }
0x11f: {  	v6 =	vadd.f32 v7, v6;
	_ =	sdelay $0x1  }
0x120: {  	v7 =	vperm.xlane v6, v0;
	_ =	sdelay $0x1  }
0x121: {  	v6 =	vadd.f32 v6, v7;
	_ =	sdelay $0x1  }
0x122: {  	v7 =	vperm.xlane v6, v1;
	_ =	sdelay $0x1  }
0x123: {  	v6 =	vadd.f32 v6, v7;
	_ =	sdelay $0x1  }
0x124: {  	v7 =	vperm.xlane v6, v2;
	_ =	sdelay $0x1  }
0x125: {  	v6 =	vadd.f32 v6, v7;
	_ =	sdelay $0x1  }
0x126: {  	v7 =	vperm.xlane v6, v3  }
0x127: {  	s8 =	sadd.s32 $0x1, s12  }
0x128: {  	v63 =	vmov s8;
	v6 =	vadd.f32 v6, v7  }
0x129: {  	vm0 =	veq.s32 v63, v4  }
0x12a: {  	v6 =	vsel vm0, v6, v12  }
0x12b: {  	v6 =	vsub.f32 $0.0e+00, v6;
	_ =	sdelay $0x1  }
0x12c: {  	v6 =	vmul.f32 $1.442695020e+00, v6;
	_ =	sdelay $0x1  }
0x12d: {  	(erf) = vpow2.f32 v6;
	_ =	sdelay $0x8  }
0x12e: {  	v6 =	vpop (erf)  }
0x12f: {  	v6 =	vadd.f32 $1.000000000e+00, v6;
	_ =	sdelay $0x1  }
0x130: {  	(erf) = vrcp.f32 v6;
	_ =	sdelay $0x3  }
0x131: {  	s24 =	sshll.u32 s23, $0x4;
	s23 =	sadd.s32 $0x1, s23  }
0x132: {  	p3 =	sne.s32 s23, $0x4  }
.Ltmp1:
0x133: {  	_ = 	snop;
	(pc) =	sbr.rel @p3 .LBB2_3-.Ltmp1, $4  }
0x134: {  	_ = 	snop  }
0x135: {  	s18 =	sadd.s32 $0x800, s18  }
0x136: {  	s19 =	sadd.s32 $0x800, s19;
	s20 =	sadd.s32 $0x800, s20;
	s8 =	sand.u32 $0x3FFFFFF0, s24;
	v6 =	vpop (erf)  }
0x137: {  	s21 =	sadd.s32 $0x800, s21;
	s22 =	sadd.s32 $0x800, s22;
	s11 =	sadd.s32 $0x800, s11;
	[tilespmem:v5+s8+$0x0 ss:$0x1] =	vst.idx.msk $0xffff, v6  }
0x138: {  	p3 =	seq.s32 s14, $0x3  }
0x139: {  	s8 =	sadd.s32 @!p3 $0x2, s16  }
0x13a: {  	s12 =	simm.s32 @!p3 $0x40;
	s16 =	simm.s32 @!p3 $0x800;
	s11 =	sshll.u32 @!p3 s8, $0x6  }
0x13b: {  	[tilespmem:s16], [sflag:$0x1] =	stream.indirect.gather @!p3 [hbm4b:s0+s12], $0x80, s11, s12, $0xb8;
	[tilespmem:$0x1C880] =	vst v63  }
0x13c: {  	s16 =	simm.s32 @!p3 $0x4800  }
0x13d: {  	[tilespmem:s16], [sflag:$0x1] =	stream.indirect.gather @!p3 [hbm4b:s1+s12], $0x80, s11, s12, $0xb8;
	[tilespmem:$0x1C880] =	vst v63  }
0x13e: {  	s8 =	sshll.u32 @!p3 s8, $0x7;
	s11 =	sadd.s32 @!p3 $0x600, s11;
	s16 =	simm.s32 @!p3 $0x8800  }
0x13f: {  	[tilespmem:s16], [sflag:$0x1] =	stream.indirect.gather @!p3 [hbm4b:s0+s12], $0x80, s11, s12, $0xb8;
	[tilespmem:$0x1C880] =	vst v63  }
0x140: {  	s8 =	sand.u32 @!p3 $0x3FFFFF80, s8;
	s16 =	simm.s32 @!p3 $0xC800  }
0x141: {  	[tilespmem:s16], [sflag:$0x1] =	stream.indirect.gather @!p3 [hbm4b:s1+s12], $0x80, s11, s12, $0xb8;
	[tilespmem:$0x1C880] =	vst v63  }
0x142: {  	s8 =	sadd.s32 @!p3 $0x200, s8;
	s11 =	simm.s32 @!p3 $0x10800  }
0x143: {  	[tilespmem:s11], [sflag:$0x3] =	stream.indirect.gather @!p3 [spmem:s5], $0x80, s8, s12, $0xb8;
	[tilespmem:$0x1C880] =	vst v63  }
0x144: {  	s11 =	simm.s32 @!p3 $0x14800  }
0x145: {  	[tilespmem:s11], [sflag:$0x3] =	stream.indirect.gather @!p3 [spmem:s6], $0x80, s8, s12, $0xb8;
	[tilespmem:$0x1C880] =	vst v63  }
0x146: {  	_ =	swait.ge [sflag:s9], $0x2000  }
0x147: {  	[sflag:s9] =	ssyncset.done $0x0  }
0x148: {  	[sflag:s9] =	ssyncadd.s32 $0xFFFFE000  }
0x149: {  	_ =	swait.ge [sflag:s9], $0x2000  }
0x14a: {  	[sflag:s9] =	ssyncset.done $0x0  }
0x14b: {  	[sflag:s9] =	ssyncadd.s32 $0xFFFFE000  }
0x14c: {  	_ =	swait.ge [sflag:s9], $0x2000  }
0x14d: {  	[sflag:s9] =	ssyncset.done $0x0  }
0x14e: {  	[sflag:s9] =	ssyncadd.s32 $0xFFFFE000  }
0x14f: {  	_ =	swait.ge [sflag:s9], $0x2000  }
0x150: {  	[sflag:s9] =	ssyncset.done $0x0  }
0x151: {  	[sflag:s9] =	ssyncadd.s32 $0xFFFFE000  }
0x152: {  	_ =	swait.ge [sflag:s10], $0x2000  }
0x153: {  	s24 =	sadd.s32 $0x18800, s15;
	[sflag:s10] =	ssyncset.done $0x0  }
0x154: {  	s15 =	simm.s32 $0x0;
	s17 =	simm.s32 $0x6800;
	[sflag:s10] =	ssyncadd.s32 $0xFFFFE000  }
0x155: {  	s18 =	simm.s32 $0xA800;
	s19 =	simm.s32 $0xE800;
	_ =	swait.ge [sflag:s10], $0x2000  }
0x156: {  	s20 =	simm.s32 $0x12800;
	s21 =	simm.s32 $0x0;
	[sflag:s10] =	ssyncset.done $0x0  }
0x157: {  	v5 =	vmov s24;
	s16 =	simm.s32 $0x2800;
	s11 =	simm.s32 $0x16800;
	[sflag:s10] =	ssyncadd.s32 $0xFFFFE000  }
.LBB2_7:
0x158: {  	v10 =	vmov s16  }
0x159: {  	v9 =	vmov s17  }
0x15a: {  	v11 =	vmov s18  }
0x15b: {  	v8 =	vmov s19  }
0x15c: {  	s8 =	simm.s32 $0x0  }
0x15d: {  	v6 =	vld.idx.msk [tilespmem:v10+s8+$0x70 ss:$0x1], $0xffff  }
0x15e: {  	v7 =	vld.idx.msk [tilespmem:v9+s8+$0x70 ss:$0x1], $0xffff  }
0x15f: {  	v12 =	vld.idx.msk [tilespmem:v11+s8+$0x70 ss:$0x1], $0xffff  }
0x160: {  	v13 =	vld.idx.msk [tilespmem:v8+s8+$0x70 ss:$0x1], $0xffff  }
0x161: {  	v14 =	vld.idx.msk [tilespmem:v10+s8+$0x60 ss:$0x1], $0xffff  }
0x162: {  	v15 =	vld.idx.msk [tilespmem:v9+s8+$0x60 ss:$0x1], $0xffff  }
0x163: {  	v16 =	vld.idx.msk [tilespmem:v11+s8+$0x60 ss:$0x1], $0xffff  }
0x164: {  	v17 =	vld.idx.msk [tilespmem:v8+s8+$0x60 ss:$0x1], $0xffff  }
0x165: {  	v18 =	vld.idx.msk [tilespmem:v10+s8+$0x50 ss:$0x1], $0xffff  }
0x166: {  	v19 =	vld.idx.msk [tilespmem:v9+s8+$0x50 ss:$0x1], $0xffff  }
0x167: {  	v20 =	vld.idx.msk [tilespmem:v11+s8+$0x50 ss:$0x1], $0xffff  }
0x168: {  	v21 =	vld.idx.msk [tilespmem:v8+s8+$0x50 ss:$0x1], $0xffff  }
0x169: {  	v22 =	vld.idx.msk [tilespmem:v10+s8+$0x40 ss:$0x1], $0xffff  }
0x16a: {  	v23 =	vld.idx.msk [tilespmem:v9+s8+$0x40 ss:$0x1], $0xffff  }
0x16b: {  	v24 =	vld.idx.msk [tilespmem:v11+s8+$0x40 ss:$0x1], $0xffff  }
0x16c: {  	v25 =	vld.idx.msk [tilespmem:v8+s8+$0x40 ss:$0x1], $0xffff  }
0x16d: {  	v26 =	vld.idx.msk [tilespmem:v10+s8+$0x30 ss:$0x1], $0xffff  }
0x16e: {  	v27 =	vld.idx.msk [tilespmem:v9+s8+$0x30 ss:$0x1], $0xffff  }
0x16f: {  	v28 =	vld.idx.msk [tilespmem:v11+s8+$0x30 ss:$0x1], $0xffff  }
0x170: {  	v29 =	vld.idx.msk [tilespmem:v8+s8+$0x30 ss:$0x1], $0xffff  }
0x171: {  	v30 =	vld.idx.msk [tilespmem:v10+s8+$0x20 ss:$0x1], $0xffff  }
0x172: {  	v31 =	vld.idx.msk [tilespmem:v9+s8+$0x20 ss:$0x1], $0xffff  }
0x173: {  	v32 =	vld.idx.msk [tilespmem:v11+s8+$0x20 ss:$0x1], $0xffff  }
0x174: {  	v33 =	vld.idx.msk [tilespmem:v8+s8+$0x20 ss:$0x1], $0xffff  }
0x175: {  	v36 =	vld.idx.msk [tilespmem:v10+s8+$0x10 ss:$0x1], $0xffff;
	v34 =	vmul.f32 v12, v6  }
0x176: {  	v37 =	vld.idx.msk [tilespmem:v11+s8+$0x10 ss:$0x1], $0xffff;
	v35 =	vmul.f32 v13, v7;
	v13 =	vmul.f32 v13, v6  }
0x177: {  	s22 =	simm.s32 $0x80;
	v39 =	vld.idx.msk [tilespmem:v10+s8+$0x0 ss:$0x1], $0xffff;
	v38 =	vmul.f32 v16, v14;
	v12 =	vmul.f32 v12, v7  }
0x178: {  	v57 =	vld.idx.msk [tilespmem:v10+s22+$0x70 ss:$0x1], $0xffff;
	v40 =	vmul.f32 v17, v15;
	v14 =	vmul.f32 v17, v14  }
0x179: {  	v58 =	vld.idx.msk [tilespmem:v11+s22+$0x70 ss:$0x1], $0xffff;
	v41 =	vmul.f32 v20, v18;
	v15 =	vmul.f32 v16, v15  }
0x17a: {  	v17 =	vld.idx.msk [tilespmem:v9+s8+$0x0 ss:$0x1], $0xffff;
	v42 =	vmul.f32 v21, v19;
	v18 =	vmul.f32 v21, v18  }
0x17b: {  	v6 =	vmov s20;
	v16 =	vld.idx.msk [tilespmem:v11+s8+$0x0 ss:$0x1], $0xffff;
	v43 =	vmul.f32 v24, v22;
	v19 =	vmul.f32 v20, v19  }
0x17c: {  	v7 =	vmov s11;
	v21 =	vld.idx.msk [tilespmem:v8+s8+$0x0 ss:$0x1], $0xffff;
	v44 =	vmul.f32 v25, v23;
	v22 =	vmul.f32 v25, v22  }
0x17d: {  	v20 =	vld.idx.msk [tilespmem:v9+s8+$0x10 ss:$0x1], $0xffff;
	v45 =	vmul.f32 v28, v26;
	v23 =	vmul.f32 v24, v23  }
0x17e: {  	v25 =	vld.idx.msk [tilespmem:v8+s8+$0x10 ss:$0x1], $0xffff;
	v24 =	vmul.f32 v29, v27;
	v26 =	vmul.f32 v29, v26  }
0x17f: {  	v59 =	vld.idx.msk [tilespmem:v9+s22+$0x50 ss:$0x1], $0xffff;
	v47 =	vmul.f32 v32, v30;
	v27 =	vmul.f32 v28, v27  }
0x180: {  	v48 =	vmul.f32 v37, v36;
	v49 =	vmul.f32 v33, v31;
	v46 =	vld.idx.msk [tilespmem:v6+s8+$0x0 ss:$0x1], $0xffff  }
0x181: {  	v28 =	vld.idx.msk [tilespmem:v7+s8+$0x0 ss:$0x1], $0xffff;
	v50 =	vmul.f32 v16, v39;
	v51 =	vmul.f32 v21, v17  }
0x182: {  	v52 =	vld.idx.msk [tilespmem:v6+s8+$0x10 ss:$0x1], $0xffff;
	v21 =	vmul.f32 v21, v39;
	v16 =	vmul.f32 v16, v17  }
0x183: {  	v17 =	vld.idx.msk [tilespmem:v7+s8+$0x10 ss:$0x1], $0xffff;
	v62 =	vmul.f32 v25, v20;
	v25 =	vmul.f32 v25, v36  }
0x184: {  	v63 =	vld.idx.msk [tilespmem:v6+s8+$0x20 ss:$0x1], $0xffff;
	v20 =	vmul.f32 v37, v20;
	v50 =	vadd.f32 v51, v50;
	v16 =	vsub.f32 v21, v16  }
0x185: {  	v30 =	vmul.f32 v33, v30;
	v31 =	vmul.f32 v32, v31;
	v21 =	vld.idx.msk [tilespmem:v7+s8+$0x20 ss:$0x1], $0xffff;
	v53 =	vadd.f32 v62, v48  }
0x186: {  	v54 =	vld.idx.msk [tilespmem:v6+s8+$0x30 ss:$0x1], $0xffff;
	v20 =	vsub.f32 v25, v20;
	v55 =	vmul.f32 v50, v46;
	v16 =	vmul.f32 v16, v28  }
0x187: {  	v56 =	vadd.f32 v49, v47;
	v30 =	vsub.f32 v30, v31;
	v25 =	vld.idx.msk [tilespmem:v7+s8+$0x30 ss:$0x1], $0xffff;
	v28 =	vmul.f32 v53, v52  }
0x188: {  	v31 =	vld.idx.msk [tilespmem:v6+s8+$0x40 ss:$0x1], $0xffff;
	v17 =	vmul.f32 v20, v17;
	v33 =	vadd.f32 $0.0e+00, v55;
	v16 =	vadd.f32 $0.0e+00, v16  }
0x189: {  	v24 =	vadd.f32 v24, v45;
	v26 =	vsub.f32 v26, v27;
	v20 =	vld.idx.msk [tilespmem:v7+s8+$0x40 ss:$0x1], $0xffff;
	v36 =	vmul.f32 v56, v63  }
0x18a: {  	v27 =	vld.idx.msk [tilespmem:v6+s8+$0x50 ss:$0x1], $0xffff;
	v28 =	vadd.f32 v28, v33;
	v16 =	vadd.f32 v17, v16;
	v17 =	vmul.f32 v30, v21  }
0x18b: {  	v22 =	vsub.f32 v22, v23;
	v24 =	vmul.f32 v24, v54;
	v21 =	vld.idx.msk [tilespmem:v7+s8+$0x50 ss:$0x1], $0xffff;
	v30 =	vadd.f32 v44, v43  }
0x18c: {  	v23 =	vld.idx.msk [tilespmem:v6+s8+$0x60 ss:$0x1], $0xffff;
	v28 =	vadd.f32 v36, v28;
	v16 =	vadd.f32 v17, v16;
	v17 =	vmul.f32 v26, v25  }
0x18d: {  	v18 =	vsub.f32 v18, v19;
	v25 =	vld.idx.msk [tilespmem:v7+s8+$0x60 ss:$0x1], $0xffff;
	v26 =	vmul.f32 v30, v31;
	v30 =	vadd.f32 v42, v41  }
0x18e: {  	v19 =	vld.idx.msk [tilespmem:v7+s8+$0x70 ss:$0x1], $0xffff;
	v24 =	vadd.f32 v24, v28;
	v16 =	vadd.f32 v17, v16;
	v17 =	vmul.f32 v22, v20  }
0x18f: {  	v14 =	vsub.f32 v14, v15;
	v29 =	vld.idx.msk [tilespmem:v6+s8+$0x70 ss:$0x1], $0xffff;
	v22 =	vmul.f32 v30, v27;
	v27 =	vadd.f32 v40, v38  }
0x190: {  	v60 =	vld.idx.msk [tilespmem:v11+s22+$0x50 ss:$0x1], $0xffff;
	v15 =	vadd.f32 v26, v24;
	v16 =	vadd.f32 v17, v16;
	v17 =	vmul.f32 v18, v21  }
0x191: {  	v61 =	vld.idx.msk [tilespmem:v8+s22+$0x50 ss:$0x1], $0xffff;
	v12 =	vsub.f32 v13, v12;
	v21 =	vmul.f32 v27, v23;
	v23 =	vadd.f32 v35, v34  }
0x192: {  	v32 =	vld.idx.msk [tilespmem:v11+s22+$0x40 ss:$0x1], $0xffff;
	v14 =	vmul.f32 v14, v25;
	v13 =	vadd.f32 v22, v15;
	v15 =	vadd.f32 v17, v16  }
0x193: {  	v39 =	vld.idx.msk [tilespmem:v8+s22+$0x30 ss:$0x1], $0xffff;
	v12 =	vmul.f32 v12, v19  }
0x194: {  	v37 =	vld.idx.msk [tilespmem:v11+s22+$0x10 ss:$0x1], $0xffff;
	v16 =	vmul.f32 v23, v29;
	v13 =	vadd.f32 v21, v13;
	v14 =	vadd.f32 v14, v15  }
0x195: {  	v19 =	vld.idx.msk [tilespmem:v8+s22+$0x60 ss:$0x1], $0xffff  }
0x196: {  	v33 =	vld.idx.msk [tilespmem:v9+s22+$0x30 ss:$0x1], $0xffff;
	v13 =	vadd.f32 v16, v13;
	v12 =	vadd.f32 v12, v14  }
0x197: {  	v43 =	vld.idx.msk [tilespmem:v8+s22+$0x0 ss:$0x1], $0xffff  }
0x198: {  	v31 =	vld.idx.msk [tilespmem:v10+s22+$0x40 ss:$0x1], $0xffff;
	v12 =	vadd.f32 v12, v13  }
0x199: {  	v36 =	vld.idx.msk [tilespmem:v10+s22+$0x10 ss:$0x1], $0xffff  }
0x19a: {  	v41 =	vld.idx.msk [tilespmem:v9+s22+$0x0 ss:$0x1], $0xffff;
	v13 =	vperm.xlane v12, v0  }
0x19b: {  	v42 =	vld.idx.msk [tilespmem:v11+s22+$0x0 ss:$0x1], $0xffff  }
0x19c: {  	v20 =	vld.idx.msk [tilespmem:v9+s22+$0x70 ss:$0x1], $0xffff;
	v12 =	vadd.f32 v12, v13  }
0x19d: {  	v30 =	vld.idx.msk [tilespmem:v9+s22+$0x40 ss:$0x1], $0xffff  }
0x19e: {  	v18 =	vld.idx.msk [tilespmem:v8+s22+$0x70 ss:$0x1], $0xffff;
	v13 =	vperm.xlane v12, v1  }
0x19f: {  	v24 =	vld.idx.msk [tilespmem:v10+s22+$0x60 ss:$0x1], $0xffff  }
0x1a0: {  	v23 =	vld.idx.msk [tilespmem:v11+s22+$0x60 ss:$0x1], $0xffff;
	v12 =	vadd.f32 v12, v13  }
0x1a1: {  	v22 =	vld.idx.msk [tilespmem:v9+s22+$0x60 ss:$0x1], $0xffff  }
0x1a2: {  	v38 =	vld.idx.msk [tilespmem:v8+s22+$0x40 ss:$0x1], $0xffff;
	v13 =	vperm.xlane v12, v2  }
0x1a3: {  	v29 =	vld.idx.msk [tilespmem:v10+s22+$0x50 ss:$0x1], $0xffff  }
0x1a4: {  	v28 =	vld.idx.msk [tilespmem:v8+s22+$0x20 ss:$0x1], $0xffff;
	v15 =	vmul.f32 v18, v57;
	v14 =	vmul.f32 v18, v20;
	v12 =	vadd.f32 v12, v13  }
0x1a5: {  	v40 =	vld.idx.msk [tilespmem:v10+s22+$0x0 ss:$0x1], $0xffff;
	v16 =	vmul.f32 v58, v20;
	v17 =	vmul.f32 v23, v24  }
0x1a6: {  	v62 =	vimm.f32 $0.0e+00;
	v34 =	vld.idx.msk [tilespmem:v10+s22+$0x30 ss:$0x1], $0xffff;
	v18 =	vmul.f32 v19, v22;
	v21 =	vperm.xlane v12, v3  }
0x1a7: {  	v63 =	vmov s15;
	v35 =	vld.idx.msk [tilespmem:v11+s22+$0x30 ss:$0x1], $0xffff;
	v19 =	vmul.f32 v19, v24;
	v20 =	vmul.f32 v23, v22  }
0x1a8: {  	v27 =	vld.idx.msk [tilespmem:v11+s22+$0x20 ss:$0x1], $0xffff;
	v22 =	vmul.f32 v61, v59;
	v23 =	vmul.f32 v61, v29;
	v12 =	vadd.f32 v12, v21  }
0x1a9: {  	vm0 =	veq.s32 v63, v4;
	v25 =	vld.idx.msk [tilespmem:v10+s22+$0x20 ss:$0x1], $0xffff;
	v24 =	vmul.f32 v60, v59;
	v13 =	vmul.f32 v58, v57  }
0x1aa: {  	s12 =	simm.s32 $0x0;
	s8 =	simm.s32 $0x400;
	v26 =	vld.idx.msk [tilespmem:v9+s22+$0x20 ss:$0x1], $0xffff;
	v21 =	vmul.f32 v60, v29;
	v29 =	vmul.f32 v32, v31;
	v12 =	vsel vm0, v12, v62  }
.LBB2_8:
0x1ab: {  	p3 =	sne.s32 s8, $0x1E00;
	v44 =	vld.idx.msk [tilespmem:v9+s22+$0x10 ss:$0x1], $0xffff;
	v45 =	vmul.f32 v38, v30;
	v31 =	vmul.f32 v38, v31  }
0x1ac: {  	v46 =	vmul.f32 v35, v34;
	v30 =	vmul.f32 v32, v30;
	v38 =	vld.idx.msk [tilespmem:v8+s22+$0x10 ss:$0x1], $0xffff  }
0x1ad: {  	v32 =	vmul.f32 v39, v33;
	v34 =	vmul.f32 v39, v34;
	v39 =	vld.idx.msk [tilespmem:v6+s22+$0x70 ss:$0x1], $0xffff  }
0x1ae: {  	v48 =	vmul.f32 v27, v25;
	v33 =	vmul.f32 v35, v33;
	v47 =	vld.idx.msk [tilespmem:v6+s22+$0x0 ss:$0x1], $0xffff  }
0x1af: {  	v49 =	vmul.f32 v37, v36;
	v50 =	vmul.f32 v28, v26;
	v35 =	vld.idx.msk [tilespmem:v7+s22+$0x0 ss:$0x1], $0xffff  }
0x1b0: {  	v51 =	vmul.f32 v42, v40;
	v52 =	vmul.f32 v43, v41;
	v53 =	vld.idx.msk [tilespmem:v6+s22+$0x10 ss:$0x1], $0xffff  }
0x1b1: {  	v40 =	vmul.f32 v43, v40;
	v41 =	vmul.f32 v42, v41;
	v42 =	vld.idx.msk [tilespmem:v7+s22+$0x10 ss:$0x1], $0xffff  }
0x1b2: {  	v43 =	vmul.f32 v38, v44;
	v36 =	vmul.f32 v38, v36;
	v38 =	vld.idx.msk [tilespmem:v6+s22+$0x20 ss:$0x1], $0xffff  }
0x1b3: {  	v37 =	vmul.f32 v37, v44;
	v51 =	vadd.f32 v52, v51;
	v40 =	vsub.f32 v40, v41;
	v41 =	vld.idx.msk [tilespmem:v7+s22+$0x20 ss:$0x1], $0xffff  }
0x1b4: {  	v25 =	vmul.f32 v28, v25;
	v26 =	vmul.f32 v27, v26;
	v43 =	vadd.f32 v43, v49;
	v27 =	vld.idx.msk [tilespmem:v6+s22+$0x30 ss:$0x1], $0xffff  }
0x1b5: {  	v28 =	vmul.f32 v51, v47;
	v36 =	vsub.f32 v36, v37;
	v35 =	vmul.f32 v40, v35;
	v37 =	vld.idx.msk [tilespmem:v7+s22+$0x30 ss:$0x1], $0xffff  }
0x1b6: {  	v25 =	vsub.f32 v25, v26;
	v40 =	vmul.f32 v43, v53;
	v43 =	vadd.f32 v50, v48;
	v26 =	vld.idx.msk [tilespmem:v6+s22+$0x40 ss:$0x1], $0xffff  }
0x1b7: {  	v28 =	vadd.f32 $0.0e+00, v28;
	v35 =	vadd.f32 $0.0e+00, v35;
	v36 =	vmul.f32 v36, v42;
	v42 =	vld.idx.msk [tilespmem:v7+s22+$0x40 ss:$0x1], $0xffff  }
0x1b8: {  	v32 =	vadd.f32 v32, v46;
	v33 =	vsub.f32 v34, v33;
	v38 =	vmul.f32 v43, v38;
	v34 =	vld.idx.msk [tilespmem:v6+s22+$0x50 ss:$0x1], $0xffff  }
0x1b9: {  	v28 =	vadd.f32 v40, v28;
	v35 =	vadd.f32 v36, v35;
	v25 =	vmul.f32 v25, v41;
	v36 =	vld.idx.msk [tilespmem:v7+s22+$0x50 ss:$0x1], $0xffff  }
0x1ba: {  	v29 =	vadd.f32 v45, v29;
	v30 =	vsub.f32 v31, v30;
	v27 =	vmul.f32 v32, v27;
	v31 =	vld.idx.msk [tilespmem:v6+s22+$0x60 ss:$0x1], $0xffff  }
0x1bb: {  	v28 =	vadd.f32 v38, v28;
	v25 =	vadd.f32 v25, v35;
	v32 =	vmul.f32 v33, v37;
	v33 =	vld.idx.msk [tilespmem:v7+s22+$0x60 ss:$0x1], $0xffff  }
0x1bc: {  	v21 =	vadd.f32 v22, v21;
	v22 =	vsub.f32 v23, v24;
	v26 =	vmul.f32 v29, v26;
	v23 =	vld.idx.msk [tilespmem:v7+s22+$0x70 ss:$0x1], $0xffff;
	s22 =	sshra.s32 s8, $0x2  }
0x1bd: {  	v27 =	vadd.f32 v27, v28;
	v25 =	vadd.f32 v32, v25;
	v28 =	vmul.f32 v30, v42;
	v24 =	vld.idx.msk [tilespmem:v10+s22+$0x70 ss:$0x1], $0xffff  }
0x1be: {  	v17 =	vadd.f32 v18, v17;
	v18 =	vsub.f32 v19, v20;
	v21 =	vmul.f32 v21, v34;
	v29 =	vld.idx.msk [tilespmem:v9+s22+$0x70 ss:$0x1], $0xffff  }
0x1bf: {  	v20 =	vadd.f32 v26, v27;
	v25 =	vadd.f32 v28, v25;
	v22 =	vmul.f32 v22, v36;
	v19 =	vld.idx.msk [tilespmem:v11+s22+$0x70 ss:$0x1], $0xffff  }
0x1c0: {  	v13 =	vadd.f32 v14, v13;
	v14 =	vsub.f32 v15, v16;
	v17 =	vmul.f32 v17, v31;
	v37 =	vld.idx.msk [tilespmem:v8+s22+$0x70 ss:$0x1], $0xffff  }
0x1c1: {  	v15 =	vadd.f32 v21, v20;
	v16 =	vadd.f32 v22, v25;
	v18 =	vmul.f32 v18, v33;
	v41 =	vld.idx.msk [tilespmem:v10+s22+$0x60 ss:$0x1], $0xffff  }
0x1c2: {  	v13 =	vmul.f32 v13, v39;
	v20 =	vld.idx.msk [tilespmem:v9+s22+$0x60 ss:$0x1], $0xffff  }
0x1c3: {  	v15 =	vadd.f32 v17, v15;
	v14 =	vmul.f32 v14, v23;
	v16 =	vadd.f32 v18, v16;
	v22 =	vld.idx.msk [tilespmem:v11+s22+$0x60 ss:$0x1], $0xffff  }
0x1c4: {  	v21 =	vld.idx.msk [tilespmem:v8+s22+$0x60 ss:$0x1], $0xffff  }
0x1c5: {  	v13 =	vadd.f32 v13, v15;
	v14 =	vadd.f32 v14, v16;
	v23 =	vld.idx.msk [tilespmem:v10+s22+$0x50 ss:$0x1], $0xffff  }
0x1c6: {  	v44 =	vld.idx.msk [tilespmem:v9+s22+$0x50 ss:$0x1], $0xffff  }
0x1c7: {  	v13 =	vadd.f32 v14, v13;
	v45 =	vld.idx.msk [tilespmem:v11+s22+$0x50 ss:$0x1], $0xffff  }
0x1c8: {  	v43 =	vld.idx.msk [tilespmem:v8+s22+$0x50 ss:$0x1], $0xffff  }
0x1c9: {  	v14 =	vperm.xlane v13, v0;
	v31 =	vld.idx.msk [tilespmem:v10+s22+$0x40 ss:$0x1], $0xffff  }
0x1ca: {  	v30 =	vld.idx.msk [tilespmem:v9+s22+$0x40 ss:$0x1], $0xffff  }
0x1cb: {  	v13 =	vadd.f32 v13, v14;
	v32 =	vld.idx.msk [tilespmem:v11+s22+$0x40 ss:$0x1], $0xffff  }
0x1cc: {  	v38 =	vld.idx.msk [tilespmem:v8+s22+$0x40 ss:$0x1], $0xffff  }
0x1cd: {  	v14 =	vperm.xlane v13, v1;
	v34 =	vld.idx.msk [tilespmem:v10+s22+$0x30 ss:$0x1], $0xffff  }
0x1ce: {  	v33 =	vld.idx.msk [tilespmem:v9+s22+$0x30 ss:$0x1], $0xffff  }
0x1cf: {  	v13 =	vadd.f32 v13, v14;
	v35 =	vld.idx.msk [tilespmem:v11+s22+$0x30 ss:$0x1], $0xffff  }
0x1d0: {  	v39 =	vld.idx.msk [tilespmem:v8+s22+$0x30 ss:$0x1], $0xffff  }
0x1d1: {  	v14 =	vperm.xlane v13, v2;
	v25 =	vld.idx.msk [tilespmem:v10+s22+$0x20 ss:$0x1], $0xffff  }
0x1d2: {  	v26 =	vld.idx.msk [tilespmem:v9+s22+$0x20 ss:$0x1], $0xffff  }
0x1d3: {  	v42 =	vadd.f32 v13, v14;
	v27 =	vld.idx.msk [tilespmem:v11+s22+$0x20 ss:$0x1], $0xffff  }
0x1d4: {  	v13 =	vmul.f32 v19, v24;
	v14 =	vmul.f32 v37, v29;
	v28 =	vld.idx.msk [tilespmem:v8+s22+$0x20 ss:$0x1], $0xffff  }
0x1d5: {  	s12 =	sadd.s32 $0x1, s12;
	v15 =	vmul.f32 v37, v24;
	v24 =	vperm.xlane v42, v3;
	v36 =	vld.idx.msk [tilespmem:v10+s22+$0x10 ss:$0x1], $0xffff  }
.Ltmp2:
0x1d6: {  	v16 =	vmul.f32 v19, v29;
	v17 =	vmul.f32 v22, v41;
	v29 =	vmov s12;
	v37 =	vld.idx.msk [tilespmem:v11+s22+$0x10 ss:$0x1], $0xffff;
	(pc) =	sbr.rel @p3 .LBB2_8-.Ltmp2, $4  }
0x1d7: {  	v18 =	vmul.f32 v21, v20;
	v19 =	vmul.f32 v21, v41;
	v24 =	vadd.f32 v42, v24;
	v40 =	vld.idx.msk [tilespmem:v10+s22+$0x0 ss:$0x1], $0xffff  }
0x1d8: {  	v20 =	vmul.f32 v22, v20;
	v21 =	vmul.f32 v45, v23;
	vm0 =	veq.s32 v29, v4;
	v41 =	vld.idx.msk [tilespmem:v9+s22+$0x0 ss:$0x1], $0xffff  }
0x1d9: {  	v22 =	vmul.f32 v43, v44;
	v23 =	vmul.f32 v43, v23;
	v12 =	vsel vm0, v24, v12;
	v42 =	vld.idx.msk [tilespmem:v11+s22+$0x0 ss:$0x1], $0xffff  }
0x1da: {  	s8 =	sadd.s32 $0x200, s8;
	v29 =	vmul.f32 v32, v31;
	v24 =	vmul.f32 v45, v44;
	v43 =	vld.idx.msk [tilespmem:v8+s22+$0x0 ss:$0x1], $0xffff  }
0x1db: {  	_ =	sdelay $0x2  }
0x1dc: {  	v10 =	vmul.f32 v38, v30;
	v11 =	vmul.f32 v38, v31  }
0x1dd: {  	v9 =	vld.idx.msk [tilespmem:v9+s22+$0x10 ss:$0x1], $0xffff;
	v31 =	vmul.f32 v35, v34;
	v30 =	vmul.f32 v32, v30  }
0x1de: {  	v8 =	vld.idx.msk [tilespmem:v8+s22+$0x10 ss:$0x1], $0xffff;
	v32 =	vmul.f32 v39, v33;
	v34 =	vmul.f32 v39, v34  }
0x1df: {  	v38 =	vmul.f32 v27, v25;
	v52 =	vmul.f32 v35, v33  }
0x1e0: {  	v53 =	vld.idx.msk [tilespmem:v6+s22+$0x0 ss:$0x1], $0xffff;
	v54 =	vmul.f32 v37, v36;
	v44 =	vmul.f32 v28, v26  }
0x1e1: {  	v45 =	vld.idx.msk [tilespmem:v7+s22+$0x0 ss:$0x1], $0xffff;
	v46 =	vmul.f32 v42, v40;
	v56 =	vmul.f32 v42, v41  }
0x1e2: {  	v48 =	vld.idx.msk [tilespmem:v6+s22+$0x10 ss:$0x1], $0xffff;
	v47 =	vmul.f32 v43, v41;
	v55 =	vmul.f32 v43, v40  }
0x1e3: {  	v57 =	vld.idx.msk [tilespmem:v7+s22+$0x10 ss:$0x1], $0xffff;
	v58 =	vmul.f32 v8, v9;
	v8 =	vmul.f32 v8, v36  }
0x1e4: {  	v59 =	vld.idx.msk [tilespmem:v6+s22+$0x20 ss:$0x1], $0xffff;
	v9 =	vmul.f32 v37, v9;
	v46 =	vadd.f32 v47, v46;
	v40 =	vsub.f32 v55, v56  }
0x1e5: {  	v60 =	vld.idx.msk [tilespmem:v7+s22+$0x20 ss:$0x1], $0xffff;
	v61 =	vmul.f32 v28, v25;
	v62 =	vmul.f32 v27, v26;
	v39 =	vadd.f32 v58, v54  }
0x1e6: {  	v63 =	vld.idx.msk [tilespmem:v6+s22+$0x30 ss:$0x1], $0xffff;
	v8 =	vsub.f32 v8, v9;
	v43 =	vmul.f32 v46, v53;
	v46 =	vmul.f32 v40, v45  }
0x1e7: {  	v38 =	vadd.f32 v44, v38;
	v25 =	vsub.f32 v61, v62;
	v47 =	vld.idx.msk [tilespmem:v7+s22+$0x30 ss:$0x1], $0xffff;
	v39 =	vmul.f32 v39, v48  }
0x1e8: {  	v49 =	vld.idx.msk [tilespmem:v7+s22+$0x40 ss:$0x1], $0xffff;
	v8 =	vmul.f32 v8, v57;
	v28 =	vadd.f32 $0.0e+00, v43;
	v35 =	vadd.f32 $0.0e+00, v46  }
0x1e9: {  	v31 =	vadd.f32 v32, v31;
	v50 =	vsub.f32 v34, v52;
	v36 =	vmul.f32 v38, v59;
	v48 =	vld.idx.msk [tilespmem:v6+s22+$0x40 ss:$0x1], $0xffff  }
0x1ea: {  	v51 =	vld.idx.msk [tilespmem:v6+s22+$0x50 ss:$0x1], $0xffff;
	v25 =	vmul.f32 v25, v60;
	v28 =	vadd.f32 v39, v28;
	v8 =	vadd.f32 v8, v35  }
0x1eb: {  	v52 =	vld.idx.msk [tilespmem:v7+s22+$0x50 ss:$0x1], $0xffff;
	v10 =	vadd.f32 v10, v29;
	v11 =	vsub.f32 v11, v30;
	v27 =	vmul.f32 v31, v63  }
0x1ec: {  	v54 =	vld.idx.msk [tilespmem:v7+s22+$0x60 ss:$0x1], $0xffff;
	v9 =	vmul.f32 v50, v47;
	v28 =	vadd.f32 v36, v28;
	v8 =	vadd.f32 v25, v8  }
0x1ed: {  	v21 =	vadd.f32 v22, v21;
	v55 =	vsub.f32 v23, v24;
	v53 =	vld.idx.msk [tilespmem:v6+s22+$0x60 ss:$0x1], $0xffff;
	v57 =	vmul.f32 v11, v49  }
0x1ee: {  	v7 =	vld.idx.msk [tilespmem:v7+s22+$0x70 ss:$0x1], $0xffff;
	v10 =	vmul.f32 v10, v48;
	v56 =	vadd.f32 v27, v28;
	v8 =	vadd.f32 v9, v8  }
0x1ef: {  	v17 =	vadd.f32 v18, v17;
	v59 =	vsub.f32 v19, v20;
	v58 =	vmul.f32 v21, v51;
	v6 =	vld.idx.msk [tilespmem:v6+s22+$0x70 ss:$0x1], $0xffff  }
0x1f0: {  	v60 =	vmul.f32 v55, v52;
	v10 =	vadd.f32 v10, v56;
	v8 =	vadd.f32 v57, v8  }
0x1f1: {  	v13 =	vadd.f32 v14, v13;
	v61 =	vsub.f32 v15, v16;
	v62 =	vmul.f32 v59, v54  }
0x1f2: {  	v17 =	vmul.f32 v17, v53;
	v10 =	vadd.f32 v58, v10;
	v8 =	vadd.f32 v60, v8  }
0x1f3: {  	v7 =	vmul.f32 v61, v7  }
0x1f4: {  	v6 =	vmul.f32 v13, v6;
	v10 =	vadd.f32 v17, v10;
	v8 =	vadd.f32 v62, v8;
	_ =	sdelay $0x1  }
0x1f5: {  	v6 =	vadd.f32 v6, v10;
	v7 =	vadd.f32 v7, v8;
	_ =	sdelay $0x1  }
0x1f6: {  	v6 =	vadd.f32 v7, v6;
	_ =	sdelay $0x1  }
0x1f7: {  	v7 =	vperm.xlane v6, v0;
	_ =	sdelay $0x1  }
0x1f8: {  	v6 =	vadd.f32 v6, v7;
	_ =	sdelay $0x1  }
0x1f9: {  	v7 =	vperm.xlane v6, v1;
	_ =	sdelay $0x1  }
0x1fa: {  	v6 =	vadd.f32 v6, v7;
	_ =	sdelay $0x1  }
0x1fb: {  	v7 =	vperm.xlane v6, v2;
	_ =	sdelay $0x1  }
0x1fc: {  	v6 =	vadd.f32 v6, v7;
	_ =	sdelay $0x1  }
0x1fd: {  	v7 =	vperm.xlane v6, v3  }
0x1fe: {  	s8 =	sadd.s32 $0x1, s12  }
0x1ff: {  	v63 =	vmov s8;
	v6 =	vadd.f32 v6, v7  }
0x200: {  	vm0 =	veq.s32 v63, v4  }
0x201: {  	v6 =	vsel vm0, v6, v12  }
0x202: {  	v6 =	vsub.f32 $0.0e+00, v6;
	_ =	sdelay $0x1  }
0x203: {  	v6 =	vmul.f32 $1.442695020e+00, v6;
	_ =	sdelay $0x1  }
0x204: {  	(erf) = vpow2.f32 v6;
	_ =	sdelay $0x8  }
0x205: {  	v6 =	vpop (erf)  }
0x206: {  	v6 =	vadd.f32 $1.000000000e+00, v6;
	_ =	sdelay $0x1  }
0x207: {  	(erf) = vrcp.f32 v6;
	_ =	sdelay $0x3  }
0x208: {  	s24 =	sshll.u32 s21, $0x4;
	s21 =	sadd.s32 $0x1, s21  }
0x209: {  	p3 =	sne.s32 s21, $0x4  }
.Ltmp3:
0x20a: {  	_ = 	snop;
	(pc) =	sbr.rel @p3 .LBB2_7-.Ltmp3, $4  }
0x20b: {  	_ = 	snop  }
0x20c: {  	s16 =	sadd.s32 $0x800, s16  }
0x20d: {  	s17 =	sadd.s32 $0x800, s17;
	s18 =	sadd.s32 $0x800, s18;
	s8 =	sand.u32 $0x3FFFFFF0, s24;
	v6 =	vpop (erf)  }
0x20e: {  	s19 =	sadd.s32 $0x800, s19;
	s20 =	sadd.s32 $0x800, s20;
	s11 =	sadd.s32 $0x800, s11;
	[tilespmem:v5+s8+$0x0 ss:$0x1] =	vst.idx.msk $0xffff, v6  }
0x20f: {  	s14 =	sadd.s32 $0x1, s14  }
0x210: {  	p3 =	sne.s32 s14, $0x4  }
.Ltmp4:
0x211: {  	_ = 	snop;
	(pc) =	sbr.rel @p3 .LBB2_2-.Ltmp4, $1  }
0x212: {  	_ =	sdelay $0x3  }
0x213: {  	s14 =	simm.s32 $0x0  }
0x214: {  	s8 =	rddreg [dreg:$0x15];
	s11 =	simm.s32 $0x18800;
	s23 =	simm.s32 $0x7  }
0x215: {  	[hbm4b:s8+s14] =	stream.linear.scatter [tilespmem:s11], [sflag:$0x7], $0x200, $0x38;
	[tilespmem:$0x1C880] =	vst v63  }
0x216: {  	_ =	swait.ge [sflag:s23], $0x200  }
0x217: {  	s13 =	sadd.s32 $0x1, s13;
	s24 =	rddreg [dreg:$0x16]  }
0x218: {  	p3 =	sne.s32 s13, s24  }
.Ltmp5:
0x219: {  	_ = 	snop;
	(pc) =	sbr.rel @p3 .LBB2_1-.Ltmp5, $3  }
0x21a: {  	_ =	sdelay $0x1  }
0x21b: {  	[sflag:s23] =	ssyncset.done $0x0  }
0x21c: {  	[sflag:s23] =	ssyncadd.s32 $0xFFFFFE00  }
0x21d: {  	_ =	sfence.sel $0x180000  }
0x21e: {  	[bflag:$0x0] =	sbarrier.arrive $0xFFFF  }
0x21f: {  	_ =	strace $0x90000047  }
0x220: {  	s0 =	stileid.u32;
	[bflag:$0x2] =	sbarrier.arrive $0xFFFF  }
0x221: {  	p0 =	sne.s32 s0, $0x0;
	s0 =	rddreg [dreg:$0xa]  }
0x222: {  	s0 =	sadd.s32 @!p0 $0x100000, s0  }
0x223: {  	[sflag:s0] =	ssyncadd.tile.s32 @!p0 $0x1;
	_ =	shalt  }
.Lfunc_end2:
_tile_overlayer_lowered:
.L_overlay_start_2:
0x224: {  	(tag) =	ssettag $0x2  }
0x225: {  	s0 =	rddreg [dreg:$0x0];
	s2 =	stileid.u32  }
0x226: {  	s1 =	rddreg [dreg:$0x1];
	p0 =	sne.s32 s2, $0x0  }
0x227: {  	s3 =	rddreg [dreg:$0x2];
	[bflag:$0x3] =	sbarrier.arrive $0xFFFF;
	s2 =	simm.s32 @!p0 $0x1C07  }
0x228: {  	[timem:s3], [sflag:s2] =	dma.local @!p0 [hbm:s0], s1  }
0x229: {  	s0 =	simm.s32 @!p0 $0x7  }
0x22a: {  	_ =	swait.ge @!p0 [sflag:s0], s1  }
0x22b: {  	s1 =	ssub.s32 @!p0 $0x0, s1;
	[sflag:s0] =	ssyncset.done @!p0 $0x0  }
0x22c: {  	[sflag:s0] =	ssyncadd.s32 @!p0 s1  }
0x22d: {  	[bflag:$0x3] =	sbarrier.arrive $0xFFFF  }
0x22e: {  	_ =	shalt  }

</sc_bundles>
